<compile_context>
chip_gen: v7x
topology: tpu7x:2x2x1
jax: 0.10.2.dev20260603
libtpu: 0.0.44.dev20260713+nightly
codegen_flags: <defaults>
</compile_context>

<pallas_src>
import functools

import jax
import jax.numpy as jnp
from jax import lax
from jax.experimental import pallas as pl
from jax.experimental.pallas import tpu as pltpu
from jax.experimental.pallas import tpu_sc as plsc

S, B, D = 2048, 4, 2048
NW = 32
S_PER_W = S // (NW // B)
K = 16
CK = [8, 8] + [16] * 15
NCH = len(CK)
CS = [sum(CK[:i]) for i in range(NCH)]

_mesh = plsc.VectorSubcoreMesh(core_axis_name="c", subcore_axis_name="s")


@functools.partial(
    pl.kernel,
    mesh=_mesh,
    out_type=jax.ShapeDtypeStruct((S, B, D), jnp.float32),
    scratch_types=[
        pltpu.VMEM((S_PER_W,), jnp.int32),
        pltpu.VMEM((NCH, 32), jnp.int32),
        pltpu.VMEM((K, 1, D), jnp.float32),
        pltpu.VMEM((K, 1, D), jnp.float32),
        pltpu.VMEM((K, 1, D), jnp.float32),
        pltpu.SemaphoreType.DMA,
        pltpu.SemaphoreType.DMA,
        pltpu.SemaphoreType.DMA,
        pltpu.SemaphoreType.DMA,
        pltpu.SemaphoreType.DMA,
        pltpu.SemaphoreType.DMA,
    ],
)
def _sc_gather(perm_hbm, srcf_hbm, out_hbm, perm_v, idx2d, buf0, buf1, buf2,
               sg0, sg1, sg2, ss0, ss1, ss2):
    cid = lax.axis_index("c")
    sid = lax.axis_index("s")
    wid = sid * 2 + cid
    b = wid % B
    s0 = (wid // B) * S_PER_W

    pltpu.sync_copy(perm_hbm.at[b, pl.ds(s0, S_PER_W)], perm_v)

    for i in range(NCH):
        for j in (0, 16):
            if j < CK[i] and CS[i] + j + 16 <= S_PER_W:
                idx2d[i, pl.ds(j, 16)] = perm_v[pl.ds(CS[i] + j, 16)]

    bufs = (buf0, buf1, buf2)
    gsems = (sg0, sg1, sg2)
    ssems = (ss0, ss1, ss2)

    def gather(c):
        p = c % 3
        return pltpu.make_async_copy(
            srcf_hbm.at[idx2d.at[c, pl.ds(0, CK[c])], pl.ds(b, 1)],
            bufs[p].at[pl.ds(0, CK[c])], gsems[p])

    def store(c):
        p = c % 3
        return pltpu.make_async_copy(
            bufs[p].at[pl.ds(0, CK[c])],
            out_hbm.at[pl.ds(s0 + CS[c], CK[c]), pl.ds(b, 1)], ssems[p])

    gather(0).start()
    gather(1).start()
    for c in range(NCH):
        g = c + 2
        if g < NCH:
            if g >= 3:
                store(g - 3).wait()
            gather(g).start()
        gather(c).wait()
        store(c).start()
    store(NCH - 3).wait()
    store(NCH - 2).wait()
    store(NCH - 1).wait()


def kernel(permute, src):
    return _sc_gather(permute, src)

# --- scband reference (transcript-rebuilt; emitter-appended) ---
"""Pipeline reference for scband-seq-dropout-base-75677323756047 (READ-ONLY COPY).

The authoritative reference and input builder live on the scoring server;
editing this copy changes nothing except your own understanding.
"""

import jax, jax.numpy as jnp
import numpy as np


def setup_inputs(seed: int = 0) -> dict:
    key = jax.random.key(seed)
    k1, k2 = jax.random.split(key)
    S, B, D = 2048, 4, 2048
    permute = jax.random.randint(k1, (B, S), 0, S, dtype=jnp.int32)
    src = jax.random.normal(k2, (S, B, D), dtype=jnp.float32)
    return {"permute": permute, "src": src}


def reference(permute, src):
    # F.apply_batch_permute(src, permute, perm_dim=0, batch_dim=1):
    # out[s, b, :] = src[permute[b, s], b, :]
    # permute: [B, S] -> transpose to [S, B], expand to [S, B, 1] for take_along_axis over axis 0.
    idx = jnp.transpose(permute)[:, :, None]  # [S, B, 1]
    src_out = jnp.take_along_axis(src, idx, axis=0)  # [S, B, D]
    return src_out

if __name__ == "__main__":
    import jax
    _d = setup_inputs()
    print(jax.jit(kernel)(*tuple(_d.values())))

</pallas_src>

<mosaic_0001>
#map = affine_map<(d0, d1) -> (0, 0)>
#map1 = affine_map<(d0, d1) -> (0, 0, 0)>
module attributes {stable_mosaic.version = 14 : i64} {
  func.func @_sc_gather(%arg0: i32, %arg1: i32, %arg2: memref<4x2048xi32, #tpu.memory_space<hbm>>, %arg3: memref<2048x4x2048xf32, #tpu.memory_space<hbm>>, %arg4: memref<2048x4x2048xf32, #tpu.memory_space<hbm>>, %arg5: memref<256xi32, #tpu.memory_space<vmem>>, %arg6: memref<17x32xi32, #tpu.memory_space<vmem>>, %arg7: memref<16x1x2048xf32, #tpu.memory_space<vmem>>, %arg8: memref<16x1x2048xf32, #tpu.memory_space<vmem>>, %arg9: memref<16x1x2048xf32, #tpu.memory_space<vmem>>, %arg10: memref<!tpu.dma_semaphore, #tpu.memory_space<semaphore_mem>>, %arg11: memref<!tpu.dma_semaphore, #tpu.memory_space<semaphore_mem>>, %arg12: memref<!tpu.dma_semaphore, #tpu.memory_space<semaphore_mem>>, %arg13: memref<!tpu.dma_semaphore, #tpu.memory_space<semaphore_mem>>, %arg14: memref<!tpu.dma_semaphore, #tpu.memory_space<semaphore_mem>>, %arg15: memref<!tpu.dma_semaphore, #tpu.memory_space<semaphore_mem>>) attributes {dimension_semantics = [#tpu.dimension_semantics<core_parallel>, #tpu.dimension_semantics<subcore_parallel>], iteration_bounds = array<i64: 2, 16>, scalar_prefetch = 0 : i64, scratch_operands = 11 : i64, tpu.core_type = #tpu.core_type<sc_vector_subcore>, window_params = [{transform_indices = #map}, {transform_indices = #map1}, {transform_indices = #map1}]} {
    %mul3A = arith.constant 2 : i32
    %mul3A_0 = arith.muli %arg1, %mul3A : i32
    %add3A = arith.addi %mul3A_0, %arg0 : i32
    %jit3A = arith.constant 4 : i32
    %eq3A = arith.constant 0 : i32
    %eq3A_1 = arith.cmpi eq, %jit3A, %eq3A : i32
    %jit3A_2 = arith.constant 1 : i32
    %select_n3A = arith.select %eq3A_1, %jit3A_2, %jit3A : i32
    %rem3A = arith.remsi %add3A, %select_n3A : i32
    %ne3A = arith.constant 0 : i32
    %ne3A_3 = arith.cmpi ne, %rem3A, %ne3A : i32
    %lt3A = arith.constant 0 : i32
    %lt3A_4 = arith.cmpi slt, %rem3A, %lt3A : i32
    %lt3A_5 = arith.constant 0 : i32
    %lt3A_6 = arith.cmpi slt, %select_n3A, %lt3A_5 : i32
    %ne3A_7 = arith.xori %lt3A_4, %lt3A_6 : i1
    %and3A = arith.andi %ne3A_7, %ne3A_3 : i1
    %add3A_8 = arith.addi %rem3A, %select_n3A : i32
    %select_n3A_9 = arith.select %and3A, %add3A_8, %rem3A : i32
    %jit3A_10 = arith.constant 4 : i32
    %div3A = arith.divsi %add3A, %jit3A_10 : i32
    %sign3A = arith.constant 0 : i32
    %sign3A_11 = arith.cmpi sgt, %add3A, %sign3A : i32
    %sign3A_12 = arith.extui %sign3A_11 : i1 to i32
    %sign3A_13 = arith.constant 0 : i32
    %sign3A_14 = arith.cmpi slt, %add3A, %sign3A_13 : i32
    %sign3A_15 = arith.extui %sign3A_14 : i1 to i32
    %sign3A_16 = arith.subi %sign3A_12, %sign3A_15 : i32
    %sign3A_17 = arith.constant 0 : i32
    %sign3A_18 = arith.cmpi sgt, %jit3A_10, %sign3A_17 : i32
    %sign3A_19 = arith.extui %sign3A_18 : i1 to i32
    %sign3A_20 = arith.constant 0 : i32
    %sign3A_21 = arith.cmpi slt, %jit3A_10, %sign3A_20 : i32
    %sign3A_22 = arith.extui %sign3A_21 : i1 to i32
    %sign3A_23 = arith.subi %sign3A_19, %sign3A_22 : i32
    %ne3A_24 = arith.cmpi ne, %sign3A_16, %sign3A_23 : i32
    %rem3A_25 = arith.remsi %add3A, %jit3A_10 : i32
    %ne3A_26 = arith.constant 0 : i32
    %ne3A_27 = arith.cmpi ne, %rem3A_25, %ne3A_26 : i32
    %and3A_28 = arith.andi %ne3A_24, %ne3A_27 : i1
    %sub3A = arith.constant 1 : i32
    %sub3A_29 = arith.subi %div3A, %sub3A : i32
    %select_n3A_30 = arith.select %and3A_28, %sub3A_29, %div3A : i32
    %mul3A_31 = arith.constant 256 : i32
    %mul3A_32 = arith.muli %select_n3A_30, %mul3A_31 : i32
    "tpu.region"() ({
      %run_scoped3A = tpu.sem_alloc : memref<!tpu.dma_semaphore, #tpu.memory_space<semaphore_mem>>
      %dma_start3A_1032 = tpu.memref_slice %arg2[%select_n3A_9, %mul3A_32] : memref<4x2048xi32, #tpu.memory_space<hbm>> -> memref<1x256xi32, #tpu.memory_space<hbm>>
      %dma_start3A_1033 = tpu.memref_squeeze %dma_start3A_1032 : memref<1x256xi32, #tpu.memory_space<hbm>> -> memref<256xi32, #tpu.memory_space<hbm>>
      %dma_start3A_1034 = tpu.memref_slice %arg2[%select_n3A_9, %mul3A_32] : memref<4x2048xi32, #tpu.memory_space<hbm>> -> memref<1x256xi32, #tpu.memory_space<hbm>>
      %dma_start3A_1035 = tpu.memref_squeeze %dma_start3A_1034 : memref<1x256xi32, #tpu.memory_space<hbm>> -> memref<256xi32, #tpu.memory_space<hbm>>
      tpu.enqueue_dma source(%dma_start3A_1035 : memref<256xi32, #tpu.memory_space<hbm>>) target(%arg5 : memref<256xi32, #tpu.memory_space<vmem>>) target_semaphore(%run_scoped3A : memref<!tpu.dma_semaphore, #tpu.memory_space<semaphore_mem>>)
      %dma_wait3A_1036 = tpu.memref_slice %arg2[%select_n3A_9, %mul3A_32] : memref<4x2048xi32, #tpu.memory_space<hbm>> -> memref<1x256xi32, #tpu.memory_space<hbm>>
      %dma_wait3A_1037 = tpu.memref_squeeze %dma_wait3A_1036 : memref<1x256xi32, #tpu.memory_space<hbm>> -> memref<256xi32, #tpu.memory_space<hbm>>
      %dma_wait3A_1038 = tpu.memref_slice %arg2[%select_n3A_9, %mul3A_32] : memref<4x2048xi32, #tpu.memory_space<hbm>> -> memref<1x256xi32, #tpu.memory_space<hbm>>
      %dma_wait3A_1039 = tpu.memref_squeeze %dma_wait3A_1038 : memref<1x256xi32, #tpu.memory_space<hbm>> -> memref<256xi32, #tpu.memory_space<hbm>>
      tpu.wait_dma2 semaphore(%run_scoped3A : memref<!tpu.dma_semaphore, #tpu.memory_space<semaphore_mem>>) src(%dma_wait3A_1039 : memref<256xi32, #tpu.memory_space<hbm>>) dst(%arg5 : memref<256xi32, #tpu.memory_space<vmem>>)
      tpu.yield
    }) : () -> ()
    %get3A = arith.constant 0 : index
    %get3A_33 = tpu.vector_load %arg5[%get3A] {strides = array<i32>} : memref<256xi32, #tpu.memory_space<vmem>>, vector<16xi32>,
    %get3A_34 = vector.shape_cast %get3A_33 : vector<16xi32> to vector<16xi32>
    %swap3A = arith.constant 0 : i32
    %swap3A_35 = arith.index_cast %swap3A : i32 to index
    %swap3A_36 = arith.constant 0 : index
    %swap3A_37 = tpu.vector_load %arg6[%swap3A_35, %swap3A_36] {strides = array<i32>} : memref<17x32xi32, #tpu.memory_space<vmem>>, vector<1x16xi32>,
    %swap3A_38 = vector.shape_cast %swap3A_37 : vector<1x16xi32> to vector<16xi32>
    %swap3A_39 = vector.shape_cast %get3A_34 : vector<16xi32> to vector<1x16xi32>
    tpu.vector_store %arg6[%swap3A_35, %swap3A_36], %swap3A_39 {strides = array<i32>} : memref<17x32xi32, #tpu.memory_space<vmem>>, vector<1x16xi32>,
    %get3A_40 = arith.constant 8 : index
    %get3A_41 = tpu.vector_load %arg5[%get3A_40] {strides = array<i32>} : memref<256xi32, #tpu.memory_space<vmem>>, vector<16xi32>,
    %get3A_42 = vector.shape_cast %get3A_41 : vector<16xi32> to vector<16xi32>
    %swap3A_43 = arith.constant 1 : i32
    %swap3A_44 = arith.index_cast %swap3A_43 : i32 to index
    %swap3A_45 = arith.constant 0 : index
    %swap3A_46 = tpu.vector_load %arg6[%swap3A_44, %swap3A_45] {strides = array<i32>} : memref<17x32xi32, #tpu.memory_space<vmem>>, vector<1x16xi32>,
    %swap3A_47 = vector.shape_cast %swap3A_46 : vector<1x16xi32> to vector<16xi32>
    %swap3A_48 = vector.shape_cast %get3A_42 : vector<16xi32> to vector<1x16xi32>
    tpu.vector_store %arg6[%swap3A_44, %swap3A_45], %swap3A_48 {strides = array<i32>} : memref<17x32xi32, #tpu.memory_space<vmem>>, vector<1x16xi32>,
    %get3A_49 = arith.constant 16 : index
    %get3A_50 = tpu.vector_load %arg5[%get3A_49] {strides = array<i32>} : memref<256xi32, #tpu.memory_space<vmem>>, vector<16xi32>,
    %get3A_51 = vector.shape_cast %get3A_50 : vector<16xi32> to vector<16xi32>
    %swap3A_52 = arith.constant 2 : i32
    %swap3A_53 = arith.index_cast %swap3A_52 : i32 to index
    %swap3A_54 = arith.constant 0 : index
    %swap3A_55 = tpu.vector_load %arg6[%swap3A_53, %swap3A_54] {strides = array<i32>} : memref<17x32xi32, #tpu.memory_space<vmem>>, vector<1x16xi32>,
    %swap3A_56 = vector.shape_cast %swap3A_55 : vector<1x16xi32> to vector<16xi32>
    %swap3A_57 = vector.shape_cast %get3A_51 : vector<16xi32> to vector<1x16xi32>
    tpu.vector_store %arg6[%swap3A_53, %swap3A_54], %swap3A_57 {strides = array<i32>} : memref<17x32xi32, #tpu.memory_space<vmem>>, vector<1x16xi32>,
    %get3A_58 = arith.constant 32 : index
    %get3A_59 = tpu.vector_load %arg5[%get3A_58] {strides = array<i32>} : memref<256xi32, #tpu.memory_space<vmem>>, vector<16xi32>,
    %get3A_60 = vector.shape_cast %get3A_59 : vector<16xi32> to vector<16xi32>
    %swap3A_61 = arith.constant 3 : i32
    %swap3A_62 = arith.index_cast %swap3A_61 : i32 to index
    %swap3A_63 = arith.constant 0 : index
    %swap3A_64 = tpu.vector_load %arg6[%swap3A_62, %swap3A_63] {strides = array<i32>} : memref<17x32xi32, #tpu.memory_space<vmem>>, vector<1x16xi32>,
    %swap3A_65 = vector.shape_cast %swap3A_64 : vector<1x16xi32> to vector<16xi32>
    %swap3A_66 = vector.shape_cast %get3A_60 : vector<16xi32> to vector<1x16xi32>
    tpu.vector_store %arg6[%swap3A_62, %swap3A_63], %swap3A_66 {strides = array<i32>} : memref<17x32xi32, #tpu.memory_space<vmem>>, vector<1x16xi32>,
    %get3A_67 = arith.constant 48 : index
    %get3A_68 = tpu.vector_load %arg5[%get3A_67] {strides = array<i32>} : memref<256xi32, #tpu.memory_space<vmem>>, vector<16xi32>,
    %get3A_69 = vector.shape_cast %get3A_68 : vector<16xi32> to vector<16xi32>
    %swap3A_70 = arith.constant 4 : i32
    %swap3A_71 = arith.index_cast %swap3A_70 : i32 to index
    %swap3A_72 = arith.constant 0 : index
    %swap3A_73 = tpu.vector_load %arg6[%swap3A_71, %swap3A_72] {strides = array<i32>} : memref<17x32xi32, #tpu.memory_space<vmem>>, vector<1x16xi32>,
    %swap3A_74 = vector.shape_cast %swap3A_73 : vector<1x16xi32> to vector<16xi32>
    %swap3A_75 = vector.shape_cast %get3A_69 : vector<16xi32> to vector<1x16xi32>
    tpu.vector_store %arg6[%swap3A_71, %swap3A_72], %swap3A_75 {strides = array<i32>} : memref<17x32xi32, #tpu.memory_space<vmem>>, vector<1x16xi32>,
    %get3A_76 = arith.constant 64 : index
    %get3A_77 = tpu.vector_load %arg5[%get3A_76] {strides = array<i32>} : memref<256xi32, #tpu.memory_space<vmem>>, vector<16xi32>,
    %get3A_78 = vector.shape_cast %get3A_77 : vector<16xi32> to vector<16xi32>
    %swap3A_79 = arith.constant 5 : i32
    %swap3A_80 = arith.index_cast %swap3A_79 : i32 to index
    %swap3A_81 = arith.constant 0 : index
    %swap3A_82 = tpu.vector_load %arg6[%swap3A_80, %swap3A_81] {strides = array<i32>} : memref<17x32xi32, #tpu.memory_space<vmem>>, vector<1x16xi32>,
    %swap3A_83 = vector.shape_cast %swap3A_82 : vector<1x16xi32> to vector<16xi32>
    %swap3A_84 = vector.shape_cast %get3A_78 : vector<16xi32> to vector<1x16xi32>
    tpu.vector_store %arg6[%swap3A_80, %swap3A_81], %swap3A_84 {strides = array<i32>} : memref<17x32xi32, #tpu.memory_space<vmem>>, vector<1x16xi32>,
    %get3A_85 = arith.constant 80 : index
    %get3A_86 = tpu.vector_load %arg5[%get3A_85] {strides = array<i32>} : memref<256xi32, #tpu.memory_space<vmem>>, vector<16xi32>,
    %get3A_87 = vector.shape_cast %get3A_86 : vector<16xi32> to vector<16xi32>
    %swap3A_88 = arith.constant 6 : i32
    %swap3A_89 = arith.index_cast %swap3A_88 : i32 to index
    %swap3A_90 = arith.constant 0 : index
    %swap3A_91 = tpu.vector_load %arg6[%swap3A_89, %swap3A_90] {strides = array<i32>} : memref<17x32xi32, #tpu.memory_space<vmem>>, vector<1x16xi32>,
    %swap3A_92 = vector.shape_cast %swap3A_91 : vector<1x16xi32> to vector<16xi32>
    %swap3A_93 = vector.shape_cast %get3A_87 : vector<16xi32> to vector<1x16xi32>
    tpu.vector_store %arg6[%swap3A_89, %swap3A_90], %swap3A_93 {strides = array<i32>} : memref<17x32xi32, #tpu.memory_space<vmem>>, vector<1x16xi32>,
    %get3A_94 = arith.constant 96 : index
    %get3A_95 = tpu.vector_load %arg5[%get3A_94] {strides = array<i32>} : memref<256xi32, #tpu.memory_space<vmem>>, vector<16xi32>,
    %get3A_96 = vector.shape_cast %get3A_95 : vector<16xi32> to vector<16xi32>
    %swap3A_97 = arith.constant 7 : i32
    %swap3A_98 = arith.index_cast %swap3A_97 : i32 to index
    %swap3A_99 = arith.constant 0 : index
    %swap3A_100 = tpu.vector_load %arg6[%swap3A_98, %swap3A_99] {strides = array<i32>} : memref<17x32xi32, #tpu.memory_space<vmem>>, vector<1x16xi32>,
    %swap3A_101 = vector.shape_cast %swap3A_100 : vector<1x16xi32> to vector<16xi32>
    %swap3A_102 = vector.shape_cast %get3A_96 : vector<16xi32> to vector<1x16xi32>
    tpu.vector_store %arg6[%swap3A_98, %swap3A_99], %swap3A_102 {strides = array<i32>} : memref<17x32xi32, #tpu.memory_space<vmem>>, vector<1x16xi32>,
    %get3A_103 = arith.constant 112 : index
    %get3A_104 = tpu.vector_load %arg5[%get3A_103] {strides = array<i32>} : memref<256xi32, #tpu.memory_space<vmem>>, vector<16xi32>,
    %get3A_105 = vector.shape_cast %get3A_104 : vector<16xi32> to vector<16xi32>
    %swap3A_106 = arith.constant 8 : i32
    %swap3A_107 = arith.index_cast %swap3A_106 : i32 to index
    %swap3A_108 = arith.constant 0 : index
    %swap3A_109 = tpu.vector_load %arg6[%swap3A_107, %swap3A_108] {strides = array<i32>} : memref<17x32xi32, #tpu.memory_space<vmem>>, vector<1x16xi32>,
    %swap3A_110 = vector.shape_cast %swap3A_109 : vector<1x16xi32> to vector<16xi32>
    %swap3A_111 = vector.shape_cast %get3A_105 : vector<16xi32> to vector<1x16xi32>
    tpu.vector_store %arg6[%swap3A_107, %swap3A_108], %swap3A_111 {strides = array<i32>} : memref<17x32xi32, #tpu.memory_space<vmem>>, vector<1x16xi32>,
    %get3A_112 = arith.constant 128 : index
    %get3A_113 = tpu.vector_load %arg5[%get3A_112] {strides = array<i32>} : memref<256xi32, #tpu.memory_space<vmem>>, vector<16xi32>,
    %get3A_114 = vector.shape_cast %get3A_113 : vector<16xi32> to vector<16xi32>
    %swap3A_115 = arith.constant 9 : i32
    %swap3A_116 = arith.index_cast %swap3A_115 : i32 to index
    %swap3A_117 = arith.constant 0 : index
    %swap3A_118 = tpu.vector_load %arg6[%swap3A_116, %swap3A_117] {strides = array<i32>} : memref<17x32xi32, #tpu.memory_space<vmem>>, vector<1x16xi32>,
    %swap3A_119 = vector.shape_cast %swap3A_118 : vector<1x16xi32> to vector<16xi32>
    %swap3A_120 = vector.shape_cast %get3A_114 : vector<16xi32> to vector<1x16xi32>
    tpu.vector_store %arg6[%swap3A_116, %swap3A_117], %swap3A_120 {strides = array<i32>} : memref<17x32xi32, #tpu.memory_space<vmem>>, vector<1x16xi32>,
    %get3A_121 = arith.constant 144 : index
    %get3A_122 = tpu.vector_load %arg5[%get3A_121] {strides = array<i32>} : memref<256xi32, #tpu.memory_space<vmem>>, vector<16xi32>,
    %get3A_123 = vector.shape_cast %get3A_122 : vector<16xi32> to vector<16xi32>
    %swap3A_124 = arith.constant 10 : i32
    %swap3A_125 = arith.index_cast %swap3A_124 : i32 to index
    %swap3A_126 = arith.constant 0 : index
    %swap3A_127 = tpu.vector_load %arg6[%swap3A_125, %swap3A_126] {strides = array<i32>} : memref<17x32xi32, #tpu.memory_space<vmem>>, vector<1x16xi32>,
    %swap3A_128 = vector.shape_cast %swap3A_127 : vector<1x16xi32> to vector<16xi32>
    %swap3A_129 = vector.shape_cast %get3A_123 : vector<16xi32> to vector<1x16xi32>
    tpu.vector_store %arg6[%swap3A_125, %swap3A_126], %swap3A_129 {strides = array<i32>} : memref<17x32xi32, #tpu.memory_space<vmem>>, vector<1x16xi32>,
    %get3A_130 = arith.constant 160 : index
    %get3A_131 = tpu.vector_load %arg5[%get3A_130] {strides = array<i32>} : memref<256xi32, #tpu.memory_space<vmem>>, vector<16xi32>,
    %get3A_132 = vector.shape_cast %get3A_131 : vector<16xi32> to vector<16xi32>
    %swap3A_133 = arith.constant 11 : i32
    %swap3A_134 = arith.index_cast %swap3A_133 : i32 to index
    %swap3A_135 = arith.constant 0 : index
    %swap3A_136 = tpu.vector_load %arg6[%swap3A_134, %swap3A_135] {strides = array<i32>} : memref<17x32xi32, #tpu.memory_space<vmem>>, vector<1x16xi32>,
    %swap3A_137 = vector.shape_cast %swap3A_136 : vector<1x16xi32> to vector<16xi32>
    %swap3A_138 = vector.shape_cast %get3A_132 : vector<16xi32> to vector<1x16xi32>
    tpu.vector_store %arg6[%swap3A_134, %swap3A_135], %swap3A_138 {strides = array<i32>} : memref<17x32xi32, #tpu.memory_space<vmem>>, vector<1x16xi32>,
    %get3A_139 = arith.constant 176 : index
    %get3A_140 = tpu.vector_load %arg5[%get3A_139] {strides = array<i32>} : memref<256xi32, #tpu.memory_space<vmem>>, vector<16xi32>,
    %get3A_141 = vector.shape_cast %get3A_140 : vector<16xi32> to vector<16xi32>
    %swap3A_142 = arith.constant 12 : i32
    %swap3A_143 = arith.index_cast %swap3A_142 : i32 to index
    %swap3A_144 = arith.constant 0 : index
    %swap3A_145 = tpu.vector_load %arg6[%swap3A_143, %swap3A_144] {strides = array<i32>} : memref<17x32xi32, #tpu.memory_space<vmem>>, vector<1x16xi32>,
    %swap3A_146 = vector.shape_cast %swap3A_145 : vector<1x16xi32> to vector<16xi32>
    %swap3A_147 = vector.shape_cast %get3A_141 : vector<16xi32> to vector<1x16xi32>
    tpu.vector_store %arg6[%swap3A_143, %swap3A_144], %swap3A_147 {strides = array<i32>} : memref<17x32xi32, #tpu.memory_space<vmem>>, vector<1x16xi32>,
    %get3A_148 = arith.constant 192 : index
    %get3A_149 = tpu.vector_load %arg5[%get3A_148] {strides = array<i32>} : memref<256xi32, #tpu.memory_space<vmem>>, vector<16xi32>,
    %get3A_150 = vector.shape_cast %get3A_149 : vector<16xi32> to vector<16xi32>
    %swap3A_151 = arith.constant 13 : i32
    %swap3A_152 = arith.index_cast %swap3A_151 : i32 to index
    %swap3A_153 = arith.constant 0 : index
    %swap3A_154 = tpu.vector_load %arg6[%swap3A_152, %swap3A_153] {strides = array<i32>} : memref<17x32xi32, #tpu.memory_space<vmem>>, vector<1x16xi32>,
    %swap3A_155 = vector.shape_cast %swap3A_154 : vector<1x16xi32> to vector<16xi32>
    %swap3A_156 = vector.shape_cast %get3A_150 : vector<16xi32> to vector<1x16xi32>
    tpu.vector_store %arg6[%swap3A_152, %swap3A_153], %swap3A_156 {strides = array<i32>} : memref<17x32xi32, #tpu.memory_space<vmem>>, vector<1x16xi32>,
    %get3A_157 = arith.constant 208 : index
    %get3A_158 = tpu.vector_load %arg5[%get3A_157] {strides = array<i32>} : memref<256xi32, #tpu.memory_space<vmem>>, vector<16xi32>,
    %get3A_159 = vector.shape_cast %get3A_158 : vector<16xi32> to vector<16xi32>
    %swap3A_160 = arith.constant 14 : i32
    %swap3A_161 = arith.index_cast %swap3A_160 : i32 to index
    %swap3A_162 = arith.constant 0 : index
    %swap3A_163 = tpu.vector_load %arg6[%swap3A_161, %swap3A_162] {strides = array<i32>} : memref<17x32xi32, #tpu.memory_space<vmem>>, vector<1x16xi32>,
    %swap3A_164 = vector.shape_cast %swap3A_163 : vector<1x16xi32> to vector<16xi32>
    %swap3A_165 = vector.shape_cast %get3A_159 : vector<16xi32> to vector<1x16xi32>
    tpu.vector_store %arg6[%swap3A_161, %swap3A_162], %swap3A_165 {strides = array<i32>} : memref<17x32xi32, #tpu.memory_space<vmem>>, vector<1x16xi32>,
    %get3A_166 = arith.constant 224 : index
    %get3A_167 = tpu.vector_load %arg5[%get3A_166] {strides = array<i32>} : memref<256xi32, #tpu.memory_space<vmem>>, vector<16xi32>,
    %get3A_168 = vector.shape_cast %get3A_167 : vector<16xi32> to vector<16xi32>
    %swap3A_169 = arith.constant 15 : i32
    %swap3A_170 = arith.index_cast %swap3A_169 : i32 to index
    %swap3A_171 = arith.constant 0 : index
    %swap3A_172 = tpu.vector_load %arg6[%swap3A_170, %swap3A_171] {strides = array<i32>} : memref<17x32xi32, #tpu.memory_space<vmem>>, vector<1x16xi32>,
    %swap3A_173 = vector.shape_cast %swap3A_172 : vector<1x16xi32> to vector<16xi32>
    %swap3A_174 = vector.shape_cast %get3A_168 : vector<16xi32> to vector<1x16xi32>
    tpu.vector_store %arg6[%swap3A_170, %swap3A_171], %swap3A_174 {strides = array<i32>} : memref<17x32xi32, #tpu.memory_space<vmem>>, vector<1x16xi32>,
    %get3A_175 = arith.constant 240 : index
    %get3A_176 = tpu.vector_load %arg5[%get3A_175] {strides = array<i32>} : memref<256xi32, #tpu.memory_space<vmem>>, vector<16xi32>,
    %get3A_177 = vector.shape_cast %get3A_176 : vector<16xi32> to vector<16xi32>
    %swap3A_178 = arith.constant 16 : i32
    %swap3A_179 = arith.index_cast %swap3A_178 : i32 to index
    %swap3A_180 = arith.constant 0 : index
    %swap3A_181 = tpu.vector_load %arg6[%swap3A_179, %swap3A_180] {strides = array<i32>} : memref<17x32xi32, #tpu.memory_space<vmem>>, vector<1x16xi32>,
    %swap3A_182 = vector.shape_cast %swap3A_181 : vector<1x16xi32> to vector<16xi32>
    %swap3A_183 = vector.shape_cast %get3A_177 : vector<16xi32> to vector<1x16xi32>
    tpu.vector_store %arg6[%swap3A_179, %swap3A_180], %swap3A_183 {strides = array<i32>} : memref<17x32xi32, #tpu.memory_space<vmem>>, vector<1x16xi32>,
    %dma_start3A = arith.constant 0 : i32
    %dma_start3A_184 = arith.constant 0 : i32
    %dma_start3A_185 = arith.constant 0 : i32
    %dma_start3A_186 = arith.constant 0 : i32
    %dma_start3A_187 = tpu.memref_slice %arg7[%dma_start3A_184, %dma_start3A_185, %dma_start3A_186] : memref<16x1x2048xf32, #tpu.memory_space<vmem>> -> memref<8x1x2048xf32, #tpu.memory_space<vmem>>
    %dma_start3A_188 = arith.constant 0 : i32
    %dma_start3A_189 = tpu.memref_slice %arg6[%dma_start3A, %dma_start3A_188] : memref<17x32xi32, #tpu.memory_space<vmem>> -> memref<1x8xi32, #tpu.memory_space<vmem>>
    %dma_start3A_190 = tpu.memref_squeeze %dma_start3A_189 : memref<1x8xi32, #tpu.memory_space<vmem>> -> memref<8xi32, #tpu.memory_space<vmem>>
    %dma_start3A_191 = arith.constant 0 : i32
    %dma_start3A_192 = arith.constant 0 : i32
    %dma_start3A_193 = tpu.memref_slice %arg3[%dma_start3A_191, %select_n3A_9, %dma_start3A_192] : memref<2048x4x2048xf32, #tpu.memory_space<hbm>> -> memref<2048x1x2048xf32, #tpu.memory_space<hbm>>
    tpu.enqueue_indirect_dma source(%dma_start3A_193 : memref<2048x1x2048xf32, #tpu.memory_space<hbm>>) target(%dma_start3A_187 : memref<8x1x2048xf32, #tpu.memory_space<vmem>>) offsets(%dma_start3A_190 : memref<8xi32, #tpu.memory_space<vmem>>) semaphore(%arg10 : memref<!tpu.dma_semaphore, #tpu.memory_space<semaphore_mem>>)
    %dma_start3A_194 = arith.constant 1 : i32
    %dma_start3A_195 = arith.constant 0 : i32
    %dma_start3A_196 = arith.constant 0 : i32
    %dma_start3A_197 = arith.constant 0 : i32
    %dma_start3A_198 = tpu.memref_slice %arg8[%dma_start3A_195, %dma_start3A_196, %dma_start3A_197] : memref<16x1x2048xf32, #tpu.memory_space<vmem>> -> memref<8x1x2048xf32, #tpu.memory_space<vmem>>
    %dma_start3A_199 = arith.constant 0 : i32
    %dma_start3A_200 = tpu.memref_slice %arg6[%dma_start3A_194, %dma_start3A_199] : memref<17x32xi32, #tpu.memory_space<vmem>> -> memref<1x8xi32, #tpu.memory_space<vmem>>
    %dma_start3A_201 = tpu.memref_squeeze %dma_start3A_200 : memref<1x8xi32, #tpu.memory_space<vmem>> -> memref<8xi32, #tpu.memory_space<vmem>>
    %dma_start3A_202 = arith.constant 0 : i32
    %dma_start3A_203 = arith.constant 0 : i32
    %dma_start3A_204 = tpu.memref_slice %arg3[%dma_start3A_202, %select_n3A_9, %dma_start3A_203] : memref<2048x4x2048xf32, #tpu.memory_space<hbm>> -> memref<2048x1x2048xf32, #tpu.memory_space<hbm>>
    tpu.enqueue_indirect_dma source(%dma_start3A_204 : memref<2048x1x2048xf32, #tpu.memory_space<hbm>>) target(%dma_start3A_198 : memref<8x1x2048xf32, #tpu.memory_space<vmem>>) offsets(%dma_start3A_201 : memref<8xi32, #tpu.memory_space<vmem>>) semaphore(%arg11 : memref<!tpu.dma_semaphore, #tpu.memory_space<semaphore_mem>>)
    %dma_start3A_205 = arith.constant 2 : i32
    %dma_start3A_206 = arith.constant 0 : i32
    %dma_start3A_207 = arith.constant 0 : i32
    %dma_start3A_208 = arith.constant 0 : i32
    %dma_start3A_209 = tpu.memref_slice %arg9[%dma_start3A_206, %dma_start3A_207, %dma_start3A_208] : memref<16x1x2048xf32, #tpu.memory_space<vmem>> -> memref<16x1x2048xf32, #tpu.memory_space<vmem>>
    %dma_start3A_210 = arith.constant 0 : i32
    %dma_start3A_211 = tpu.memref_slice %arg6[%dma_start3A_205, %dma_start3A_210] : memref<17x32xi32, #tpu.memory_space<vmem>> -> memref<1x16xi32, #tpu.memory_space<vmem>>
    %dma_start3A_212 = tpu.memref_squeeze %dma_start3A_211 : memref<1x16xi32, #tpu.memory_space<vmem>> -> memref<16xi32, #tpu.memory_space<vmem>>
    %dma_start3A_213 = arith.constant 0 : i32
    %dma_start3A_214 = arith.constant 0 : i32
    %dma_start3A_215 = tpu.memref_slice %arg3[%dma_start3A_213, %select_n3A_9, %dma_start3A_214] : memref<2048x4x2048xf32, #tpu.memory_space<hbm>> -> memref<2048x1x2048xf32, #tpu.memory_space<hbm>>
    tpu.enqueue_indirect_dma source(%dma_start3A_215 : memref<2048x1x2048xf32, #tpu.memory_space<hbm>>) target(%dma_start3A_209 : memref<16x1x2048xf32, #tpu.memory_space<vmem>>) offsets(%dma_start3A_212 : memref<16xi32, #tpu.memory_space<vmem>>) semaphore(%arg12 : memref<!tpu.dma_semaphore, #tpu.memory_space<semaphore_mem>>)
    %dma_wait3A = arith.constant 0 : i32
    %dma_wait3A_216 = arith.constant 0 : i32
    %dma_wait3A_217 = arith.constant 0 : i32
    %dma_wait3A_218 = arith.constant 0 : i32
    %dma_wait3A_219 = tpu.memref_slice %arg7[%dma_wait3A_216, %dma_wait3A_217, %dma_wait3A_218] : memref<16x1x2048xf32, #tpu.memory_space<vmem>> -> memref<8x1x2048xf32, #tpu.memory_space<vmem>>
    %dma_wait3A_220 = arith.constant 0 : i32
    %dma_wait3A_221 = tpu.memref_slice %arg6[%dma_wait3A, %dma_wait3A_220] : memref<17x32xi32, #tpu.memory_space<vmem>> -> memref<1x8xi32, #tpu.memory_space<vmem>>
    %dma_wait3A_222 = tpu.memref_squeeze %dma_wait3A_221 : memref<1x8xi32, #tpu.memory_space<vmem>> -> memref<8xi32, #tpu.memory_space<vmem>>
    %dma_wait3A_223 = arith.constant 0 : i32
    %dma_wait3A_224 = arith.constant 0 : i32
    %dma_wait3A_225 = tpu.memref_slice %arg3[%dma_wait3A_223, %select_n3A_9, %dma_wait3A_224] : memref<2048x4x2048xf32, #tpu.memory_space<hbm>> -> memref<2048x1x2048xf32, #tpu.memory_space<hbm>>
    tpu.wait_indirect_dma semaphore(%arg10 : memref<!tpu.dma_semaphore, #tpu.memory_space<semaphore_mem>>) src(%dma_wait3A_225 : memref<2048x1x2048xf32, #tpu.memory_space<hbm>>) dst(%dma_wait3A_219 : memref<8x1x2048xf32, #tpu.memory_space<vmem>>)
    %add3A_226 = arith.constant 0 : i32
    %add3A_227 = arith.addi %mul3A_32, %add3A_226 : i32
    %dma_start3A_228 = arith.constant 0 : i32
    %dma_start3A_229 = arith.constant 0 : i32
    %dma_start3A_230 = arith.constant 0 : i32
    %dma_start3A_231 = tpu.memref_slice %arg7[%dma_start3A_228, %dma_start3A_229, %dma_start3A_230] : memref<16x1x2048xf32, #tpu.memory_space<vmem>> -> memref<8x1x2048xf32, #tpu.memory_space<vmem>>
    %dma_start3A_232 = arith.constant 0 : i32
    %dma_start3A_233 = tpu.memref_slice %arg4[%add3A_227, %select_n3A_9, %dma_start3A_232] : memref<2048x4x2048xf32, #tpu.memory_space<hbm>> -> memref<8x1x2048xf32, #tpu.memory_space<hbm>>
    %dma_start3A_234 = arith.constant 0 : i32
    %dma_start3A_235 = tpu.memref_slice %arg4[%add3A_227, %select_n3A_9, %dma_start3A_234] : memref<2048x4x2048xf32, #tpu.memory_space<hbm>> -> memref<8x1x2048xf32, #tpu.memory_space<hbm>>
    %dma_start3A_236 = arith.constant 0 : i32
    %dma_start3A_237 = arith.constant 0 : i32
    %dma_start3A_238 = arith.constant 0 : i32
    %dma_start3A_239 = tpu.memref_slice %arg7[%dma_start3A_236, %dma_start3A_237, %dma_start3A_238] : memref<16x1x2048xf32, #tpu.memory_space<vmem>> -> memref<8x1x2048xf32, #tpu.memory_space<vmem>>
    tpu.enqueue_dma source(%dma_start3A_239 : memref<8x1x2048xf32, #tpu.memory_space<vmem>>) target(%dma_start3A_235 : memref<8x1x2048xf32, #tpu.memory_space<hbm>>) target_semaphore(%arg13 : memref<!tpu.dma_semaphore, #tpu.memory_space<semaphore_mem>>)
    %add3A_240 = arith.constant 0 : i32
    %add3A_241 = arith.addi %mul3A_32, %add3A_240 : i32
    %dma_wait3A_242 = arith.constant 0 : i32
    %dma_wait3A_243 = arith.constant 0 : i32
    %dma_wait3A_244 = arith.constant 0 : i32
    %dma_wait3A_245 = tpu.memref_slice %arg7[%dma_wait3A_242, %dma_wait3A_243, %dma_wait3A_244] : memref<16x1x2048xf32, #tpu.memory_space<vmem>> -> memref<8x1x2048xf32, #tpu.memory_space<vmem>>
    %dma_wait3A_246 = arith.constant 0 : i32
    %dma_wait3A_247 = tpu.memref_slice %arg4[%add3A_241, %select_n3A_9, %dma_wait3A_246] : memref<2048x4x2048xf32, #tpu.memory_space<hbm>> -> memref<8x1x2048xf32, #tpu.memory_space<hbm>>
    %dma_wait3A_248 = arith.constant 0 : i32
    %dma_wait3A_249 = tpu.memref_slice %arg4[%add3A_241, %select_n3A_9, %dma_wait3A_248] : memref<2048x4x2048xf32, #tpu.memory_space<hbm>> -> memref<8x1x2048xf32, #tpu.memory_space<hbm>>
    %dma_wait3A_250 = arith.constant 0 : i32
    %dma_wait3A_251 = arith.constant 0 : i32
    %dma_wait3A_252 = arith.constant 0 : i32
    %dma_wait3A_253 = tpu.memref_slice %arg7[%dma_wait3A_250, %dma_wait3A_251, %dma_wait3A_252] : memref<16x1x2048xf32, #tpu.memory_space<vmem>> -> memref<8x1x2048xf32, #tpu.memory_space<vmem>>
    tpu.wait_dma2 semaphore(%arg13 : memref<!tpu.dma_semaphore, #tpu.memory_space<semaphore_mem>>) src(%dma_wait3A_253 : memref<8x1x2048xf32, #tpu.memory_space<vmem>>) dst(%dma_wait3A_249 : memref<8x1x2048xf32, #tpu.memory_space<hbm>>)
    %dma_start3A_254 = arith.constant 3 : i32
    %dma_start3A_255 = arith.constant 0 : i32
    %dma_start3A_256 = arith.constant 0 : i32
    %dma_start3A_257 = arith.constant 0 : i32
    %dma_start3A_258 = tpu.memref_slice %arg7[%dma_start3A_255, %dma_start3A_256, %dma_start3A_257] : memref<16x1x2048xf32, #tpu.memory_space<vmem>> -> memref<16x1x2048xf32, #tpu.memory_space<vmem>>
    %dma_start3A_259 = arith.constant 0 : i32
    %dma_start3A_260 = tpu.memref_slice %arg6[%dma_start3A_254, %dma_start3A_259] : memref<17x32xi32, #tpu.memory_space<vmem>> -> memref<1x16xi32, #tpu.memory_space<vmem>>
    %dma_start3A_261 = tpu.memref_squeeze %dma_start3A_260 : memref<1x16xi32, #tpu.memory_space<vmem>> -> memref<16xi32, #tpu.memory_space<vmem>>
    %dma_start3A_262 = arith.constant 0 : i32
    %dma_start3A_263 = arith.constant 0 : i32
    %dma_start3A_264 = tpu.memref_slice %arg3[%dma_start3A_262, %select_n3A_9, %dma_start3A_263] : memref<2048x4x2048xf32, #tpu.memory_space<hbm>> -> memref<2048x1x2048xf32, #tpu.memory_space<hbm>>
    tpu.enqueue_indirect_dma source(%dma_start3A_264 : memref<2048x1x2048xf32, #tpu.memory_space<hbm>>) target(%dma_start3A_258 : memref<16x1x2048xf32, #tpu.memory_space<vmem>>) offsets(%dma_start3A_261 : memref<16xi32, #tpu.memory_space<vmem>>) semaphore(%arg10 : memref<!tpu.dma_semaphore, #tpu.memory_space<semaphore_mem>>)
    %dma_wait3A_265 = arith.constant 1 : i32
    %dma_wait3A_266 = arith.constant 0 : i32
    %dma_wait3A_267 = arith.constant 0 : i32
    %dma_wait3A_268 = arith.constant 0 : i32
    %dma_wait3A_269 = tpu.memref_slice %arg8[%dma_wait3A_266, %dma_wait3A_267, %dma_wait3A_268] : memref<16x1x2048xf32, #tpu.memory_space<vmem>> -> memref<8x1x2048xf32, #tpu.memory_space<vmem>>
    %dma_wait3A_270 = arith.constant 0 : i32
    %dma_wait3A_271 = tpu.memref_slice %arg6[%dma_wait3A_265, %dma_wait3A_270] : memref<17x32xi32, #tpu.memory_space<vmem>> -> memref<1x8xi32, #tpu.memory_space<vmem>>
    %dma_wait3A_272 = tpu.memref_squeeze %dma_wait3A_271 : memref<1x8xi32, #tpu.memory_space<vmem>> -> memref<8xi32, #tpu.memory_space<vmem>>
    %dma_wait3A_273 = arith.constant 0 : i32
    %dma_wait3A_274 = arith.constant 0 : i32
    %dma_wait3A_275 = tpu.memref_slice %arg3[%dma_wait3A_273, %select_n3A_9, %dma_wait3A_274] : memref<2048x4x2048xf32, #tpu.memory_space<hbm>> -> memref<2048x1x2048xf32, #tpu.memory_space<hbm>>
    tpu.wait_indirect_dma semaphore(%arg11 : memref<!tpu.dma_semaphore, #tpu.memory_space<semaphore_mem>>) src(%dma_wait3A_275 : memref<2048x1x2048xf32, #tpu.memory_space<hbm>>) dst(%dma_wait3A_269 : memref<8x1x2048xf32, #tpu.memory_space<vmem>>)
    %add3A_276 = arith.constant 8 : i32
    %add3A_277 = arith.addi %mul3A_32, %add3A_276 : i32
    %dma_start3A_278 = arith.constant 0 : i32
    %dma_start3A_279 = arith.constant 0 : i32
    %dma_start3A_280 = arith.constant 0 : i32
    %dma_start3A_281 = tpu.memref_slice %arg8[%dma_start3A_278, %dma_start3A_279, %dma_start3A_280] : memref<16x1x2048xf32, #tpu.memory_space<vmem>> -> memref<8x1x2048xf32, #tpu.memory_space<vmem>>
    %dma_start3A_282 = arith.constant 0 : i32
    %dma_start3A_283 = tpu.memref_slice %arg4[%add3A_277, %select_n3A_9, %dma_start3A_282] : memref<2048x4x2048xf32, #tpu.memory_space<hbm>> -> memref<8x1x2048xf32, #tpu.memory_space<hbm>>
    %dma_start3A_284 = arith.constant 0 : i32
    %dma_start3A_285 = tpu.memref_slice %arg4[%add3A_277, %select_n3A_9, %dma_start3A_284] : memref<2048x4x2048xf32, #tpu.memory_space<hbm>> -> memref<8x1x2048xf32, #tpu.memory_space<hbm>>
    %dma_start3A_286 = arith.constant 0 : i32
    %dma_start3A_287 = arith.constant 0 : i32
    %dma_start3A_288 = arith.constant 0 : i32
    %dma_start3A_289 = tpu.memref_slice %arg8[%dma_start3A_286, %dma_start3A_287, %dma_start3A_288] : memref<16x1x2048xf32, #tpu.memory_space<vmem>> -> memref<8x1x2048xf32, #tpu.memory_space<vmem>>
    tpu.enqueue_dma source(%dma_start3A_289 : memref<8x1x2048xf32, #tpu.memory_space<vmem>>) target(%dma_start3A_285 : memref<8x1x2048xf32, #tpu.memory_space<hbm>>) target_semaphore(%arg14 : memref<!tpu.dma_semaphore, #tpu.memory_space<semaphore_mem>>)
    %add3A_290 = arith.constant 8 : i32
    %add3A_291 = arith.addi %mul3A_32, %add3A_290 : i32
    %dma_wait3A_292 = arith.constant 0 : i32
    %dma_wait3A_293 = arith.constant 0 : i32
    %dma_wait3A_294 = arith.constant 0 : i32
    %dma_wait3A_295 = tpu.memref_slice %arg8[%dma_wait3A_292, %dma_wait3A_293, %dma_wait3A_294] : memref<16x1x2048xf32, #tpu.memory_space<vmem>> -> memref<8x1x2048xf32, #tpu.memory_space<vmem>>
    %dma_wait3A_296 = arith.constant 0 : i32
    %dma_wait3A_297 = tpu.memref_slice %arg4[%add3A_291, %select_n3A_9, %dma_wait3A_296] : memref<2048x4x2048xf32, #tpu.memory_space<hbm>> -> memref<8x1x2048xf32, #tpu.memory_space<hbm>>
    %dma_wait3A_298 = arith.constant 0 : i32
    %dma_wait3A_299 = tpu.memref_slice %arg4[%add3A_291, %select_n3A_9, %dma_wait3A_298] : memref<2048x4x2048xf32, #tpu.memory_space<hbm>> -> memref<8x1x2048xf32, #tpu.memory_space<hbm>>
    %dma_wait3A_300 = arith.constant 0 : i32
    %dma_wait3A_301 = arith.constant 0 : i32
    %dma_wait3A_302 = arith.constant 0 : i32
    %dma_wait3A_303 = tpu.memref_slice %arg8[%dma_wait3A_300, %dma_wait3A_301, %dma_wait3A_302] : memref<16x1x2048xf32, #tpu.memory_space<vmem>> -> memref<8x1x2048xf32, #tpu.memory_space<vmem>>
    tpu.wait_dma2 semaphore(%arg14 : memref<!tpu.dma_semaphore, #tpu.memory_space<semaphore_mem>>) src(%dma_wait3A_303 : memref<8x1x2048xf32, #tpu.memory_space<vmem>>) dst(%dma_wait3A_299 : memref<8x1x2048xf32, #tpu.memory_space<hbm>>)
    %dma_start3A_304 = arith.constant 4 : i32
    %dma_start3A_305 = arith.constant 0 : i32
    %dma_start3A_306 = arith.constant 0 : i32
    %dma_start3A_307 = arith.constant 0 : i32
    %dma_start3A_308 = tpu.memref_slice %arg8[%dma_start3A_305, %dma_start3A_306, %dma_start3A_307] : memref<16x1x2048xf32, #tpu.memory_space<vmem>> -> memref<16x1x2048xf32, #tpu.memory_space<vmem>>
    %dma_start3A_309 = arith.constant 0 : i32
    %dma_start3A_310 = tpu.memref_slice %arg6[%dma_start3A_304, %dma_start3A_309] : memref<17x32xi32, #tpu.memory_space<vmem>> -> memref<1x16xi32, #tpu.memory_space<vmem>>
    %dma_start3A_311 = tpu.memref_squeeze %dma_start3A_310 : memref<1x16xi32, #tpu.memory_space<vmem>> -> memref<16xi32, #tpu.memory_space<vmem>>
    %dma_start3A_312 = arith.constant 0 : i32
    %dma_start3A_313 = arith.constant 0 : i32
    %dma_start3A_314 = tpu.memref_slice %arg3[%dma_start3A_312, %select_n3A_9, %dma_start3A_313] : memref<2048x4x2048xf32, #tpu.memory_space<hbm>> -> memref<2048x1x2048xf32, #tpu.memory_space<hbm>>
    tpu.enqueue_indirect_dma source(%dma_start3A_314 : memref<2048x1x2048xf32, #tpu.memory_space<hbm>>) target(%dma_start3A_308 : memref<16x1x2048xf32, #tpu.memory_space<vmem>>) offsets(%dma_start3A_311 : memref<16xi32, #tpu.memory_space<vmem>>) semaphore(%arg11 : memref<!tpu.dma_semaphore, #tpu.memory_space<semaphore_mem>>)
    %dma_wait3A_315 = arith.constant 2 : i32
    %dma_wait3A_316 = arith.constant 0 : i32
    %dma_wait3A_317 = arith.constant 0 : i32
    %dma_wait3A_318 = arith.constant 0 : i32
    %dma_wait3A_319 = tpu.memref_slice %arg9[%dma_wait3A_316, %dma_wait3A_317, %dma_wait3A_318] : memref<16x1x2048xf32, #tpu.memory_space<vmem>> -> memref<16x1x2048xf32, #tpu.memory_space<vmem>>
    %dma_wait3A_320 = arith.constant 0 : i32
    %dma_wait3A_321 = tpu.memref_slice %arg6[%dma_wait3A_315, %dma_wait3A_320] : memref<17x32xi32, #tpu.memory_space<vmem>> -> memref<1x16xi32, #tpu.memory_space<vmem>>
    %dma_wait3A_322 = tpu.memref_squeeze %dma_wait3A_321 : memref<1x16xi32, #tpu.memory_space<vmem>> -> memref<16xi32, #tpu.memory_space<vmem>>
    %dma_wait3A_323 = arith.constant 0 : i32
    %dma_wait3A_324 = arith.constant 0 : i32
    %dma_wait3A_325 = tpu.memref_slice %arg3[%dma_wait3A_323, %select_n3A_9, %dma_wait3A_324] : memref<2048x4x2048xf32, #tpu.memory_space<hbm>> -> memref<2048x1x2048xf32, #tpu.memory_space<hbm>>
    tpu.wait_indirect_dma semaphore(%arg12 : memref<!tpu.dma_semaphore, #tpu.memory_space<semaphore_mem>>) src(%dma_wait3A_325 : memref<2048x1x2048xf32, #tpu.memory_space<hbm>>) dst(%dma_wait3A_319 : memref<16x1x2048xf32, #tpu.memory_space<vmem>>)
    %add3A_326 = arith.constant 16 : i32
    %add3A_327 = arith.addi %mul3A_32, %add3A_326 : i32
    %dma_start3A_328 = arith.constant 0 : i32
    %dma_start3A_329 = arith.constant 0 : i32
    %dma_start3A_330 = arith.constant 0 : i32
    %dma_start3A_331 = tpu.memref_slice %arg9[%dma_start3A_328, %dma_start3A_329, %dma_start3A_330] : memref<16x1x2048xf32, #tpu.memory_space<vmem>> -> memref<16x1x2048xf32, #tpu.memory_space<vmem>>
    %dma_start3A_332 = arith.constant 0 : i32
    %dma_start3A_333 = tpu.memref_slice %arg4[%add3A_327, %select_n3A_9, %dma_start3A_332] : memref<2048x4x2048xf32, #tpu.memory_space<hbm>> -> memref<16x1x2048xf32, #tpu.memory_space<hbm>>
    %dma_start3A_334 = arith.constant 0 : i32
    %dma_start3A_335 = tpu.memref_slice %arg4[%add3A_327, %select_n3A_9, %dma_start3A_334] : memref<2048x4x2048xf32, #tpu.memory_space<hbm>> -> memref<16x1x2048xf32, #tpu.memory_space<hbm>>
    %dma_start3A_336 = arith.constant 0 : i32
    %dma_start3A_337 = arith.constant 0 : i32
    %dma_start3A_338 = arith.constant 0 : i32
    %dma_start3A_339 = tpu.memref_slice %arg9[%dma_start3A_336, %dma_start3A_337, %dma_start3A_338] : memref<16x1x2048xf32, #tpu.memory_space<vmem>> -> memref<16x1x2048xf32, #tpu.memory_space<vmem>>
    tpu.enqueue_dma source(%dma_start3A_339 : memref<16x1x2048xf32, #tpu.memory_space<vmem>>) target(%dma_start3A_335 : memref<16x1x2048xf32, #tpu.memory_space<hbm>>) target_semaphore(%arg15 : memref<!tpu.dma_semaphore, #tpu.memory_space<semaphore_mem>>)
    %add3A_340 = arith.constant 16 : i32
    %add3A_341 = arith.addi %mul3A_32, %add3A_340 : i32
    %dma_wait3A_342 = arith.constant 0 : i32
    %dma_wait3A_343 = arith.constant 0 : i32
    %dma_wait3A_344 = arith.constant 0 : i32
    %dma_wait3A_345 = tpu.memref_slice %arg9[%dma_wait3A_342, %dma_wait3A_343, %dma_wait3A_344] : memref<16x1x2048xf32, #tpu.memory_space<vmem>> -> memref<16x1x2048xf32, #tpu.memory_space<vmem>>
    %dma_wait3A_346 = arith.constant 0 : i32
    %dma_wait3A_347 = tpu.memref_slice %arg4[%add3A_341, %select_n3A_9, %dma_wait3A_346] : memref<2048x4x2048xf32, #tpu.memory_space<hbm>> -> memref<16x1x2048xf32, #tpu.memory_space<hbm>>
    %dma_wait3A_348 = arith.constant 0 : i32
    %dma_wait3A_349 = tpu.memref_slice %arg4[%add3A_341, %select_n3A_9, %dma_wait3A_348] : memref<2048x4x2048xf32, #tpu.memory_space<hbm>> -> memref<16x1x2048xf32, #tpu.memory_space<hbm>>
    %dma_wait3A_350 = arith.constant 0 : i32
    %dma_wait3A_351 = arith.constant 0 : i32
    %dma_wait3A_352 = arith.constant 0 : i32
    %dma_wait3A_353 = tpu.memref_slice %arg9[%dma_wait3A_350, %dma_wait3A_351, %dma_wait3A_352] : memref<16x1x2048xf32, #tpu.memory_space<vmem>> -> memref<16x1x2048xf32, #tpu.memory_space<vmem>>
    tpu.wait_dma2 semaphore(%arg15 : memref<!tpu.dma_semaphore, #tpu.memory_space<semaphore_mem>>) src(%dma_wait3A_353 : memref<16x1x2048xf32, #tpu.memory_space<vmem>>) dst(%dma_wait3A_349 : memref<16x1x2048xf32, #tpu.memory_space<hbm>>)
    %dma_start3A_354 = arith.constant 5 : i32
    %dma_start3A_355 = arith.constant 0 : i32
    %dma_start3A_356 = arith.constant 0 : i32
    %dma_start3A_357 = arith.constant 0 : i32
    %dma_start3A_358 = tpu.memref_slice %arg9[%dma_start3A_355, %dma_start3A_356, %dma_start3A_357] : memref<16x1x2048xf32, #tpu.memory_space<vmem>> -> memref<16x1x2048xf32, #tpu.memory_space<vmem>>
    %dma_start3A_359 = arith.constant 0 : i32
    %dma_start3A_360 = tpu.memref_slice %arg6[%dma_start3A_354, %dma_start3A_359] : memref<17x32xi32, #tpu.memory_space<vmem>> -> memref<1x16xi32, #tpu.memory_space<vmem>>
    %dma_start3A_361 = tpu.memref_squeeze %dma_start3A_360 : memref<1x16xi32, #tpu.memory_space<vmem>> -> memref<16xi32, #tpu.memory_space<vmem>>
    %dma_start3A_362 = arith.constant 0 : i32
    %dma_start3A_363 = arith.constant 0 : i32
    %dma_start3A_364 = tpu.memref_slice %arg3[%dma_start3A_362, %select_n3A_9, %dma_start3A_363] : memref<2048x4x2048xf32, #tpu.memory_space<hbm>> -> memref<2048x1x2048xf32, #tpu.memory_space<hbm>>
    tpu.enqueue_indirect_dma source(%dma_start3A_364 : memref<2048x1x2048xf32, #tpu.memory_space<hbm>>) target(%dma_start3A_358 : memref<16x1x2048xf32, #tpu.memory_space<vmem>>) offsets(%dma_start3A_361 : memref<16xi32, #tpu.memory_space<vmem>>) semaphore(%arg12 : memref<!tpu.dma_semaphore, #tpu.memory_space<semaphore_mem>>)
    %dma_wait3A_365 = arith.constant 3 : i32
    %dma_wait3A_366 = arith.constant 0 : i32
    %dma_wait3A_367 = arith.constant 0 : i32
    %dma_wait3A_368 = arith.constant 0 : i32
    %dma_wait3A_369 = tpu.memref_slice %arg7[%dma_wait3A_366, %dma_wait3A_367, %dma_wait3A_368] : memref<16x1x2048xf32, #tpu.memory_space<vmem>> -> memref<16x1x2048xf32, #tpu.memory_space<vmem>>
    %dma_wait3A_370 = arith.constant 0 : i32
    %dma_wait3A_371 = tpu.memref_slice %arg6[%dma_wait3A_365, %dma_wait3A_370] : memref<17x32xi32, #tpu.memory_space<vmem>> -> memref<1x16xi32, #tpu.memory_space<vmem>>
    %dma_wait3A_372 = tpu.memref_squeeze %dma_wait3A_371 : memref<1x16xi32, #tpu.memory_space<vmem>> -> memref<16xi32, #tpu.memory_space<vmem>>
    %dma_wait3A_373 = arith.constant 0 : i32
    %dma_wait3A_374 = arith.constant 0 : i32
    %dma_wait3A_375 = tpu.memref_slice %arg3[%dma_wait3A_373, %select_n3A_9, %dma_wait3A_374] : memref<2048x4x2048xf32, #tpu.memory_space<hbm>> -> memref<2048x1x2048xf32, #tpu.memory_space<hbm>>
    tpu.wait_indirect_dma semaphore(%arg10 : memref<!tpu.dma_semaphore, #tpu.memory_space<semaphore_mem>>) src(%dma_wait3A_375 : memref<2048x1x2048xf32, #tpu.memory_space<hbm>>) dst(%dma_wait3A_369 : memref<16x1x2048xf32, #tpu.memory_space<vmem>>)
    %add3A_376 = arith.constant 32 : i32
    %add3A_377 = arith.addi %mul3A_32, %add3A_376 : i32
    %dma_start3A_378 = arith.constant 0 : i32
    %dma_start3A_379 = arith.constant 0 : i32
    %dma_start3A_380 = arith.constant 0 : i32
    %dma_start3A_381 = tpu.memref_slice %arg7[%dma_start3A_378, %dma_start3A_379, %dma_start3A_380] : memref<16x1x2048xf32, #tpu.memory_space<vmem>> -> memref<16x1x2048xf32, #tpu.memory_space<vmem>>
    %dma_start3A_382 = arith.constant 0 : i32
    %dma_start3A_383 = tpu.memref_slice %arg4[%add3A_377, %select_n3A_9, %dma_start3A_382] : memref<2048x4x2048xf32, #tpu.memory_space<hbm>> -> memref<16x1x2048xf32, #tpu.memory_space<hbm>>
    %dma_start3A_384 = arith.constant 0 : i32
    %dma_start3A_385 = tpu.memref_slice %arg4[%add3A_377, %select_n3A_9, %dma_start3A_384] : memref<2048x4x2048xf32, #tpu.memory_space<hbm>> -> memref<16x1x2048xf32, #tpu.memory_space<hbm>>
    %dma_start3A_386 = arith.constant 0 : i32
    %dma_start3A_387 = arith.constant 0 : i32
    %dma_start3A_388 = arith.constant 0 : i32
    %dma_start3A_389 = tpu.memref_slice %arg7[%dma_start3A_386, %dma_start3A_387, %dma_start3A_388] : memref<16x1x2048xf32, #tpu.memory_space<vmem>> -> memref<16x1x2048xf32, #tpu.memory_space<vmem>>
    tpu.enqueue_dma source(%dma_start3A_389 : memref<16x1x2048xf32, #tpu.memory_space<vmem>>) target(%dma_start3A_385 : memref<16x1x2048xf32, #tpu.memory_space<hbm>>) target_semaphore(%arg13 : memref<!tpu.dma_semaphore, #tpu.memory_space<semaphore_mem>>)
    %add3A_390 = arith.constant 32 : i32
    %add3A_391 = arith.addi %mul3A_32, %add3A_390 : i32
    %dma_wait3A_392 = arith.constant 0 : i32
    %dma_wait3A_393 = arith.constant 0 : i32
    %dma_wait3A_394 = arith.constant 0 : i32
    %dma_wait3A_395 = tpu.memref_slice %arg7[%dma_wait3A_392, %dma_wait3A_393, %dma_wait3A_394] : memref<16x1x2048xf32, #tpu.memory_space<vmem>> -> memref<16x1x2048xf32, #tpu.memory_space<vmem>>
    %dma_wait3A_396 = arith.constant 0 : i32
    %dma_wait3A_397 = tpu.memref_slice %arg4[%add3A_391, %select_n3A_9, %dma_wait3A_396] : memref<2048x4x2048xf32, #tpu.memory_space<hbm>> -> memref<16x1x2048xf32, #tpu.memory_space<hbm>>
    %dma_wait3A_398 = arith.constant 0 : i32
    %dma_wait3A_399 = tpu.memref_slice %arg4[%add3A_391, %select_n3A_9, %dma_wait3A_398] : memref<2048x4x2048xf32, #tpu.memory_space<hbm>> -> memref<16x1x2048xf32, #tpu.memory_space<hbm>>
    %dma_wait3A_400 = arith.constant 0 : i32
    %dma_wait3A_401 = arith.constant 0 : i32
    %dma_wait3A_402 = arith.constant 0 : i32
    %dma_wait3A_403 = tpu.memref_slice %arg7[%dma_wait3A_400, %dma_wait3A_401, %dma_wait3A_402] : memref<16x1x2048xf32, #tpu.memory_space<vmem>> -> memref<16x1x2048xf32, #tpu.memory_space<vmem>>
    tpu.wait_dma2 semaphore(%arg13 : memref<!tpu.dma_semaphore, #tpu.memory_space<semaphore_mem>>) src(%dma_wait3A_403 : memref<16x1x2048xf32, #tpu.memory_space<vmem>>) dst(%dma_wait3A_399 : memref<16x1x2048xf32, #tpu.memory_space<hbm>>)
    %dma_start3A_404 = arith.constant 6 : i32
    %dma_start3A_405 = arith.constant 0 : i32
    %dma_start3A_406 = arith.constant 0 : i32
    %dma_start3A_407 = arith.constant 0 : i32
    %dma_start3A_408 = tpu.memref_slice %arg7[%dma_start3A_405, %dma_start3A_406, %dma_start3A_407] : memref<16x1x2048xf32, #tpu.memory_space<vmem>> -> memref<16x1x2048xf32, #tpu.memory_space<vmem>>
    %dma_start3A_409 = arith.constant 0 : i32
    %dma_start3A_410 = tpu.memref_slice %arg6[%dma_start3A_404, %dma_start3A_409] : memref<17x32xi32, #tpu.memory_space<vmem>> -> memref<1x16xi32, #tpu.memory_space<vmem>>
    %dma_start3A_411 = tpu.memref_squeeze %dma_start3A_410 : memref<1x16xi32, #tpu.memory_space<vmem>> -> memref<16xi32, #tpu.memory_space<vmem>>
    %dma_start3A_412 = arith.constant 0 : i32
    %dma_start3A_413 = arith.constant 0 : i32
    %dma_start3A_414 = tpu.memref_slice %arg3[%dma_start3A_412, %select_n3A_9, %dma_start3A_413] : memref<2048x4x2048xf32, #tpu.memory_space<hbm>> -> memref<2048x1x2048xf32, #tpu.memory_space<hbm>>
    tpu.enqueue_indirect_dma source(%dma_start3A_414 : memref<2048x1x2048xf32, #tpu.memory_space<hbm>>) target(%dma_start3A_408 : memref<16x1x2048xf32, #tpu.memory_space<vmem>>) offsets(%dma_start3A_411 : memref<16xi32, #tpu.memory_space<vmem>>) semaphore(%arg10 : memref<!tpu.dma_semaphore, #tpu.memory_space<semaphore_mem>>)
    %dma_wait3A_415 = arith.constant 4 : i32
    %dma_wait3A_416 = arith.constant 0 : i32
    %dma_wait3A_417 = arith.constant 0 : i32
    %dma_wait3A_418 = arith.constant 0 : i32
    %dma_wait3A_419 = tpu.memref_slice %arg8[%dma_wait3A_416, %dma_wait3A_417, %dma_wait3A_418] : memref<16x1x2048xf32, #tpu.memory_space<vmem>> -> memref<16x1x2048xf32, #tpu.memory_space<vmem>>
    %dma_wait3A_420 = arith.constant 0 : i32
    %dma_wait3A_421 = tpu.memref_slice %arg6[%dma_wait3A_415, %dma_wait3A_420] : memref<17x32xi32, #tpu.memory_space<vmem>> -> memref<1x16xi32, #tpu.memory_space<vmem>>
    %dma_wait3A_422 = tpu.memref_squeeze %dma_wait3A_421 : memref<1x16xi32, #tpu.memory_space<vmem>> -> memref<16xi32, #tpu.memory_space<vmem>>
    %dma_wait3A_423 = arith.constant 0 : i32
    %dma_wait3A_424 = arith.constant 0 : i32
    %dma_wait3A_425 = tpu.memref_slice %arg3[%dma_wait3A_423, %select_n3A_9, %dma_wait3A_424] : memref<2048x4x2048xf32, #tpu.memory_space<hbm>> -> memref<2048x1x2048xf32, #tpu.memory_space<hbm>>
    tpu.wait_indirect_dma semaphore(%arg11 : memref<!tpu.dma_semaphore, #tpu.memory_space<semaphore_mem>>) src(%dma_wait3A_425 : memref<2048x1x2048xf32, #tpu.memory_space<hbm>>) dst(%dma_wait3A_419 : memref<16x1x2048xf32, #tpu.memory_space<vmem>>)
    %add3A_426 = arith.constant 48 : i32
    %add3A_427 = arith.addi %mul3A_32, %add3A_426 : i32
    %dma_start3A_428 = arith.constant 0 : i32
    %dma_start3A_429 = arith.constant 0 : i32
    %dma_start3A_430 = arith.constant 0 : i32
    %dma_start3A_431 = tpu.memref_slice %arg8[%dma_start3A_428, %dma_start3A_429, %dma_start3A_430] : memref<16x1x2048xf32, #tpu.memory_space<vmem>> -> memref<16x1x2048xf32, #tpu.memory_space<vmem>>
    %dma_start3A_432 = arith.constant 0 : i32
    %dma_start3A_433 = tpu.memref_slice %arg4[%add3A_427, %select_n3A_9, %dma_start3A_432] : memref<2048x4x2048xf32, #tpu.memory_space<hbm>> -> memref<16x1x2048xf32, #tpu.memory_space<hbm>>
    %dma_start3A_434 = arith.constant 0 : i32
    %dma_start3A_435 = tpu.memref_slice %arg4[%add3A_427, %select_n3A_9, %dma_start3A_434] : memref<2048x4x2048xf32, #tpu.memory_space<hbm>> -> memref<16x1x2048xf32, #tpu.memory_space<hbm>>
    %dma_start3A_436 = arith.constant 0 : i32
    %dma_start3A_437 = arith.constant 0 : i32
    %dma_start3A_438 = arith.constant 0 : i32
    %dma_start3A_439 = tpu.memref_slice %arg8[%dma_start3A_436, %dma_start3A_437, %dma_start3A_438] : memref<16x1x2048xf32, #tpu.memory_space<vmem>> -> memref<16x1x2048xf32, #tpu.memory_space<vmem>>
    tpu.enqueue_dma source(%dma_start3A_439 : memref<16x1x2048xf32, #tpu.memory_space<vmem>>) target(%dma_start3A_435 : memref<16x1x2048xf32, #tpu.memory_space<hbm>>) target_semaphore(%arg14 : memref<!tpu.dma_semaphore, #tpu.memory_space<semaphore_mem>>)
    %add3A_440 = arith.constant 48 : i32
    %add3A_441 = arith.addi %mul3A_32, %add3A_440 : i32
    %dma_wait3A_442 = arith.constant 0 : i32
    %dma_wait3A_443 = arith.constant 0 : i32
    %dma_wait3A_444 = arith.constant 0 : i32
    %dma_wait3A_445 = tpu.memref_slice %arg8[%dma_wait3A_442, %dma_wait3A_443, %dma_wait3A_444] : memref<16x1x2048xf32, #tpu.memory_space<vmem>> -> memref<16x1x2048xf32, #tpu.memory_space<vmem>>
    %dma_wait3A_446 = arith.constant 0 : i32
    %dma_wait3A_447 = tpu.memref_slice %arg4[%add3A_441, %select_n3A_9, %dma_wait3A_446] : memref<2048x4x2048xf32, #tpu.memory_space<hbm>> -> memref<16x1x2048xf32, #tpu.memory_space<hbm>>
    %dma_wait3A_448 = arith.constant 0 : i32
    %dma_wait3A_449 = tpu.memref_slice %arg4[%add3A_441, %select_n3A_9, %dma_wait3A_448] : memref<2048x4x2048xf32, #tpu.memory_space<hbm>> -> memref<16x1x2048xf32, #tpu.memory_space<hbm>>
    %dma_wait3A_450 = arith.constant 0 : i32
    %dma_wait3A_451 = arith.constant 0 : i32
    %dma_wait3A_452 = arith.constant 0 : i32
    %dma_wait3A_453 = tpu.memref_slice %arg8[%dma_wait3A_450, %dma_wait3A_451, %dma_wait3A_452] : memref<16x1x2048xf32, #tpu.memory_space<vmem>> -> memref<16x1x2048xf32, #tpu.memory_space<vmem>>
    tpu.wait_dma2 semaphore(%arg14 : memref<!tpu.dma_semaphore, #tpu.memory_space<semaphore_mem>>) src(%dma_wait3A_453 : memref<16x1x2048xf32, #tpu.memory_space<vmem>>) dst(%dma_wait3A_449 : memref<16x1x2048xf32, #tpu.memory_space<hbm>>)
    %dma_start3A_454 = arith.constant 7 : i32
    %dma_start3A_455 = arith.constant 0 : i32
    %dma_start3A_456 = arith.constant 0 : i32
    %dma_start3A_457 = arith.constant 0 : i32
    %dma_start3A_458 = tpu.memref_slice %arg8[%dma_start3A_455, %dma_start3A_456, %dma_start3A_457] : memref<16x1x2048xf32, #tpu.memory_space<vmem>> -> memref<16x1x2048xf32, #tpu.memory_space<vmem>>
    %dma_start3A_459 = arith.constant 0 : i32
    %dma_start3A_460 = tpu.memref_slice %arg6[%dma_start3A_454, %dma_start3A_459] : memref<17x32xi32, #tpu.memory_space<vmem>> -> memref<1x16xi32, #tpu.memory_space<vmem>>
    %dma_start3A_461 = tpu.memref_squeeze %dma_start3A_460 : memref<1x16xi32, #tpu.memory_space<vmem>> -> memref<16xi32, #tpu.memory_space<vmem>>
    %dma_start3A_462 = arith.constant 0 : i32
    %dma_start3A_463 = arith.constant 0 : i32
    %dma_start3A_464 = tpu.memref_slice %arg3[%dma_start3A_462, %select_n3A_9, %dma_start3A_463] : memref<2048x4x2048xf32, #tpu.memory_space<hbm>> -> memref<2048x1x2048xf32, #tpu.memory_space<hbm>>
    tpu.enqueue_indirect_dma source(%dma_start3A_464 : memref<2048x1x2048xf32, #tpu.memory_space<hbm>>) target(%dma_start3A_458 : memref<16x1x2048xf32, #tpu.memory_space<vmem>>) offsets(%dma_start3A_461 : memref<16xi32, #tpu.memory_space<vmem>>) semaphore(%arg11 : memref<!tpu.dma_semaphore, #tpu.memory_space<semaphore_mem>>)
    %dma_wait3A_465 = arith.constant 5 : i32
    %dma_wait3A_466 = arith.constant 0 : i32
    %dma_wait3A_467 = arith.constant 0 : i32
    %dma_wait3A_468 = arith.constant 0 : i32
    %dma_wait3A_469 = tpu.memref_slice %arg9[%dma_wait3A_466, %dma_wait3A_467, %dma_wait3A_468] : memref<16x1x2048xf32, #tpu.memory_space<vmem>> -> memref<16x1x2048xf32, #tpu.memory_space<vmem>>
    %dma_wait3A_470 = arith.constant 0 : i32
    %dma_wait3A_471 = tpu.memref_slice %arg6[%dma_wait3A_465, %dma_wait3A_470] : memref<17x32xi32, #tpu.memory_space<vmem>> -> memref<1x16xi32, #tpu.memory_space<vmem>>
    %dma_wait3A_472 = tpu.memref_squeeze %dma_wait3A_471 : memref<1x16xi32, #tpu.memory_space<vmem>> -> memref<16xi32, #tpu.memory_space<vmem>>
    %dma_wait3A_473 = arith.constant 0 : i32
    %dma_wait3A_474 = arith.constant 0 : i32
    %dma_wait3A_475 = tpu.memref_slice %arg3[%dma_wait3A_473, %select_n3A_9, %dma_wait3A_474] : memref<2048x4x2048xf32, #tpu.memory_space<hbm>> -> memref<2048x1x2048xf32, #tpu.memory_space<hbm>>
    tpu.wait_indirect_dma semaphore(%arg12 : memref<!tpu.dma_semaphore, #tpu.memory_space<semaphore_mem>>) src(%dma_wait3A_475 : memref<2048x1x2048xf32, #tpu.memory_space<hbm>>) dst(%dma_wait3A_469 : memref<16x1x2048xf32, #tpu.memory_space<vmem>>)
    %add3A_476 = arith.constant 64 : i32
    %add3A_477 = arith.addi %mul3A_32, %add3A_476 : i32
    %dma_start3A_478 = arith.constant 0 : i32
    %dma_start3A_479 = arith.constant 0 : i32
    %dma_start3A_480 = arith.constant 0 : i32
    %dma_start3A_481 = tpu.memref_slice %arg9[%dma_start3A_478, %dma_start3A_479, %dma_start3A_480] : memref<16x1x2048xf32, #tpu.memory_space<vmem>> -> memref<16x1x2048xf32, #tpu.memory_space<vmem>>
    %dma_start3A_482 = arith.constant 0 : i32
    %dma_start3A_483 = tpu.memref_slice %arg4[%add3A_477, %select_n3A_9, %dma_start3A_482] : memref<2048x4x2048xf32, #tpu.memory_space<hbm>> -> memref<16x1x2048xf32, #tpu.memory_space<hbm>>
    %dma_start3A_484 = arith.constant 0 : i32
    %dma_start3A_485 = tpu.memref_slice %arg4[%add3A_477, %select_n3A_9, %dma_start3A_484] : memref<2048x4x2048xf32, #tpu.memory_space<hbm>> -> memref<16x1x2048xf32, #tpu.memory_space<hbm>>
    %dma_start3A_486 = arith.constant 0 : i32
    %dma_start3A_487 = arith.constant 0 : i32
    %dma_start3A_488 = arith.constant 0 : i32
    %dma_start3A_489 = tpu.memref_slice %arg9[%dma_start3A_486, %dma_start3A_487, %dma_start3A_488] : memref<16x1x2048xf32, #tpu.memory_space<vmem>> -> memref<16x1x2048xf32, #tpu.memory_space<vmem>>
    tpu.enqueue_dma source(%dma_start3A_489 : memref<16x1x2048xf32, #tpu.memory_space<vmem>>) target(%dma_start3A_485 : memref<16x1x2048xf32, #tpu.memory_space<hbm>>) target_semaphore(%arg15 : memref<!tpu.dma_semaphore, #tpu.memory_space<semaphore_mem>>)
    %add3A_490 = arith.constant 64 : i32
    %add3A_491 = arith.addi %mul3A_32, %add3A_490 : i32
    %dma_wait3A_492 = arith.constant 0 : i32
    %dma_wait3A_493 = arith.constant 0 : i32
    %dma_wait3A_494 = arith.constant 0 : i32
    %dma_wait3A_495 = tpu.memref_slice %arg9[%dma_wait3A_492, %dma_wait3A_493, %dma_wait3A_494] : memref<16x1x2048xf32, #tpu.memory_space<vmem>> -> memref<16x1x2048xf32, #tpu.memory_space<vmem>>
    %dma_wait3A_496 = arith.constant 0 : i32
    %dma_wait3A_497 = tpu.memref_slice %arg4[%add3A_491, %select_n3A_9, %dma_wait3A_496] : memref<2048x4x2048xf32, #tpu.memory_space<hbm>> -> memref<16x1x2048xf32, #tpu.memory_space<hbm>>
    %dma_wait3A_498 = arith.constant 0 : i32
    %dma_wait3A_499 = tpu.memref_slice %arg4[%add3A_491, %select_n3A_9, %dma_wait3A_498] : memref<2048x4x2048xf32, #tpu.memory_space<hbm>> -> memref<16x1x2048xf32, #tpu.memory_space<hbm>>
    %dma_wait3A_500 = arith.constant 0 : i32
    %dma_wait3A_501 = arith.constant 0 : i32
    %dma_wait3A_502 = arith.constant 0 : i32
    %dma_wait3A_503 = tpu.memref_slice %arg9[%dma_wait3A_500, %dma_wait3A_501, %dma_wait3A_502] : memref<16x1x2048xf32, #tpu.memory_space<vmem>> -> memref<16x1x2048xf32, #tpu.memory_space<vmem>>
    tpu.wait_dma2 semaphore(%arg15 : memref<!tpu.dma_semaphore, #tpu.memory_space<semaphore_mem>>) src(%dma_wait3A_503 : memref<16x1x2048xf32, #tpu.memory_space<vmem>>) dst(%dma_wait3A_499 : memref<16x1x2048xf32, #tpu.memory_space<hbm>>)
    %dma_start3A_504 = arith.constant 8 : i32
    %dma_start3A_505 = arith.constant 0 : i32
    %dma_start3A_506 = arith.constant 0 : i32
    %dma_start3A_507 = arith.constant 0 : i32
    %dma_start3A_508 = tpu.memref_slice %arg9[%dma_start3A_505, %dma_start3A_506, %dma_start3A_507] : memref<16x1x2048xf32, #tpu.memory_space<vmem>> -> memref<16x1x2048xf32, #tpu.memory_space<vmem>>
    %dma_start3A_509 = arith.constant 0 : i32
    %dma_start3A_510 = tpu.memref_slice %arg6[%dma_start3A_504, %dma_start3A_509] : memref<17x32xi32, #tpu.memory_space<vmem>> -> memref<1x16xi32, #tpu.memory_space<vmem>>
    %dma_start3A_511 = tpu.memref_squeeze %dma_start3A_510 : memref<1x16xi32, #tpu.memory_space<vmem>> -> memref<16xi32, #tpu.memory_space<vmem>>
    %dma_start3A_512 = arith.constant 0 : i32
    %dma_start3A_513 = arith.constant 0 : i32
    %dma_start3A_514 = tpu.memref_slice %arg3[%dma_start3A_512, %select_n3A_9, %dma_start3A_513] : memref<2048x4x2048xf32, #tpu.memory_space<hbm>> -> memref<2048x1x2048xf32, #tpu.memory_space<hbm>>
    tpu.enqueue_indirect_dma source(%dma_start3A_514 : memref<2048x1x2048xf32, #tpu.memory_space<hbm>>) target(%dma_start3A_508 : memref<16x1x2048xf32, #tpu.memory_space<vmem>>) offsets(%dma_start3A_511 : memref<16xi32, #tpu.memory_space<vmem>>) semaphore(%arg12 : memref<!tpu.dma_semaphore, #tpu.memory_space<semaphore_mem>>)
    %dma_wait3A_515 = arith.constant 6 : i32
    %dma_wait3A_516 = arith.constant 0 : i32
    %dma_wait3A_517 = arith.constant 0 : i32
    %dma_wait3A_518 = arith.constant 0 : i32
    %dma_wait3A_519 = tpu.memref_slice %arg7[%dma_wait3A_516, %dma_wait3A_517, %dma_wait3A_518] : memref<16x1x2048xf32, #tpu.memory_space<vmem>> -> memref<16x1x2048xf32, #tpu.memory_space<vmem>>
    %dma_wait3A_520 = arith.constant 0 : i32
    %dma_wait3A_521 = tpu.memref_slice %arg6[%dma_wait3A_515, %dma_wait3A_520] : memref<17x32xi32, #tpu.memory_space<vmem>> -> memref<1x16xi32, #tpu.memory_space<vmem>>
    %dma_wait3A_522 = tpu.memref_squeeze %dma_wait3A_521 : memref<1x16xi32, #tpu.memory_space<vmem>> -> memref<16xi32, #tpu.memory_space<vmem>>
    %dma_wait3A_523 = arith.constant 0 : i32
    %dma_wait3A_524 = arith.constant 0 : i32
    %dma_wait3A_525 = tpu.memref_slice %arg3[%dma_wait3A_523, %select_n3A_9, %dma_wait3A_524] : memref<2048x4x2048xf32, #tpu.memory_space<hbm>> -> memref<2048x1x2048xf32, #tpu.memory_space<hbm>>
    tpu.wait_indirect_dma semaphore(%arg10 : memref<!tpu.dma_semaphore, #tpu.memory_space<semaphore_mem>>) src(%dma_wait3A_525 : memref<2048x1x2048xf32, #tpu.memory_space<hbm>>) dst(%dma_wait3A_519 : memref<16x1x2048xf32, #tpu.memory_space<vmem>>)
    %add3A_526 = arith.constant 80 : i32
    %add3A_527 = arith.addi %mul3A_32, %add3A_526 : i32
    %dma_start3A_528 = arith.constant 0 : i32
    %dma_start3A_529 = arith.constant 0 : i32
    %dma_start3A_530 = arith.constant 0 : i32
    %dma_start3A_531 = tpu.memref_slice %arg7[%dma_start3A_528, %dma_start3A_529, %dma_start3A_530] : memref<16x1x2048xf32, #tpu.memory_space<vmem>> -> memref<16x1x2048xf32, #tpu.memory_space<vmem>>
    %dma_start3A_532 = arith.constant 0 : i32
    %dma_start3A_533 = tpu.memref_slice %arg4[%add3A_527, %select_n3A_9, %dma_start3A_532] : memref<2048x4x2048xf32, #tpu.memory_space<hbm>> -> memref<16x1x2048xf32, #tpu.memory_space<hbm>>
    %dma_start3A_534 = arith.constant 0 : i32
    %dma_start3A_535 = tpu.memref_slice %arg4[%add3A_527, %select_n3A_9, %dma_start3A_534] : memref<2048x4x2048xf32, #tpu.memory_space<hbm>> -> memref<16x1x2048xf32, #tpu.memory_space<hbm>>
    %dma_start3A_536 = arith.constant 0 : i32
    %dma_start3A_537 = arith.constant 0 : i32
    %dma_start3A_538 = arith.constant 0 : i32
    %dma_start3A_539 = tpu.memref_slice %arg7[%dma_start3A_536, %dma_start3A_537, %dma_start3A_538] : memref<16x1x2048xf32, #tpu.memory_space<vmem>> -> memref<16x1x2048xf32, #tpu.memory_space<vmem>>
    tpu.enqueue_dma source(%dma_start3A_539 : memref<16x1x2048xf32, #tpu.memory_space<vmem>>) target(%dma_start3A_535 : memref<16x1x2048xf32, #tpu.memory_space<hbm>>) target_semaphore(%arg13 : memref<!tpu.dma_semaphore, #tpu.memory_space<semaphore_mem>>)
    %add3A_540 = arith.constant 80 : i32
    %add3A_541 = arith.addi %mul3A_32, %add3A_540 : i32
    %dma_wait3A_542 = arith.constant 0 : i32
    %dma_wait3A_543 = arith.constant 0 : i32
    %dma_wait3A_544 = arith.constant 0 : i32
    %dma_wait3A_545 = tpu.memref_slice %arg7[%dma_wait3A_542, %dma_wait3A_543, %dma_wait3A_544] : memref<16x1x2048xf32, #tpu.memory_space<vmem>> -> memref<16x1x2048xf32, #tpu.memory_space<vmem>>
    %dma_wait3A_546 = arith.constant 0 : i32
    %dma_wait3A_547 = tpu.memref_slice %arg4[%add3A_541, %select_n3A_9, %dma_wait3A_546] : memref<2048x4x2048xf32, #tpu.memory_space<hbm>> -> memref<16x1x2048xf32, #tpu.memory_space<hbm>>
    %dma_wait3A_548 = arith.constant 0 : i32
    %dma_wait3A_549 = tpu.memref_slice %arg4[%add3A_541, %select_n3A_9, %dma_wait3A_548] : memref<2048x4x2048xf32, #tpu.memory_space<hbm>> -> memref<16x1x2048xf32, #tpu.memory_space<hbm>>
    %dma_wait3A_550 = arith.constant 0 : i32
    %dma_wait3A_551 = arith.constant 0 : i32
    %dma_wait3A_552 = arith.constant 0 : i32
    %dma_wait3A_553 = tpu.memref_slice %arg7[%dma_wait3A_550, %dma_wait3A_551, %dma_wait3A_552] : memref<16x1x2048xf32, #tpu.memory_space<vmem>> -> memref<16x1x2048xf32, #tpu.memory_space<vmem>>
    tpu.wait_dma2 semaphore(%arg13 : memref<!tpu.dma_semaphore, #tpu.memory_space<semaphore_mem>>) src(%dma_wait3A_553 : memref<16x1x2048xf32, #tpu.memory_space<vmem>>) dst(%dma_wait3A_549 : memref<16x1x2048xf32, #tpu.memory_space<hbm>>)
    %dma_start3A_554 = arith.constant 9 : i32
    %dma_start3A_555 = arith.constant 0 : i32
    %dma_start3A_556 = arith.constant 0 : i32
    %dma_start3A_557 = arith.constant 0 : i32
    %dma_start3A_558 = tpu.memref_slice %arg7[%dma_start3A_555, %dma_start3A_556, %dma_start3A_557] : memref<16x1x2048xf32, #tpu.memory_space<vmem>> -> memref<16x1x2048xf32, #tpu.memory_space<vmem>>
    %dma_start3A_559 = arith.constant 0 : i32
    %dma_start3A_560 = tpu.memref_slice %arg6[%dma_start3A_554, %dma_start3A_559] : memref<17x32xi32, #tpu.memory_space<vmem>> -> memref<1x16xi32, #tpu.memory_space<vmem>>
    %dma_start3A_561 = tpu.memref_squeeze %dma_start3A_560 : memref<1x16xi32, #tpu.memory_space<vmem>> -> memref<16xi32, #tpu.memory_space<vmem>>
    %dma_start3A_562 = arith.constant 0 : i32
    %dma_start3A_563 = arith.constant 0 : i32
    %dma_start3A_564 = tpu.memref_slice %arg3[%dma_start3A_562, %select_n3A_9, %dma_start3A_563] : memref<2048x4x2048xf32, #tpu.memory_space<hbm>> -> memref<2048x1x2048xf32, #tpu.memory_space<hbm>>
    tpu.enqueue_indirect_dma source(%dma_start3A_564 : memref<2048x1x2048xf32, #tpu.memory_space<hbm>>) target(%dma_start3A_558 : memref<16x1x2048xf32, #tpu.memory_space<vmem>>) offsets(%dma_start3A_561 : memref<16xi32, #tpu.memory_space<vmem>>) semaphore(%arg10 : memref<!tpu.dma_semaphore, #tpu.memory_space<semaphore_mem>>)
    %dma_wait3A_565 = arith.constant 7 : i32
    %dma_wait3A_566 = arith.constant 0 : i32
    %dma_wait3A_567 = arith.constant 0 : i32
    %dma_wait3A_568 = arith.constant 0 : i32
    %dma_wait3A_569 = tpu.memref_slice %arg8[%dma_wait3A_566, %dma_wait3A_567, %dma_wait3A_568] : memref<16x1x2048xf32, #tpu.memory_space<vmem>> -> memref<16x1x2048xf32, #tpu.memory_space<vmem>>
    %dma_wait3A_570 = arith.constant 0 : i32
    %dma_wait3A_571 = tpu.memref_slice %arg6[%dma_wait3A_565, %dma_wait3A_570] : memref<17x32xi32, #tpu.memory_space<vmem>> -> memref<1x16xi32, #tpu.memory_space<vmem>>
    %dma_wait3A_572 = tpu.memref_squeeze %dma_wait3A_571 : memref<1x16xi32, #tpu.memory_space<vmem>> -> memref<16xi32, #tpu.memory_space<vmem>>
    %dma_wait3A_573 = arith.constant 0 : i32
    %dma_wait3A_574 = arith.constant 0 : i32
    %dma_wait3A_575 = tpu.memref_slice %arg3[%dma_wait3A_573, %select_n3A_9, %dma_wait3A_574] : memref<2048x4x2048xf32, #tpu.memory_space<hbm>> -> memref<2048x1x2048xf32, #tpu.memory_space<hbm>>
    tpu.wait_indirect_dma semaphore(%arg11 : memref<!tpu.dma_semaphore, #tpu.memory_space<semaphore_mem>>) src(%dma_wait3A_575 : memref<2048x1x2048xf32, #tpu.memory_space<hbm>>) dst(%dma_wait3A_569 : memref<16x1x2048xf32, #tpu.memory_space<vmem>>)
    %add3A_576 = arith.constant 96 : i32
    %add3A_577 = arith.addi %mul3A_32, %add3A_576 : i32
    %dma_start3A_578 = arith.constant 0 : i32
    %dma_start3A_579 = arith.constant 0 : i32
    %dma_start3A_580 = arith.constant 0 : i32
    %dma_start3A_581 = tpu.memref_slice %arg8[%dma_start3A_578, %dma_start3A_579, %dma_start3A_580] : memref<16x1x2048xf32, #tpu.memory_space<vmem>> -> memref<16x1x2048xf32, #tpu.memory_space<vmem>>
    %dma_start3A_582 = arith.constant 0 : i32
    %dma_start3A_583 = tpu.memref_slice %arg4[%add3A_577, %select_n3A_9, %dma_start3A_582] : memref<2048x4x2048xf32, #tpu.memory_space<hbm>> -> memref<16x1x2048xf32, #tpu.memory_space<hbm>>
    %dma_start3A_584 = arith.constant 0 : i32
    %dma_start3A_585 = tpu.memref_slice %arg4[%add3A_577, %select_n3A_9, %dma_start3A_584] : memref<2048x4x2048xf32, #tpu.memory_space<hbm>> -> memref<16x1x2048xf32, #tpu.memory_space<hbm>>
    %dma_start3A_586 = arith.constant 0 : i32
    %dma_start3A_587 = arith.constant 0 : i32
    %dma_start3A_588 = arith.constant 0 : i32
    %dma_start3A_589 = tpu.memref_slice %arg8[%dma_start3A_586, %dma_start3A_587, %dma_start3A_588] : memref<16x1x2048xf32, #tpu.memory_space<vmem>> -> memref<16x1x2048xf32, #tpu.memory_space<vmem>>
    tpu.enqueue_dma source(%dma_start3A_589 : memref<16x1x2048xf32, #tpu.memory_space<vmem>>) target(%dma_start3A_585 : memref<16x1x2048xf32, #tpu.memory_space<hbm>>) target_semaphore(%arg14 : memref<!tpu.dma_semaphore, #tpu.memory_space<semaphore_mem>>)
    %add3A_590 = arith.constant 96 : i32
    %add3A_591 = arith.addi %mul3A_32, %add3A_590 : i32
    %dma_wait3A_592 = arith.constant 0 : i32
    %dma_wait3A_593 = arith.constant 0 : i32
    %dma_wait3A_594 = arith.constant 0 : i32
    %dma_wait3A_595 = tpu.memref_slice %arg8[%dma_wait3A_592, %dma_wait3A_593, %dma_wait3A_594] : memref<16x1x2048xf32, #tpu.memory_space<vmem>> -> memref<16x1x2048xf32, #tpu.memory_space<vmem>>
    %dma_wait3A_596 = arith.constant 0 : i32
    %dma_wait3A_597 = tpu.memref_slice %arg4[%add3A_591, %select_n3A_9, %dma_wait3A_596] : memref<2048x4x2048xf32, #tpu.memory_space<hbm>> -> memref<16x1x2048xf32, #tpu.memory_space<hbm>>
    %dma_wait3A_598 = arith.constant 0 : i32
    %dma_wait3A_599 = tpu.memref_slice %arg4[%add3A_591, %select_n3A_9, %dma_wait3A_598] : memref<2048x4x2048xf32, #tpu.memory_space<hbm>> -> memref<16x1x2048xf32, #tpu.memory_space<hbm>>
    %dma_wait3A_600 = arith.constant 0 : i32
    %dma_wait3A_601 = arith.constant 0 : i32
    %dma_wait3A_602 = arith.constant 0 : i32
    %dma_wait3A_603 = tpu.memref_slice %arg8[%dma_wait3A_600, %dma_wait3A_601, %dma_wait3A_602] : memref<16x1x2048xf32, #tpu.memory_space<vmem>> -> memref<16x1x2048xf32, #tpu.memory_space<vmem>>
    tpu.wait_dma2 semaphore(%arg14 : memref<!tpu.dma_semaphore, #tpu.memory_space<semaphore_mem>>) src(%dma_wait3A_603 : memref<16x1x2048xf32, #tpu.memory_space<vmem>>) dst(%dma_wait3A_599 : memref<16x1x2048xf32, #tpu.memory_space<hbm>>)
    %dma_start3A_604 = arith.constant 10 : i32
    %dma_start3A_605 = arith.constant 0 : i32
    %dma_start3A_606 = arith.constant 0 : i32
    %dma_start3A_607 = arith.constant 0 : i32
    %dma_start3A_608 = tpu.memref_slice %arg8[%dma_start3A_605, %dma_start3A_606, %dma_start3A_607] : memref<16x1x2048xf32, #tpu.memory_space<vmem>> -> memref<16x1x2048xf32, #tpu.memory_space<vmem>>
    %dma_start3A_609 = arith.constant 0 : i32
    %dma_start3A_610 = tpu.memref_slice %arg6[%dma_start3A_604, %dma_start3A_609] : memref<17x32xi32, #tpu.memory_space<vmem>> -> memref<1x16xi32, #tpu.memory_space<vmem>>
    %dma_start3A_611 = tpu.memref_squeeze %dma_start3A_610 : memref<1x16xi32, #tpu.memory_space<vmem>> -> memref<16xi32, #tpu.memory_space<vmem>>
    %dma_start3A_612 = arith.constant 0 : i32
    %dma_start3A_613 = arith.constant 0 : i32
    %dma_start3A_614 = tpu.memref_slice %arg3[%dma_start3A_612, %select_n3A_9, %dma_start3A_613] : memref<2048x4x2048xf32, #tpu.memory_space<hbm>> -> memref<2048x1x2048xf32, #tpu.memory_space<hbm>>
    tpu.enqueue_indirect_dma source(%dma_start3A_614 : memref<2048x1x2048xf32, #tpu.memory_space<hbm>>) target(%dma_start3A_608 : memref<16x1x2048xf32, #tpu.memory_space<vmem>>) offsets(%dma_start3A_611 : memref<16xi32, #tpu.memory_space<vmem>>) semaphore(%arg11 : memref<!tpu.dma_semaphore, #tpu.memory_space<semaphore_mem>>)
    %dma_wait3A_615 = arith.constant 8 : i32
    %dma_wait3A_616 = arith.constant 0 : i32
    %dma_wait3A_617 = arith.constant 0 : i32
    %dma_wait3A_618 = arith.constant 0 : i32
    %dma_wait3A_619 = tpu.memref_slice %arg9[%dma_wait3A_616, %dma_wait3A_617, %dma_wait3A_618] : memref<16x1x2048xf32, #tpu.memory_space<vmem>> -> memref<16x1x2048xf32, #tpu.memory_space<vmem>>
    %dma_wait3A_620 = arith.constant 0 : i32
    %dma_wait3A_621 = tpu.memref_slice %arg6[%dma_wait3A_615, %dma_wait3A_620] : memref<17x32xi32, #tpu.memory_space<vmem>> -> memref<1x16xi32, #tpu.memory_space<vmem>>
    %dma_wait3A_622 = tpu.memref_squeeze %dma_wait3A_621 : memref<1x16xi32, #tpu.memory_space<vmem>> -> memref<16xi32, #tpu.memory_space<vmem>>
    %dma_wait3A_623 = arith.constant 0 : i32
    %dma_wait3A_624 = arith.constant 0 : i32
    %dma_wait3A_625 = tpu.memref_slice %arg3[%dma_wait3A_623, %select_n3A_9, %dma_wait3A_624] : memref<2048x4x2048xf32, #tpu.memory_space<hbm>> -> memref<2048x1x2048xf32, #tpu.memory_space<hbm>>
    tpu.wait_indirect_dma semaphore(%arg12 : memref<!tpu.dma_semaphore, #tpu.memory_space<semaphore_mem>>) src(%dma_wait3A_625 : memref<2048x1x2048xf32, #tpu.memory_space<hbm>>) dst(%dma_wait3A_619 : memref<16x1x2048xf32, #tpu.memory_space<vmem>>)
    %add3A_626 = arith.constant 112 : i32
    %add3A_627 = arith.addi %mul3A_32, %add3A_626 : i32
    %dma_start3A_628 = arith.constant 0 : i32
    %dma_start3A_629 = arith.constant 0 : i32
    %dma_start3A_630 = arith.constant 0 : i32
    %dma_start3A_631 = tpu.memref_slice %arg9[%dma_start3A_628, %dma_start3A_629, %dma_start3A_630] : memref<16x1x2048xf32, #tpu.memory_space<vmem>> -> memref<16x1x2048xf32, #tpu.memory_space<vmem>>
    %dma_start3A_632 = arith.constant 0 : i32
    %dma_start3A_633 = tpu.memref_slice %arg4[%add3A_627, %select_n3A_9, %dma_start3A_632] : memref<2048x4x2048xf32, #tpu.memory_space<hbm>> -> memref<16x1x2048xf32, #tpu.memory_space<hbm>>
    %dma_start3A_634 = arith.constant 0 : i32
    %dma_start3A_635 = tpu.memref_slice %arg4[%add3A_627, %select_n3A_9, %dma_start3A_634] : memref<2048x4x2048xf32, #tpu.memory_space<hbm>> -> memref<16x1x2048xf32, #tpu.memory_space<hbm>>
    %dma_start3A_636 = arith.constant 0 : i32
    %dma_start3A_637 = arith.constant 0 : i32
    %dma_start3A_638 = arith.constant 0 : i32
    %dma_start3A_639 = tpu.memref_slice %arg9[%dma_start3A_636, %dma_start3A_637, %dma_start3A_638] : memref<16x1x2048xf32, #tpu.memory_space<vmem>> -> memref<16x1x2048xf32, #tpu.memory_space<vmem>>
    tpu.enqueue_dma source(%dma_start3A_639 : memref<16x1x2048xf32, #tpu.memory_space<vmem>>) target(%dma_start3A_635 : memref<16x1x2048xf32, #tpu.memory_space<hbm>>) target_semaphore(%arg15 : memref<!tpu.dma_semaphore, #tpu.memory_space<semaphore_mem>>)
    %add3A_640 = arith.constant 112 : i32
    %add3A_641 = arith.addi %mul3A_32, %add3A_640 : i32
    %dma_wait3A_642 = arith.constant 0 : i32
    %dma_wait3A_643 = arith.constant 0 : i32
    %dma_wait3A_644 = arith.constant 0 : i32
    %dma_wait3A_645 = tpu.memref_slice %arg9[%dma_wait3A_642, %dma_wait3A_643, %dma_wait3A_644] : memref<16x1x2048xf32, #tpu.memory_space<vmem>> -> memref<16x1x2048xf32, #tpu.memory_space<vmem>>
    %dma_wait3A_646 = arith.constant 0 : i32
    %dma_wait3A_647 = tpu.memref_slice %arg4[%add3A_641, %select_n3A_9, %dma_wait3A_646] : memref<2048x4x2048xf32, #tpu.memory_space<hbm>> -> memref<16x1x2048xf32, #tpu.memory_space<hbm>>
    %dma_wait3A_648 = arith.constant 0 : i32
    %dma_wait3A_649 = tpu.memref_slice %arg4[%add3A_641, %select_n3A_9, %dma_wait3A_648] : memref<2048x4x2048xf32, #tpu.memory_space<hbm>> -> memref<16x1x2048xf32, #tpu.memory_space<hbm>>
    %dma_wait3A_650 = arith.constant 0 : i32
    %dma_wait3A_651 = arith.constant 0 : i32
    %dma_wait3A_652 = arith.constant 0 : i32
    %dma_wait3A_653 = tpu.memref_slice %arg9[%dma_wait3A_650, %dma_wait3A_651, %dma_wait3A_652] : memref<16x1x2048xf32, #tpu.memory_space<vmem>> -> memref<16x1x2048xf32, #tpu.memory_space<vmem>>
    tpu.wait_dma2 semaphore(%arg15 : memref<!tpu.dma_semaphore, #tpu.memory_space<semaphore_mem>>) src(%dma_wait3A_653 : memref<16x1x2048xf32, #tpu.memory_space<vmem>>) dst(%dma_wait3A_649 : memref<16x1x2048xf32, #tpu.memory_space<hbm>>)
    %dma_start3A_654 = arith.constant 11 : i32
    %dma_start3A_655 = arith.constant 0 : i32
    %dma_start3A_656 = arith.constant 0 : i32
    %dma_start3A_657 = arith.constant 0 : i32
    %dma_start3A_658 = tpu.memref_slice %arg9[%dma_start3A_655, %dma_start3A_656, %dma_start3A_657] : memref<16x1x2048xf32, #tpu.memory_space<vmem>> -> memref<16x1x2048xf32, #tpu.memory_space<vmem>>
    %dma_start3A_659 = arith.constant 0 : i32
    %dma_start3A_660 = tpu.memref_slice %arg6[%dma_start3A_654, %dma_start3A_659] : memref<17x32xi32, #tpu.memory_space<vmem>> -> memref<1x16xi32, #tpu.memory_space<vmem>>
    %dma_start3A_661 = tpu.memref_squeeze %dma_start3A_660 : memref<1x16xi32, #tpu.memory_space<vmem>> -> memref<16xi32, #tpu.memory_space<vmem>>
    %dma_start3A_662 = arith.constant 0 : i32
    %dma_start3A_663 = arith.constant 0 : i32
    %dma_start3A_664 = tpu.memref_slice %arg3[%dma_start3A_662, %select_n3A_9, %dma_start3A_663] : memref<2048x4x2048xf32, #tpu.memory_space<hbm>> -> memref<2048x1x2048xf32, #tpu.memory_space<hbm>>
    tpu.enqueue_indirect_dma source(%dma_start3A_664 : memref<2048x1x2048xf32, #tpu.memory_space<hbm>>) target(%dma_start3A_658 : memref<16x1x2048xf32, #tpu.memory_space<vmem>>) offsets(%dma_start3A_661 : memref<16xi32, #tpu.memory_space<vmem>>) semaphore(%arg12 : memref<!tpu.dma_semaphore, #tpu.memory_space<semaphore_mem>>)
    %dma_wait3A_665 = arith.constant 9 : i32
    %dma_wait3A_666 = arith.constant 0 : i32
    %dma_wait3A_667 = arith.constant 0 : i32
    %dma_wait3A_668 = arith.constant 0 : i32
    %dma_wait3A_669 = tpu.memref_slice %arg7[%dma_wait3A_666, %dma_wait3A_667, %dma_wait3A_668] : memref<16x1x2048xf32, #tpu.memory_space<vmem>> -> memref<16x1x2048xf32, #tpu.memory_space<vmem>>
    %dma_wait3A_670 = arith.constant 0 : i32
    %dma_wait3A_671 = tpu.memref_slice %arg6[%dma_wait3A_665, %dma_wait3A_670] : memref<17x32xi32, #tpu.memory_space<vmem>> -> memref<1x16xi32, #tpu.memory_space<vmem>>
    %dma_wait3A_672 = tpu.memref_squeeze %dma_wait3A_671 : memref<1x16xi32, #tpu.memory_space<vmem>> -> memref<16xi32, #tpu.memory_space<vmem>>
    %dma_wait3A_673 = arith.constant 0 : i32
    %dma_wait3A_674 = arith.constant 0 : i32
    %dma_wait3A_675 = tpu.memref_slice %arg3[%dma_wait3A_673, %select_n3A_9, %dma_wait3A_674] : memref<2048x4x2048xf32, #tpu.memory_space<hbm>> -> memref<2048x1x2048xf32, #tpu.memory_space<hbm>>
    tpu.wait_indirect_dma semaphore(%arg10 : memref<!tpu.dma_semaphore, #tpu.memory_space<semaphore_mem>>) src(%dma_wait3A_675 : memref<2048x1x2048xf32, #tpu.memory_space<hbm>>) dst(%dma_wait3A_669 : memref<16x1x2048xf32, #tpu.memory_space<vmem>>)
    %add3A_676 = arith.constant 128 : i32
    %add3A_677 = arith.addi %mul3A_32, %add3A_676 : i32
    %dma_start3A_678 = arith.constant 0 : i32
    %dma_start3A_679 = arith.constant 0 : i32
    %dma_start3A_680 = arith.constant 0 : i32
    %dma_start3A_681 = tpu.memref_slice %arg7[%dma_start3A_678, %dma_start3A_679, %dma_start3A_680] : memref<16x1x2048xf32, #tpu.memory_space<vmem>> -> memref<16x1x2048xf32, #tpu.memory_space<vmem>>
    %dma_start3A_682 = arith.constant 0 : i32
    %dma_start3A_683 = tpu.memref_slice %arg4[%add3A_677, %select_n3A_9, %dma_start3A_682] : memref<2048x4x2048xf32, #tpu.memory_space<hbm>> -> memref<16x1x2048xf32, #tpu.memory_space<hbm>>
    %dma_start3A_684 = arith.constant 0 : i32
    %dma_start3A_685 = tpu.memref_slice %arg4[%add3A_677, %select_n3A_9, %dma_start3A_684] : memref<2048x4x2048xf32, #tpu.memory_space<hbm>> -> memref<16x1x2048xf32, #tpu.memory_space<hbm>>
    %dma_start3A_686 = arith.constant 0 : i32
    %dma_start3A_687 = arith.constant 0 : i32
    %dma_start3A_688 = arith.constant 0 : i32
    %dma_start3A_689 = tpu.memref_slice %arg7[%dma_start3A_686, %dma_start3A_687, %dma_start3A_688] : memref<16x1x2048xf32, #tpu.memory_space<vmem>> -> memref<16x1x2048xf32, #tpu.memory_space<vmem>>
    tpu.enqueue_dma source(%dma_start3A_689 : memref<16x1x2048xf32, #tpu.memory_space<vmem>>) target(%dma_start3A_685 : memref<16x1x2048xf32, #tpu.memory_space<hbm>>) target_semaphore(%arg13 : memref<!tpu.dma_semaphore, #tpu.memory_space<semaphore_mem>>)
    %add3A_690 = arith.constant 128 : i32
    %add3A_691 = arith.addi %mul3A_32, %add3A_690 : i32
    %dma_wait3A_692 = arith.constant 0 : i32
    %dma_wait3A_693 = arith.constant 0 : i32
    %dma_wait3A_694 = arith.constant 0 : i32
    %dma_wait3A_695 = tpu.memref_slice %arg7[%dma_wait3A_692, %dma_wait3A_693, %dma_wait3A_694] : memref<16x1x2048xf32, #tpu.memory_space<vmem>> -> memref<16x1x2048xf32, #tpu.memory_space<vmem>>
    %dma_wait3A_696 = arith.constant 0 : i32
    %dma_wait3A_697 = tpu.memref_slice %arg4[%add3A_691, %select_n3A_9, %dma_wait3A_696] : memref<2048x4x2048xf32, #tpu.memory_space<hbm>> -> memref<16x1x2048xf32, #tpu.memory_space<hbm>>
    %dma_wait3A_698 = arith.constant 0 : i32
    %dma_wait3A_699 = tpu.memref_slice %arg4[%add3A_691, %select_n3A_9, %dma_wait3A_698] : memref<2048x4x2048xf32, #tpu.memory_space<hbm>> -> memref<16x1x2048xf32, #tpu.memory_space<hbm>>
    %dma_wait3A_700 = arith.constant 0 : i32
    %dma_wait3A_701 = arith.constant 0 : i32
    %dma_wait3A_702 = arith.constant 0 : i32
    %dma_wait3A_703 = tpu.memref_slice %arg7[%dma_wait3A_700, %dma_wait3A_701, %dma_wait3A_702] : memref<16x1x2048xf32, #tpu.memory_space<vmem>> -> memref<16x1x2048xf32, #tpu.memory_space<vmem>>
    tpu.wait_dma2 semaphore(%arg13 : memref<!tpu.dma_semaphore, #tpu.memory_space<semaphore_mem>>) src(%dma_wait3A_703 : memref<16x1x2048xf32, #tpu.memory_space<vmem>>) dst(%dma_wait3A_699 : memref<16x1x2048xf32, #tpu.memory_space<hbm>>)
    %dma_start3A_704 = arith.constant 12 : i32
    %dma_start3A_705 = arith.constant 0 : i32
    %dma_start3A_706 = arith.constant 0 : i32
    %dma_start3A_707 = arith.constant 0 : i32
    %dma_start3A_708 = tpu.memref_slice %arg7[%dma_start3A_705, %dma_start3A_706, %dma_start3A_707] : memref<16x1x2048xf32, #tpu.memory_space<vmem>> -> memref<16x1x2048xf32, #tpu.memory_space<vmem>>
    %dma_start3A_709 = arith.constant 0 : i32
    %dma_start3A_710 = tpu.memref_slice %arg6[%dma_start3A_704, %dma_start3A_709] : memref<17x32xi32, #tpu.memory_space<vmem>> -> memref<1x16xi32, #tpu.memory_space<vmem>>
    %dma_start3A_711 = tpu.memref_squeeze %dma_start3A_710 : memref<1x16xi32, #tpu.memory_space<vmem>> -> memref<16xi32, #tpu.memory_space<vmem>>
    %dma_start3A_712 = arith.constant 0 : i32
    %dma_start3A_713 = arith.constant 0 : i32
    %dma_start3A_714 = tpu.memref_slice %arg3[%dma_start3A_712, %select_n3A_9, %dma_start3A_713] : memref<2048x4x2048xf32, #tpu.memory_space<hbm>> -> memref<2048x1x2048xf32, #tpu.memory_space<hbm>>
    tpu.enqueue_indirect_dma source(%dma_start3A_714 : memref<2048x1x2048xf32, #tpu.memory_space<hbm>>) target(%dma_start3A_708 : memref<16x1x2048xf32, #tpu.memory_space<vmem>>) offsets(%dma_start3A_711 : memref<16xi32, #tpu.memory_space<vmem>>) semaphore(%arg10 : memref<!tpu.dma_semaphore, #tpu.memory_space<semaphore_mem>>)
    %dma_wait3A_715 = arith.constant 10 : i32
    %dma_wait3A_716 = arith.constant 0 : i32
    %dma_wait3A_717 = arith.constant 0 : i32
    %dma_wait3A_718 = arith.constant 0 : i32
    %dma_wait3A_719 = tpu.memref_slice %arg8[%dma_wait3A_716, %dma_wait3A_717, %dma_wait3A_718] : memref<16x1x2048xf32, #tpu.memory_space<vmem>> -> memref<16x1x2048xf32, #tpu.memory_space<vmem>>
    %dma_wait3A_720 = arith.constant 0 : i32
    %dma_wait3A_721 = tpu.memref_slice %arg6[%dma_wait3A_715, %dma_wait3A_720] : memref<17x32xi32, #tpu.memory_space<vmem>> -> memref<1x16xi32, #tpu.memory_space<vmem>>
    %dma_wait3A_722 = tpu.memref_squeeze %dma_wait3A_721 : memref<1x16xi32, #tpu.memory_space<vmem>> -> memref<16xi32, #tpu.memory_space<vmem>>
    %dma_wait3A_723 = arith.constant 0 : i32
    %dma_wait3A_724 = arith.constant 0 : i32
    %dma_wait3A_725 = tpu.memref_slice %arg3[%dma_wait3A_723, %select_n3A_9, %dma_wait3A_724] : memref<2048x4x2048xf32, #tpu.memory_space<hbm>> -> memref<2048x1x2048xf32, #tpu.memory_space<hbm>>
    tpu.wait_indirect_dma semaphore(%arg11 : memref<!tpu.dma_semaphore, #tpu.memory_space<semaphore_mem>>) src(%dma_wait3A_725 : memref<2048x1x2048xf32, #tpu.memory_space<hbm>>) dst(%dma_wait3A_719 : memref<16x1x2048xf32, #tpu.memory_space<vmem>>)
    %add3A_726 = arith.constant 144 : i32
    %add3A_727 = arith.addi %mul3A_32, %add3A_726 : i32
    %dma_start3A_728 = arith.constant 0 : i32
    %dma_start3A_729 = arith.constant 0 : i32
    %dma_start3A_730 = arith.constant 0 : i32
    %dma_start3A_731 = tpu.memref_slice %arg8[%dma_start3A_728, %dma_start3A_729, %dma_start3A_730] : memref<16x1x2048xf32, #tpu.memory_space<vmem>> -> memref<16x1x2048xf32, #tpu.memory_space<vmem>>
    %dma_start3A_732 = arith.constant 0 : i32
    %dma_start3A_733 = tpu.memref_slice %arg4[%add3A_727, %select_n3A_9, %dma_start3A_732] : memref<2048x4x2048xf32, #tpu.memory_space<hbm>> -> memref<16x1x2048xf32, #tpu.memory_space<hbm>>
    %dma_start3A_734 = arith.constant 0 : i32
    %dma_start3A_735 = tpu.memref_slice %arg4[%add3A_727, %select_n3A_9, %dma_start3A_734] : memref<2048x4x2048xf32, #tpu.memory_space<hbm>> -> memref<16x1x2048xf32, #tpu.memory_space<hbm>>
    %dma_start3A_736 = arith.constant 0 : i32
    %dma_start3A_737 = arith.constant 0 : i32
    %dma_start3A_738 = arith.constant 0 : i32
    %dma_start3A_739 = tpu.memref_slice %arg8[%dma_start3A_736, %dma_start3A_737, %dma_start3A_738] : memref<16x1x2048xf32, #tpu.memory_space<vmem>> -> memref<16x1x2048xf32, #tpu.memory_space<vmem>>
    tpu.enqueue_dma source(%dma_start3A_739 : memref<16x1x2048xf32, #tpu.memory_space<vmem>>) target(%dma_start3A_735 : memref<16x1x2048xf32, #tpu.memory_space<hbm>>) target_semaphore(%arg14 : memref<!tpu.dma_semaphore, #tpu.memory_space<semaphore_mem>>)
    %add3A_740 = arith.constant 144 : i32
    %add3A_741 = arith.addi %mul3A_32, %add3A_740 : i32
    %dma_wait3A_742 = arith.constant 0 : i32
    %dma_wait3A_743 = arith.constant 0 : i32
    %dma_wait3A_744 = arith.constant 0 : i32
    %dma_wait3A_745 = tpu.memref_slice %arg8[%dma_wait3A_742, %dma_wait3A_743, %dma_wait3A_744] : memref<16x1x2048xf32, #tpu.memory_space<vmem>> -> memref<16x1x2048xf32, #tpu.memory_space<vmem>>
    %dma_wait3A_746 = arith.constant 0 : i32
    %dma_wait3A_747 = tpu.memref_slice %arg4[%add3A_741, %select_n3A_9, %dma_wait3A_746] : memref<2048x4x2048xf32, #tpu.memory_space<hbm>> -> memref<16x1x2048xf32, #tpu.memory_space<hbm>>
    %dma_wait3A_748 = arith.constant 0 : i32
    %dma_wait3A_749 = tpu.memref_slice %arg4[%add3A_741, %select_n3A_9, %dma_wait3A_748] : memref<2048x4x2048xf32, #tpu.memory_space<hbm>> -> memref<16x1x2048xf32, #tpu.memory_space<hbm>>
    %dma_wait3A_750 = arith.constant 0 : i32
    %dma_wait3A_751 = arith.constant 0 : i32
    %dma_wait3A_752 = arith.constant 0 : i32
    %dma_wait3A_753 = tpu.memref_slice %arg8[%dma_wait3A_750, %dma_wait3A_751, %dma_wait3A_752] : memref<16x1x2048xf32, #tpu.memory_space<vmem>> -> memref<16x1x2048xf32, #tpu.memory_space<vmem>>
    tpu.wait_dma2 semaphore(%arg14 : memref<!tpu.dma_semaphore, #tpu.memory_space<semaphore_mem>>) src(%dma_wait3A_753 : memref<16x1x2048xf32, #tpu.memory_space<vmem>>) dst(%dma_wait3A_749 : memref<16x1x2048xf32, #tpu.memory_space<hbm>>)
    %dma_start3A_754 = arith.constant 13 : i32
    %dma_start3A_755 = arith.constant 0 : i32
    %dma_start3A_756 = arith.constant 0 : i32
    %dma_start3A_757 = arith.constant 0 : i32
    %dma_start3A_758 = tpu.memref_slice %arg8[%dma_start3A_755, %dma_start3A_756, %dma_start3A_757] : memref<16x1x2048xf32, #tpu.memory_space<vmem>> -> memref<16x1x2048xf32, #tpu.memory_space<vmem>>
    %dma_start3A_759 = arith.constant 0 : i32
    %dma_start3A_760 = tpu.memref_slice %arg6[%dma_start3A_754, %dma_start3A_759] : memref<17x32xi32, #tpu.memory_space<vmem>> -> memref<1x16xi32, #tpu.memory_space<vmem>>
    %dma_start3A_761 = tpu.memref_squeeze %dma_start3A_760 : memref<1x16xi32, #tpu.memory_space<vmem>> -> memref<16xi32, #tpu.memory_space<vmem>>
    %dma_start3A_762 = arith.constant 0 : i32
    %dma_start3A_763 = arith.constant 0 : i32
    %dma_start3A_764 = tpu.memref_slice %arg3[%dma_start3A_762, %select_n3A_9, %dma_start3A_763] : memref<2048x4x2048xf32, #tpu.memory_space<hbm>> -> memref<2048x1x2048xf32, #tpu.memory_space<hbm>>
    tpu.enqueue_indirect_dma source(%dma_start3A_764 : memref<2048x1x2048xf32, #tpu.memory_space<hbm>>) target(%dma_start3A_758 : memref<16x1x2048xf32, #tpu.memory_space<vmem>>) offsets(%dma_start3A_761 : memref<16xi32, #tpu.memory_space<vmem>>) semaphore(%arg11 : memref<!tpu.dma_semaphore, #tpu.memory_space<semaphore_mem>>)
    %dma_wait3A_765 = arith.constant 11 : i32
    %dma_wait3A_766 = arith.constant 0 : i32
    %dma_wait3A_767 = arith.constant 0 : i32
    %dma_wait3A_768 = arith.constant 0 : i32
    %dma_wait3A_769 = tpu.memref_slice %arg9[%dma_wait3A_766, %dma_wait3A_767, %dma_wait3A_768] : memref<16x1x2048xf32, #tpu.memory_space<vmem>> -> memref<16x1x2048xf32, #tpu.memory_space<vmem>>
    %dma_wait3A_770 = arith.constant 0 : i32
    %dma_wait3A_771 = tpu.memref_slice %arg6[%dma_wait3A_765, %dma_wait3A_770] : memref<17x32xi32, #tpu.memory_space<vmem>> -> memref<1x16xi32, #tpu.memory_space<vmem>>
    %dma_wait3A_772 = tpu.memref_squeeze %dma_wait3A_771 : memref<1x16xi32, #tpu.memory_space<vmem>> -> memref<16xi32, #tpu.memory_space<vmem>>
    %dma_wait3A_773 = arith.constant 0 : i32
    %dma_wait3A_774 = arith.constant 0 : i32
    %dma_wait3A_775 = tpu.memref_slice %arg3[%dma_wait3A_773, %select_n3A_9, %dma_wait3A_774] : memref<2048x4x2048xf32, #tpu.memory_space<hbm>> -> memref<2048x1x2048xf32, #tpu.memory_space<hbm>>
    tpu.wait_indirect_dma semaphore(%arg12 : memref<!tpu.dma_semaphore, #tpu.memory_space<semaphore_mem>>) src(%dma_wait3A_775 : memref<2048x1x2048xf32, #tpu.memory_space<hbm>>) dst(%dma_wait3A_769 : memref<16x1x2048xf32, #tpu.memory_space<vmem>>)
    %add3A_776 = arith.constant 160 : i32
    %add3A_777 = arith.addi %mul3A_32, %add3A_776 : i32
    %dma_start3A_778 = arith.constant 0 : i32
    %dma_start3A_779 = arith.constant 0 : i32
    %dma_start3A_780 = arith.constant 0 : i32
    %dma_start3A_781 = tpu.memref_slice %arg9[%dma_start3A_778, %dma_start3A_779, %dma_start3A_780] : memref<16x1x2048xf32, #tpu.memory_space<vmem>> -> memref<16x1x2048xf32, #tpu.memory_space<vmem>>
    %dma_start3A_782 = arith.constant 0 : i32
    %dma_start3A_783 = tpu.memref_slice %arg4[%add3A_777, %select_n3A_9, %dma_start3A_782] : memref<2048x4x2048xf32, #tpu.memory_space<hbm>> -> memref<16x1x2048xf32, #tpu.memory_space<hbm>>
    %dma_start3A_784 = arith.constant 0 : i32
    %dma_start3A_785 = tpu.memref_slice %arg4[%add3A_777, %select_n3A_9, %dma_start3A_784] : memref<2048x4x2048xf32, #tpu.memory_space<hbm>> -> memref<16x1x2048xf32, #tpu.memory_space<hbm>>
    %dma_start3A_786 = arith.constant 0 : i32
    %dma_start3A_787 = arith.constant 0 : i32
    %dma_start3A_788 = arith.constant 0 : i32
    %dma_start3A_789 = tpu.memref_slice %arg9[%dma_start3A_786, %dma_start3A_787, %dma_start3A_788] : memref<16x1x2048xf32, #tpu.memory_space<vmem>> -> memref<16x1x2048xf32, #tpu.memory_space<vmem>>
    tpu.enqueue_dma source(%dma_start3A_789 : memref<16x1x2048xf32, #tpu.memory_space<vmem>>) target(%dma_start3A_785 : memref<16x1x2048xf32, #tpu.memory_space<hbm>>) target_semaphore(%arg15 : memref<!tpu.dma_semaphore, #tpu.memory_space<semaphore_mem>>)
    %add3A_790 = arith.constant 160 : i32
    %add3A_791 = arith.addi %mul3A_32, %add3A_790 : i32
    %dma_wait3A_792 = arith.constant 0 : i32
    %dma_wait3A_793 = arith.constant 0 : i32
    %dma_wait3A_794 = arith.constant 0 : i32
    %dma_wait3A_795 = tpu.memref_slice %arg9[%dma_wait3A_792, %dma_wait3A_793, %dma_wait3A_794] : memref<16x1x2048xf32, #tpu.memory_space<vmem>> -> memref<16x1x2048xf32, #tpu.memory_space<vmem>>
    %dma_wait3A_796 = arith.constant 0 : i32
    %dma_wait3A_797 = tpu.memref_slice %arg4[%add3A_791, %select_n3A_9, %dma_wait3A_796] : memref<2048x4x2048xf32, #tpu.memory_space<hbm>> -> memref<16x1x2048xf32, #tpu.memory_space<hbm>>
    %dma_wait3A_798 = arith.constant 0 : i32
    %dma_wait3A_799 = tpu.memref_slice %arg4[%add3A_791, %select_n3A_9, %dma_wait3A_798] : memref<2048x4x2048xf32, #tpu.memory_space<hbm>> -> memref<16x1x2048xf32, #tpu.memory_space<hbm>>
    %dma_wait3A_800 = arith.constant 0 : i32
    %dma_wait3A_801 = arith.constant 0 : i32
    %dma_wait3A_802 = arith.constant 0 : i32
    %dma_wait3A_803 = tpu.memref_slice %arg9[%dma_wait3A_800, %dma_wait3A_801, %dma_wait3A_802] : memref<16x1x2048xf32, #tpu.memory_space<vmem>> -> memref<16x1x2048xf32, #tpu.memory_space<vmem>>
    tpu.wait_dma2 semaphore(%arg15 : memref<!tpu.dma_semaphore, #tpu.memory_space<semaphore_mem>>) src(%dma_wait3A_803 : memref<16x1x2048xf32, #tpu.memory_space<vmem>>) dst(%dma_wait3A_799 : memref<16x1x2048xf32, #tpu.memory_space<hbm>>)
    %dma_start3A_804 = arith.constant 14 : i32
    %dma_start3A_805 = arith.constant 0 : i32
    %dma_start3A_806 = arith.constant 0 : i32
    %dma_start3A_807 = arith.constant 0 : i32
    %dma_start3A_808 = tpu.memref_slice %arg9[%dma_start3A_805, %dma_start3A_806, %dma_start3A_807] : memref<16x1x2048xf32, #tpu.memory_space<vmem>> -> memref<16x1x2048xf32, #tpu.memory_space<vmem>>
    %dma_start3A_809 = arith.constant 0 : i32
    %dma_start3A_810 = tpu.memref_slice %arg6[%dma_start3A_804, %dma_start3A_809] : memref<17x32xi32, #tpu.memory_space<vmem>> -> memref<1x16xi32, #tpu.memory_space<vmem>>
    %dma_start3A_811 = tpu.memref_squeeze %dma_start3A_810 : memref<1x16xi32, #tpu.memory_space<vmem>> -> memref<16xi32, #tpu.memory_space<vmem>>
    %dma_start3A_812 = arith.constant 0 : i32
    %dma_start3A_813 = arith.constant 0 : i32
    %dma_start3A_814 = tpu.memref_slice %arg3[%dma_start3A_812, %select_n3A_9, %dma_start3A_813] : memref<2048x4x2048xf32, #tpu.memory_space<hbm>> -> memref<2048x1x2048xf32, #tpu.memory_space<hbm>>
    tpu.enqueue_indirect_dma source(%dma_start3A_814 : memref<2048x1x2048xf32, #tpu.memory_space<hbm>>) target(%dma_start3A_808 : memref<16x1x2048xf32, #tpu.memory_space<vmem>>) offsets(%dma_start3A_811 : memref<16xi32, #tpu.memory_space<vmem>>) semaphore(%arg12 : memref<!tpu.dma_semaphore, #tpu.memory_space<semaphore_mem>>)
    %dma_wait3A_815 = arith.constant 12 : i32
    %dma_wait3A_816 = arith.constant 0 : i32
    %dma_wait3A_817 = arith.constant 0 : i32
    %dma_wait3A_818 = arith.constant 0 : i32
    %dma_wait3A_819 = tpu.memref_slice %arg7[%dma_wait3A_816, %dma_wait3A_817, %dma_wait3A_818] : memref<16x1x2048xf32, #tpu.memory_space<vmem>> -> memref<16x1x2048xf32, #tpu.memory_space<vmem>>
    %dma_wait3A_820 = arith.constant 0 : i32
    %dma_wait3A_821 = tpu.memref_slice %arg6[%dma_wait3A_815, %dma_wait3A_820] : memref<17x32xi32, #tpu.memory_space<vmem>> -> memref<1x16xi32, #tpu.memory_space<vmem>>
    %dma_wait3A_822 = tpu.memref_squeeze %dma_wait3A_821 : memref<1x16xi32, #tpu.memory_space<vmem>> -> memref<16xi32, #tpu.memory_space<vmem>>
    %dma_wait3A_823 = arith.constant 0 : i32
    %dma_wait3A_824 = arith.constant 0 : i32
    %dma_wait3A_825 = tpu.memref_slice %arg3[%dma_wait3A_823, %select_n3A_9, %dma_wait3A_824] : memref<2048x4x2048xf32, #tpu.memory_space<hbm>> -> memref<2048x1x2048xf32, #tpu.memory_space<hbm>>
    tpu.wait_indirect_dma semaphore(%arg10 : memref<!tpu.dma_semaphore, #tpu.memory_space<semaphore_mem>>) src(%dma_wait3A_825 : memref<2048x1x2048xf32, #tpu.memory_space<hbm>>) dst(%dma_wait3A_819 : memref<16x1x2048xf32, #tpu.memory_space<vmem>>)
    %add3A_826 = arith.constant 176 : i32
    %add3A_827 = arith.addi %mul3A_32, %add3A_826 : i32
    %dma_start3A_828 = arith.constant 0 : i32
    %dma_start3A_829 = arith.constant 0 : i32
    %dma_start3A_830 = arith.constant 0 : i32
    %dma_start3A_831 = tpu.memref_slice %arg7[%dma_start3A_828, %dma_start3A_829, %dma_start3A_830] : memref<16x1x2048xf32, #tpu.memory_space<vmem>> -> memref<16x1x2048xf32, #tpu.memory_space<vmem>>
    %dma_start3A_832 = arith.constant 0 : i32
    %dma_start3A_833 = tpu.memref_slice %arg4[%add3A_827, %select_n3A_9, %dma_start3A_832] : memref<2048x4x2048xf32, #tpu.memory_space<hbm>> -> memref<16x1x2048xf32, #tpu.memory_space<hbm>>
    %dma_start3A_834 = arith.constant 0 : i32
    %dma_start3A_835 = tpu.memref_slice %arg4[%add3A_827, %select_n3A_9, %dma_start3A_834] : memref<2048x4x2048xf32, #tpu.memory_space<hbm>> -> memref<16x1x2048xf32, #tpu.memory_space<hbm>>
    %dma_start3A_836 = arith.constant 0 : i32
    %dma_start3A_837 = arith.constant 0 : i32
    %dma_start3A_838 = arith.constant 0 : i32
    %dma_start3A_839 = tpu.memref_slice %arg7[%dma_start3A_836, %dma_start3A_837, %dma_start3A_838] : memref<16x1x2048xf32, #tpu.memory_space<vmem>> -> memref<16x1x2048xf32, #tpu.memory_space<vmem>>
    tpu.enqueue_dma source(%dma_start3A_839 : memref<16x1x2048xf32, #tpu.memory_space<vmem>>) target(%dma_start3A_835 : memref<16x1x2048xf32, #tpu.memory_space<hbm>>) target_semaphore(%arg13 : memref<!tpu.dma_semaphore, #tpu.memory_space<semaphore_mem>>)
    %add3A_840 = arith.constant 176 : i32
    %add3A_841 = arith.addi %mul3A_32, %add3A_840 : i32
    %dma_wait3A_842 = arith.constant 0 : i32
    %dma_wait3A_843 = arith.constant 0 : i32
    %dma_wait3A_844 = arith.constant 0 : i32
    %dma_wait3A_845 = tpu.memref_slice %arg7[%dma_wait3A_842, %dma_wait3A_843, %dma_wait3A_844] : memref<16x1x2048xf32, #tpu.memory_space<vmem>> -> memref<16x1x2048xf32, #tpu.memory_space<vmem>>
    %dma_wait3A_846 = arith.constant 0 : i32
    %dma_wait3A_847 = tpu.memref_slice %arg4[%add3A_841, %select_n3A_9, %dma_wait3A_846] : memref<2048x4x2048xf32, #tpu.memory_space<hbm>> -> memref<16x1x2048xf32, #tpu.memory_space<hbm>>
    %dma_wait3A_848 = arith.constant 0 : i32
    %dma_wait3A_849 = tpu.memref_slice %arg4[%add3A_841, %select_n3A_9, %dma_wait3A_848] : memref<2048x4x2048xf32, #tpu.memory_space<hbm>> -> memref<16x1x2048xf32, #tpu.memory_space<hbm>>
    %dma_wait3A_850 = arith.constant 0 : i32
    %dma_wait3A_851 = arith.constant 0 : i32
    %dma_wait3A_852 = arith.constant 0 : i32
    %dma_wait3A_853 = tpu.memref_slice %arg7[%dma_wait3A_850, %dma_wait3A_851, %dma_wait3A_852] : memref<16x1x2048xf32, #tpu.memory_space<vmem>> -> memref<16x1x2048xf32, #tpu.memory_space<vmem>>
    tpu.wait_dma2 semaphore(%arg13 : memref<!tpu.dma_semaphore, #tpu.memory_space<semaphore_mem>>) src(%dma_wait3A_853 : memref<16x1x2048xf32, #tpu.memory_space<vmem>>) dst(%dma_wait3A_849 : memref<16x1x2048xf32, #tpu.memory_space<hbm>>)
    %dma_start3A_854 = arith.constant 15 : i32
    %dma_start3A_855 = arith.constant 0 : i32
    %dma_start3A_856 = arith.constant 0 : i32
    %dma_start3A_857 = arith.constant 0 : i32
    %dma_start3A_858 = tpu.memref_slice %arg7[%dma_start3A_855, %dma_start3A_856, %dma_start3A_857] : memref<16x1x2048xf32, #tpu.memory_space<vmem>> -> memref<16x1x2048xf32, #tpu.memory_space<vmem>>
    %dma_start3A_859 = arith.constant 0 : i32
    %dma_start3A_860 = tpu.memref_slice %arg6[%dma_start3A_854, %dma_start3A_859] : memref<17x32xi32, #tpu.memory_space<vmem>> -> memref<1x16xi32, #tpu.memory_space<vmem>>
    %dma_start3A_861 = tpu.memref_squeeze %dma_start3A_860 : memref<1x16xi32, #tpu.memory_space<vmem>> -> memref<16xi32, #tpu.memory_space<vmem>>
    %dma_start3A_862 = arith.constant 0 : i32
    %dma_start3A_863 = arith.constant 0 : i32
    %dma_start3A_864 = tpu.memref_slice %arg3[%dma_start3A_862, %select_n3A_9, %dma_start3A_863] : memref<2048x4x2048xf32, #tpu.memory_space<hbm>> -> memref<2048x1x2048xf32, #tpu.memory_space<hbm>>
    tpu.enqueue_indirect_dma source(%dma_start3A_864 : memref<2048x1x2048xf32, #tpu.memory_space<hbm>>) target(%dma_start3A_858 : memref<16x1x2048xf32, #tpu.memory_space<vmem>>) offsets(%dma_start3A_861 : memref<16xi32, #tpu.memory_space<vmem>>) semaphore(%arg10 : memref<!tpu.dma_semaphore, #tpu.memory_space<semaphore_mem>>)
    %dma_wait3A_865 = arith.constant 13 : i32
    %dma_wait3A_866 = arith.constant 0 : i32
    %dma_wait3A_867 = arith.constant 0 : i32
    %dma_wait3A_868 = arith.constant 0 : i32
    %dma_wait3A_869 = tpu.memref_slice %arg8[%dma_wait3A_866, %dma_wait3A_867, %dma_wait3A_868] : memref<16x1x2048xf32, #tpu.memory_space<vmem>> -> memref<16x1x2048xf32, #tpu.memory_space<vmem>>
    %dma_wait3A_870 = arith.constant 0 : i32
    %dma_wait3A_871 = tpu.memref_slice %arg6[%dma_wait3A_865, %dma_wait3A_870] : memref<17x32xi32, #tpu.memory_space<vmem>> -> memref<1x16xi32, #tpu.memory_space<vmem>>
    %dma_wait3A_872 = tpu.memref_squeeze %dma_wait3A_871 : memref<1x16xi32, #tpu.memory_space<vmem>> -> memref<16xi32, #tpu.memory_space<vmem>>
    %dma_wait3A_873 = arith.constant 0 : i32
    %dma_wait3A_874 = arith.constant 0 : i32
    %dma_wait3A_875 = tpu.memref_slice %arg3[%dma_wait3A_873, %select_n3A_9, %dma_wait3A_874] : memref<2048x4x2048xf32, #tpu.memory_space<hbm>> -> memref<2048x1x2048xf32, #tpu.memory_space<hbm>>
    tpu.wait_indirect_dma semaphore(%arg11 : memref<!tpu.dma_semaphore, #tpu.memory_space<semaphore_mem>>) src(%dma_wait3A_875 : memref<2048x1x2048xf32, #tpu.memory_space<hbm>>) dst(%dma_wait3A_869 : memref<16x1x2048xf32, #tpu.memory_space<vmem>>)
    %add3A_876 = arith.constant 192 : i32
    %add3A_877 = arith.addi %mul3A_32, %add3A_876 : i32
    %dma_start3A_878 = arith.constant 0 : i32
    %dma_start3A_879 = arith.constant 0 : i32
    %dma_start3A_880 = arith.constant 0 : i32
    %dma_start3A_881 = tpu.memref_slice %arg8[%dma_start3A_878, %dma_start3A_879, %dma_start3A_880] : memref<16x1x2048xf32, #tpu.memory_space<vmem>> -> memref<16x1x2048xf32, #tpu.memory_space<vmem>>
    %dma_start3A_882 = arith.constant 0 : i32
    %dma_start3A_883 = tpu.memref_slice %arg4[%add3A_877, %select_n3A_9, %dma_start3A_882] : memref<2048x4x2048xf32, #tpu.memory_space<hbm>> -> memref<16x1x2048xf32, #tpu.memory_space<hbm>>
    %dma_start3A_884 = arith.constant 0 : i32
    %dma_start3A_885 = tpu.memref_slice %arg4[%add3A_877, %select_n3A_9, %dma_start3A_884] : memref<2048x4x2048xf32, #tpu.memory_space<hbm>> -> memref<16x1x2048xf32, #tpu.memory_space<hbm>>
    %dma_start3A_886 = arith.constant 0 : i32
    %dma_start3A_887 = arith.constant 0 : i32
    %dma_start3A_888 = arith.constant 0 : i32
    %dma_start3A_889 = tpu.memref_slice %arg8[%dma_start3A_886, %dma_start3A_887, %dma_start3A_888] : memref<16x1x2048xf32, #tpu.memory_space<vmem>> -> memref<16x1x2048xf32, #tpu.memory_space<vmem>>
    tpu.enqueue_dma source(%dma_start3A_889 : memref<16x1x2048xf32, #tpu.memory_space<vmem>>) target(%dma_start3A_885 : memref<16x1x2048xf32, #tpu.memory_space<hbm>>) target_semaphore(%arg14 : memref<!tpu.dma_semaphore, #tpu.memory_space<semaphore_mem>>)
    %add3A_890 = arith.constant 192 : i32
    %add3A_891 = arith.addi %mul3A_32, %add3A_890 : i32
    %dma_wait3A_892 = arith.constant 0 : i32
    %dma_wait3A_893 = arith.constant 0 : i32
    %dma_wait3A_894 = arith.constant 0 : i32
    %dma_wait3A_895 = tpu.memref_slice %arg8[%dma_wait3A_892, %dma_wait3A_893, %dma_wait3A_894] : memref<16x1x2048xf32, #tpu.memory_space<vmem>> -> memref<16x1x2048xf32, #tpu.memory_space<vmem>>
    %dma_wait3A_896 = arith.constant 0 : i32
    %dma_wait3A_897 = tpu.memref_slice %arg4[%add3A_891, %select_n3A_9, %dma_wait3A_896] : memref<2048x4x2048xf32, #tpu.memory_space<hbm>> -> memref<16x1x2048xf32, #tpu.memory_space<hbm>>
    %dma_wait3A_898 = arith.constant 0 : i32
    %dma_wait3A_899 = tpu.memref_slice %arg4[%add3A_891, %select_n3A_9, %dma_wait3A_898] : memref<2048x4x2048xf32, #tpu.memory_space<hbm>> -> memref<16x1x2048xf32, #tpu.memory_space<hbm>>
    %dma_wait3A_900 = arith.constant 0 : i32
    %dma_wait3A_901 = arith.constant 0 : i32
    %dma_wait3A_902 = arith.constant 0 : i32
    %dma_wait3A_903 = tpu.memref_slice %arg8[%dma_wait3A_900, %dma_wait3A_901, %dma_wait3A_902] : memref<16x1x2048xf32, #tpu.memory_space<vmem>> -> memref<16x1x2048xf32, #tpu.memory_space<vmem>>
    tpu.wait_dma2 semaphore(%arg14 : memref<!tpu.dma_semaphore, #tpu.memory_space<semaphore_mem>>) src(%dma_wait3A_903 : memref<16x1x2048xf32, #tpu.memory_space<vmem>>) dst(%dma_wait3A_899 : memref<16x1x2048xf32, #tpu.memory_space<hbm>>)
    %dma_start3A_904 = arith.constant 16 : i32
    %dma_start3A_905 = arith.constant 0 : i32
    %dma_start3A_906 = arith.constant 0 : i32
    %dma_start3A_907 = arith.constant 0 : i32
    %dma_start3A_908 = tpu.memref_slice %arg8[%dma_start3A_905, %dma_start3A_906, %dma_start3A_907] : memref<16x1x2048xf32, #tpu.memory_space<vmem>> -> memref<16x1x2048xf32, #tpu.memory_space<vmem>>
    %dma_start3A_909 = arith.constant 0 : i32
    %dma_start3A_910 = tpu.memref_slice %arg6[%dma_start3A_904, %dma_start3A_909] : memref<17x32xi32, #tpu.memory_space<vmem>> -> memref<1x16xi32, #tpu.memory_space<vmem>>
    %dma_start3A_911 = tpu.memref_squeeze %dma_start3A_910 : memref<1x16xi32, #tpu.memory_space<vmem>> -> memref<16xi32, #tpu.memory_space<vmem>>
    %dma_start3A_912 = arith.constant 0 : i32
    %dma_start3A_913 = arith.constant 0 : i32
    %dma_start3A_914 = tpu.memref_slice %arg3[%dma_start3A_912, %select_n3A_9, %dma_start3A_913] : memref<2048x4x2048xf32, #tpu.memory_space<hbm>> -> memref<2048x1x2048xf32, #tpu.memory_space<hbm>>
    tpu.enqueue_indirect_dma source(%dma_start3A_914 : memref<2048x1x2048xf32, #tpu.memory_space<hbm>>) target(%dma_start3A_908 : memref<16x1x2048xf32, #tpu.memory_space<vmem>>) offsets(%dma_start3A_911 : memref<16xi32, #tpu.memory_space<vmem>>) semaphore(%arg11 : memref<!tpu.dma_semaphore, #tpu.memory_space<semaphore_mem>>)
    %dma_wait3A_915 = arith.constant 14 : i32
    %dma_wait3A_916 = arith.constant 0 : i32
    %dma_wait3A_917 = arith.constant 0 : i32
    %dma_wait3A_918 = arith.constant 0 : i32
    %dma_wait3A_919 = tpu.memref_slice %arg9[%dma_wait3A_916, %dma_wait3A_917, %dma_wait3A_918] : memref<16x1x2048xf32, #tpu.memory_space<vmem>> -> memref<16x1x2048xf32, #tpu.memory_space<vmem>>
    %dma_wait3A_920 = arith.constant 0 : i32
    %dma_wait3A_921 = tpu.memref_slice %arg6[%dma_wait3A_915, %dma_wait3A_920] : memref<17x32xi32, #tpu.memory_space<vmem>> -> memref<1x16xi32, #tpu.memory_space<vmem>>
    %dma_wait3A_922 = tpu.memref_squeeze %dma_wait3A_921 : memref<1x16xi32, #tpu.memory_space<vmem>> -> memref<16xi32, #tpu.memory_space<vmem>>
    %dma_wait3A_923 = arith.constant 0 : i32
    %dma_wait3A_924 = arith.constant 0 : i32
    %dma_wait3A_925 = tpu.memref_slice %arg3[%dma_wait3A_923, %select_n3A_9, %dma_wait3A_924] : memref<2048x4x2048xf32, #tpu.memory_space<hbm>> -> memref<2048x1x2048xf32, #tpu.memory_space<hbm>>
    tpu.wait_indirect_dma semaphore(%arg12 : memref<!tpu.dma_semaphore, #tpu.memory_space<semaphore_mem>>) src(%dma_wait3A_925 : memref<2048x1x2048xf32, #tpu.memory_space<hbm>>) dst(%dma_wait3A_919 : memref<16x1x2048xf32, #tpu.memory_space<vmem>>)
    %add3A_926 = arith.constant 208 : i32
    %add3A_927 = arith.addi %mul3A_32, %add3A_926 : i32
    %dma_start3A_928 = arith.constant 0 : i32
    %dma_start3A_929 = arith.constant 0 : i32
    %dma_start3A_930 = arith.constant 0 : i32
    %dma_start3A_931 = tpu.memref_slice %arg9[%dma_start3A_928, %dma_start3A_929, %dma_start3A_930] : memref<16x1x2048xf32, #tpu.memory_space<vmem>> -> memref<16x1x2048xf32, #tpu.memory_space<vmem>>
    %dma_start3A_932 = arith.constant 0 : i32
    %dma_start3A_933 = tpu.memref_slice %arg4[%add3A_927, %select_n3A_9, %dma_start3A_932] : memref<2048x4x2048xf32, #tpu.memory_space<hbm>> -> memref<16x1x2048xf32, #tpu.memory_space<hbm>>
    %dma_start3A_934 = arith.constant 0 : i32
    %dma_start3A_935 = tpu.memref_slice %arg4[%add3A_927, %select_n3A_9, %dma_start3A_934] : memref<2048x4x2048xf32, #tpu.memory_space<hbm>> -> memref<16x1x2048xf32, #tpu.memory_space<hbm>>
    %dma_start3A_936 = arith.constant 0 : i32
    %dma_start3A_937 = arith.constant 0 : i32
    %dma_start3A_938 = arith.constant 0 : i32
    %dma_start3A_939 = tpu.memref_slice %arg9[%dma_start3A_936, %dma_start3A_937, %dma_start3A_938] : memref<16x1x2048xf32, #tpu.memory_space<vmem>> -> memref<16x1x2048xf32, #tpu.memory_space<vmem>>
    tpu.enqueue_dma source(%dma_start3A_939 : memref<16x1x2048xf32, #tpu.memory_space<vmem>>) target(%dma_start3A_935 : memref<16x1x2048xf32, #tpu.memory_space<hbm>>) target_semaphore(%arg15 : memref<!tpu.dma_semaphore, #tpu.memory_space<semaphore_mem>>)
    %dma_wait3A_940 = arith.constant 15 : i32
    %dma_wait3A_941 = arith.constant 0 : i32
    %dma_wait3A_942 = arith.constant 0 : i32
    %dma_wait3A_943 = arith.constant 0 : i32
    %dma_wait3A_944 = tpu.memref_slice %arg7[%dma_wait3A_941, %dma_wait3A_942, %dma_wait3A_943] : memref<16x1x2048xf32, #tpu.memory_space<vmem>> -> memref<16x1x2048xf32, #tpu.memory_space<vmem>>
    %dma_wait3A_945 = arith.constant 0 : i32
    %dma_wait3A_946 = tpu.memref_slice %arg6[%dma_wait3A_940, %dma_wait3A_945] : memref<17x32xi32, #tpu.memory_space<vmem>> -> memref<1x16xi32, #tpu.memory_space<vmem>>
    %dma_wait3A_947 = tpu.memref_squeeze %dma_wait3A_946 : memref<1x16xi32, #tpu.memory_space<vmem>> -> memref<16xi32, #tpu.memory_space<vmem>>
    %dma_wait3A_948 = arith.constant 0 : i32
    %dma_wait3A_949 = arith.constant 0 : i32
    %dma_wait3A_950 = tpu.memref_slice %arg3[%dma_wait3A_948, %select_n3A_9, %dma_wait3A_949] : memref<2048x4x2048xf32, #tpu.memory_space<hbm>> -> memref<2048x1x2048xf32, #tpu.memory_space<hbm>>
    tpu.wait_indirect_dma semaphore(%arg10 : memref<!tpu.dma_semaphore, #tpu.memory_space<semaphore_mem>>) src(%dma_wait3A_950 : memref<2048x1x2048xf32, #tpu.memory_space<hbm>>) dst(%dma_wait3A_944 : memref<16x1x2048xf32, #tpu.memory_space<vmem>>)
    %add3A_951 = arith.constant 224 : i32
    %add3A_952 = arith.addi %mul3A_32, %add3A_951 : i32
    %dma_start3A_953 = arith.constant 0 : i32
    %dma_start3A_954 = arith.constant 0 : i32
    %dma_start3A_955 = arith.constant 0 : i32
    %dma_start3A_956 = tpu.memref_slice %arg7[%dma_start3A_953, %dma_start3A_954, %dma_start3A_955] : memref<16x1x2048xf32, #tpu.memory_space<vmem>> -> memref<16x1x2048xf32, #tpu.memory_space<vmem>>
    %dma_start3A_957 = arith.constant 0 : i32
    %dma_start3A_958 = tpu.memref_slice %arg4[%add3A_952, %select_n3A_9, %dma_start3A_957] : memref<2048x4x2048xf32, #tpu.memory_space<hbm>> -> memref<16x1x2048xf32, #tpu.memory_space<hbm>>
    %dma_start3A_959 = arith.constant 0 : i32
    %dma_start3A_960 = tpu.memref_slice %arg4[%add3A_952, %select_n3A_9, %dma_start3A_959] : memref<2048x4x2048xf32, #tpu.memory_space<hbm>> -> memref<16x1x2048xf32, #tpu.memory_space<hbm>>
    %dma_start3A_961 = arith.constant 0 : i32
    %dma_start3A_962 = arith.constant 0 : i32
    %dma_start3A_963 = arith.constant 0 : i32
    %dma_start3A_964 = tpu.memref_slice %arg7[%dma_start3A_961, %dma_start3A_962, %dma_start3A_963] : memref<16x1x2048xf32, #tpu.memory_space<vmem>> -> memref<16x1x2048xf32, #tpu.memory_space<vmem>>
    tpu.enqueue_dma source(%dma_start3A_964 : memref<16x1x2048xf32, #tpu.memory_space<vmem>>) target(%dma_start3A_960 : memref<16x1x2048xf32, #tpu.memory_space<hbm>>) target_semaphore(%arg13 : memref<!tpu.dma_semaphore, #tpu.memory_space<semaphore_mem>>)
    %dma_wait3A_965 = arith.constant 16 : i32
    %dma_wait3A_966 = arith.constant 0 : i32
    %dma_wait3A_967 = arith.constant 0 : i32
    %dma_wait3A_968 = arith.constant 0 : i32
    %dma_wait3A_969 = tpu.memref_slice %arg8[%dma_wait3A_966, %dma_wait3A_967, %dma_wait3A_968] : memref<16x1x2048xf32, #tpu.memory_space<vmem>> -> memref<16x1x2048xf32, #tpu.memory_space<vmem>>
    %dma_wait3A_970 = arith.constant 0 : i32
    %dma_wait3A_971 = tpu.memref_slice %arg6[%dma_wait3A_965, %dma_wait3A_970] : memref<17x32xi32, #tpu.memory_space<vmem>> -> memref<1x16xi32, #tpu.memory_space<vmem>>
    %dma_wait3A_972 = tpu.memref_squeeze %dma_wait3A_971 : memref<1x16xi32, #tpu.memory_space<vmem>> -> memref<16xi32, #tpu.memory_space<vmem>>
    %dma_wait3A_973 = arith.constant 0 : i32
    %dma_wait3A_974 = arith.constant 0 : i32
    %dma_wait3A_975 = tpu.memref_slice %arg3[%dma_wait3A_973, %select_n3A_9, %dma_wait3A_974] : memref<2048x4x2048xf32, #tpu.memory_space<hbm>> -> memref<2048x1x2048xf32, #tpu.memory_space<hbm>>
    tpu.wait_indirect_dma semaphore(%arg11 : memref<!tpu.dma_semaphore, #tpu.memory_space<semaphore_mem>>) src(%dma_wait3A_975 : memref<2048x1x2048xf32, #tpu.memory_space<hbm>>) dst(%dma_wait3A_969 : memref<16x1x2048xf32, #tpu.memory_space<vmem>>)
    %add3A_976 = arith.constant 240 : i32
    %add3A_977 = arith.addi %mul3A_32, %add3A_976 : i32
    %dma_start3A_978 = arith.constant 0 : i32
    %dma_start3A_979 = arith.constant 0 : i32
    %dma_start3A_980 = arith.constant 0 : i32
    %dma_start3A_981 = tpu.memref_slice %arg8[%dma_start3A_978, %dma_start3A_979, %dma_start3A_980] : memref<16x1x2048xf32, #tpu.memory_space<vmem>> -> memref<16x1x2048xf32, #tpu.memory_space<vmem>>
    %dma_start3A_982 = arith.constant 0 : i32
    %dma_start3A_983 = tpu.memref_slice %arg4[%add3A_977, %select_n3A_9, %dma_start3A_982] : memref<2048x4x2048xf32, #tpu.memory_space<hbm>> -> memref<16x1x2048xf32, #tpu.memory_space<hbm>>
    %dma_start3A_984 = arith.constant 0 : i32
    %dma_start3A_985 = tpu.memref_slice %arg4[%add3A_977, %select_n3A_9, %dma_start3A_984] : memref<2048x4x2048xf32, #tpu.memory_space<hbm>> -> memref<16x1x2048xf32, #tpu.memory_space<hbm>>
    %dma_start3A_986 = arith.constant 0 : i32
    %dma_start3A_987 = arith.constant 0 : i32
    %dma_start3A_988 = arith.constant 0 : i32
    %dma_start3A_989 = tpu.memref_slice %arg8[%dma_start3A_986, %dma_start3A_987, %dma_start3A_988] : memref<16x1x2048xf32, #tpu.memory_space<vmem>> -> memref<16x1x2048xf32, #tpu.memory_space<vmem>>
    tpu.enqueue_dma source(%dma_start3A_989 : memref<16x1x2048xf32, #tpu.memory_space<vmem>>) target(%dma_start3A_985 : memref<16x1x2048xf32, #tpu.memory_space<hbm>>) target_semaphore(%arg14 : memref<!tpu.dma_semaphore, #tpu.memory_space<semaphore_mem>>)
    %add3A_990 = arith.constant 208 : i32
    %add3A_991 = arith.addi %mul3A_32, %add3A_990 : i32
    %dma_wait3A_992 = arith.constant 0 : i32
    %dma_wait3A_993 = arith.constant 0 : i32
    %dma_wait3A_994 = arith.constant 0 : i32
    %dma_wait3A_995 = tpu.memref_slice %arg9[%dma_wait3A_992, %dma_wait3A_993, %dma_wait3A_994] : memref<16x1x2048xf32, #tpu.memory_space<vmem>> -> memref<16x1x2048xf32, #tpu.memory_space<vmem>>
    %dma_wait3A_996 = arith.constant 0 : i32
    %dma_wait3A_997 = tpu.memref_slice %arg4[%add3A_991, %select_n3A_9, %dma_wait3A_996] : memref<2048x4x2048xf32, #tpu.memory_space<hbm>> -> memref<16x1x2048xf32, #tpu.memory_space<hbm>>
    %dma_wait3A_998 = arith.constant 0 : i32
    %dma_wait3A_999 = tpu.memref_slice %arg4[%add3A_991, %select_n3A_9, %dma_wait3A_998] : memref<2048x4x2048xf32, #tpu.memory_space<hbm>> -> memref<16x1x2048xf32, #tpu.memory_space<hbm>>
    %dma_wait3A_1000 = arith.constant 0 : i32
    %dma_wait3A_1001 = arith.constant 0 : i32
    %dma_wait3A_1002 = arith.constant 0 : i32
    %dma_wait3A_1003 = tpu.memref_slice %arg9[%dma_wait3A_1000, %dma_wait3A_1001, %dma_wait3A_1002] : memref<16x1x2048xf32, #tpu.memory_space<vmem>> -> memref<16x1x2048xf32, #tpu.memory_space<vmem>>
    tpu.wait_dma2 semaphore(%arg15 : memref<!tpu.dma_semaphore, #tpu.memory_space<semaphore_mem>>) src(%dma_wait3A_1003 : memref<16x1x2048xf32, #tpu.memory_space<vmem>>) dst(%dma_wait3A_999 : memref<16x1x2048xf32, #tpu.memory_space<hbm>>)
    %add3A_1004 = arith.constant 224 : i32
    %add3A_1005 = arith.addi %mul3A_32, %add3A_1004 : i32
    %dma_wait3A_1006 = arith.constant 0 : i32
    %dma_wait3A_1007 = arith.constant 0 : i32
    %dma_wait3A_1008 = arith.constant 0 : i32
    %dma_wait3A_1009 = tpu.memref_slice %arg7[%dma_wait3A_1006, %dma_wait3A_1007, %dma_wait3A_1008] : memref<16x1x2048xf32, #tpu.memory_space<vmem>> -> memref<16x1x2048xf32, #tpu.memory_space<vmem>>
    %dma_wait3A_1010 = arith.constant 0 : i32
    %dma_wait3A_1011 = tpu.memref_slice %arg4[%add3A_1005, %select_n3A_9, %dma_wait3A_1010] : memref<2048x4x2048xf32, #tpu.memory_space<hbm>> -> memref<16x1x2048xf32, #tpu.memory_space<hbm>>
    %dma_wait3A_1012 = arith.constant 0 : i32
    %dma_wait3A_1013 = tpu.memref_slice %arg4[%add3A_1005, %select_n3A_9, %dma_wait3A_1012] : memref<2048x4x2048xf32, #tpu.memory_space<hbm>> -> memref<16x1x2048xf32, #tpu.memory_space<hbm>>
    %dma_wait3A_1014 = arith.constant 0 : i32
    %dma_wait3A_1015 = arith.constant 0 : i32
    %dma_wait3A_1016 = arith.constant 0 : i32
    %dma_wait3A_1017 = tpu.memref_slice %arg7[%dma_wait3A_1014, %dma_wait3A_1015, %dma_wait3A_1016] : memref<16x1x2048xf32, #tpu.memory_space<vmem>> -> memref<16x1x2048xf32, #tpu.memory_space<vmem>>
    tpu.wait_dma2 semaphore(%arg13 : memref<!tpu.dma_semaphore, #tpu.memory_space<semaphore_mem>>) src(%dma_wait3A_1017 : memref<16x1x2048xf32, #tpu.memory_space<vmem>>) dst(%dma_wait3A_1013 : memref<16x1x2048xf32, #tpu.memory_space<hbm>>)
    %add3A_1018 = arith.constant 240 : i32
    %add3A_1019 = arith.addi %mul3A_32, %add3A_1018 : i32
    %dma_wait3A_1020 = arith.constant 0 : i32
    %dma_wait3A_1021 = arith.constant 0 : i32
    %dma_wait3A_1022 = arith.constant 0 : i32
    %dma_wait3A_1023 = tpu.memref_slice %arg8[%dma_wait3A_1020, %dma_wait3A_1021, %dma_wait3A_1022] : memref<16x1x2048xf32, #tpu.memory_space<vmem>> -> memref<16x1x2048xf32, #tpu.memory_space<vmem>>
    %dma_wait3A_1024 = arith.constant 0 : i32
    %dma_wait3A_1025 = tpu.memref_slice %arg4[%add3A_1019, %select_n3A_9, %dma_wait3A_1024] : memref<2048x4x2048xf32, #tpu.memory_space<hbm>> -> memref<16x1x2048xf32, #tpu.memory_space<hbm>>
    %dma_wait3A_1026 = arith.constant 0 : i32
    %dma_wait3A_1027 = tpu.memref_slice %arg4[%add3A_1019, %select_n3A_9, %dma_wait3A_1026] : memref<2048x4x2048xf32, #tpu.memory_space<hbm>> -> memref<16x1x2048xf32, #tpu.memory_space<hbm>>
    %dma_wait3A_1028 = arith.constant 0 : i32
    %dma_wait3A_1029 = arith.constant 0 : i32
    %dma_wait3A_1030 = arith.constant 0 : i32
    %dma_wait3A_1031 = tpu.memref_slice %arg8[%dma_wait3A_1028, %dma_wait3A_1029, %dma_wait3A_1030] : memref<16x1x2048xf32, #tpu.memory_space<vmem>> -> memref<16x1x2048xf32, #tpu.memory_space<vmem>>
    tpu.wait_dma2 semaphore(%arg14 : memref<!tpu.dma_semaphore, #tpu.memory_space<semaphore_mem>>) src(%dma_wait3A_1031 : memref<16x1x2048xf32, #tpu.memory_space<vmem>>) dst(%dma_wait3A_1027 : memref<16x1x2048xf32, #tpu.memory_space<hbm>>)
    return
  }
}

</mosaic_0001>

<sc_bundles>
// kernel: kernel.3.cloned.1.call-start
scs
__scs_entry_jumppad:
0x0: {  	(pc) =	sbr.rel $0x88, $3  }
0x1: {  	(tag) =	ssettag $0x0;
	lr =	simm.s32 $0x1  }
0x2: {  	[smem:$0x3F9F] =	sst lr;
	_ =	strace $0xD0000000  }
0x3: {  	_ = 	snop  }
0x4: {  	_ = 	snop  }
0x5: {  	_ = 	snop  }
0x6: {  	_ = 	snop  }
0x7: {  	_ = 	snop  }
__scs_overlays_trampoline_lowered:
0x8: {  	[smem:$0x3FAE] =	sst s0  }
0x9: {  	[smem:$0x3FAF] =	sst s1  }
0xa: {  	[smem:$0x3FB0] =	sst s2  }
0xb: {  	[smem:$0x3FB1] =	sst s3  }
0xc: {  	[smem:$0x3FB2] =	sst s4  }
0xd: {  	[smem:$0x3FB3] =	sst s5  }
0xe: {  	[smem:$0x3FB4] =	sst s6  }
0xf: {  	[smem:$0x3FB5] =	sst s7  }
0x10: {  	[smem:$0x3FB6] =	sst s8  }
0x11: {  	[smem:$0x3FB7] =	sst s9;
	s0 =	simm.s32 @!p0 $0x0  }
0x12: {  	s1 =	sld [smem:$0x3F9D];
	s0 =	simm.s32 @p0 $0x1  }
0x13: {  	[smem:$0x3FB8] =	sst s0;
	s0 =	simm.s32 @!p1 $0x0  }
0x14: {  	s2 =	sld [smem:$0x3F9C];
	s0 =	simm.s32 @p1 $0x1  }
0x15: {  	[smem:$0x3FB9] =	sst s0;
	s0 =	simm.s32 @!p2 $0x0  }
0x16: {  	s3 =	sld [smem:$0x3FDB];
	s0 =	simm.s32 @p2 $0x1  }
0x17: {  	s4 =	simm.s32 $0x1BF5;
	[smem:$0x3FBB] =	sst s0  }
0x18: {  	s0 =	sld [smem:$0x3F9E];
	_ =	swait.ge [sflag:s4], $0x0  }
0x19: {  	s7 =	sld [smem:$0x3F9F]  }
0x1a: {  	s8 =	sadd.s32 $0xFFFFE003, lr  }
0x1b: {  	s9 =	sadd.s32 $0xFFFFFEF7, lr;
	s5 =	simm.s32 $0xFFFFFFFF;
	p2 =	slt.u32 s8, $0xFFFFF086  }
0x1c: {  	p1 =	slt.u32 s9, $0xF7A;
	s5 =	simm.s32 @!p2 $0x0  }
0x1d: {  	s5 =	simm.s32 @p1 $0x1;
	p0 =	seq.s32 s7, s2  }
0x1e: {  	s7 =	smul.u32 @!p0 $0xF7A, s2;
	p2 =	seq.s32 @!p0 s5, $0x0  }
0x1f: {  	s9 =	smul.u32 $0xF7A, s1;
	s8 =	simm.s32 @!p0 $0x1BF5;
	p2 =	por !p2, p0  }
0x20: {  	[sflag:s8] =	ssyncset.s32 @!p0 $0xFFFFF086;
	s6 =	sadd.s32 @!p0 s3, s7;
	s7 =	simm.s32 @!p0 $0x108  }
0x21: {  	s3 =	sadd.s32 s3, s9;
	s6 =	sadd.s32 @!p0 $0x88, s6;
	s7 =	simm.s32 @p2 $0x1082  }
0x22: {  	[simem:s7], [sflag:s8] =	dma.local @!p0 [hbm:s6], $0xF7A  }
0x23: {  	s9 =	sor.u32 $0xD0000000, s2;
	s6 =	simm.s32 $0x108;
	_ =	swait.ge @!p0 [sflag:s8], $0x0  }
0x24: {  	s3 =	sadd.s32 $0x88, s3;
	s6 =	simm.s32 @!p1 $0x1082;
	[sflag:s4] =	ssyncset.s32 $0xFFFFF086  }
0x25: {  	[simem:s6], [sflag:s4] =	dma.local [hbm:s3], $0xF7A  }
0x26: {  	[smem:$0x3F9F] =	sst s1;
	(tag) =	ssettag s2;
	_ =	strace s9  }
0x27: {  	s1 =	sld [smem:$0x3FAF]  }
0x28: {  	s2 =	sld [smem:$0x3FB0]  }
0x29: {  	s4 =	sld [smem:$0x3FB2]  }
0x2a: {  	p0 =	seq.s32 s5, $0x0;
	s5 =	sld [smem:$0x3FB3]  }
0x2b: {  	s6 =	sld [smem:$0x3FB4]  }
0x2c: {  	s7 =	sld [smem:$0x3FB5]  }
0x2d: {  	s3 =	simm.s32 $0x108;
	s8 =	sld [smem:$0x3FB6]  }
0x2e: {  	s3 =	simm.s32 @!p0 $0x1082;
	s9 =	sld [smem:$0x3FB7]  }
0x2f: {  	lr =	sadd.s32 s0, s3;
	s0 =	sld [smem:$0x3FAE]  }
0x30: {  	s3 =	sld [smem:$0x3FB1]  }
0x31: {  	[smem:$0x3FBA] =	sst s10  }
0x32: {  	s10 =	sld [smem:$0x3FB8];
	_ =	sdelay $0x3  }
0x33: {  	p0 =	seq.s32 s10, $0x1;
	s10 =	sld [smem:$0x3FBA];
	_ =	sdelay $0x3  }
0x34: {  	[smem:$0x3FBA] =	sst s10  }
0x35: {  	s10 =	sld [smem:$0x3FB9];
	_ =	sdelay $0x3  }
0x36: {  	p1 =	seq.s32 s10, $0x1;
	s10 =	sld [smem:$0x3FBA];
	_ =	sdelay $0x3  }
0x37: {  	[smem:$0x3FBA] =	sst s10  }
0x38: {  	s10 =	sld [smem:$0x3FBB]  }
0x39: {  	_ = 	snop;
	(pc) =	sbr.ind lr, $3  }
0x3a: {  	_ = 	snop  }
0x3b: {  	_ = 	snop  }
0x3c: {  	p2 =	seq.s32 s10, $0x1;
	s10 =	sld [smem:$0x3FBA]  }
0x3d: {  	_ =	shalt  }
0x3e: {  	_ =	shalt  }
0x3f: {  	_ =	shalt  }
0x40: {  	_ =	shalt  }
0x41: {  	_ =	shalt  }
0x42: {  	_ =	shalt  }
0x43: {  	_ =	shalt  }
0x44: {  	_ =	shalt  }
0x45: {  	_ =	shalt  }
0x46: {  	_ =	shalt  }
0x47: {  	_ =	shalt  }
0x48: {  	_ =	shalt  }
0x49: {  	_ =	shalt  }
0x4a: {  	_ =	shalt  }
0x4b: {  	_ =	shalt  }
0x4c: {  	_ =	shalt  }
0x4d: {  	_ =	shalt  }
0x4e: {  	_ =	shalt  }
0x4f: {  	_ =	shalt  }
0x50: {  	_ =	shalt  }
0x51: {  	_ =	shalt  }
0x52: {  	_ =	shalt  }
0x53: {  	_ =	shalt  }
0x54: {  	_ =	shalt  }
0x55: {  	_ =	shalt  }
0x56: {  	_ =	shalt  }
0x57: {  	_ =	shalt  }
0x58: {  	_ =	shalt  }
0x59: {  	_ =	shalt  }
0x5a: {  	_ =	shalt  }
0x5b: {  	_ =	shalt  }
0x5c: {  	_ =	shalt  }
0x5d: {  	_ =	shalt  }
0x5e: {  	_ =	shalt  }
0x5f: {  	_ =	shalt  }
0x60: {  	_ =	shalt  }
0x61: {  	_ =	shalt  }
0x62: {  	_ =	shalt  }
0x63: {  	_ =	shalt  }
0x64: {  	_ =	shalt  }
0x65: {  	_ =	shalt  }
0x66: {  	_ =	shalt  }
0x67: {  	_ =	shalt  }
0x68: {  	_ =	shalt  }
0x69: {  	_ =	shalt  }
0x6a: {  	_ =	shalt  }
0x6b: {  	_ =	shalt  }
0x6c: {  	_ =	shalt  }
0x6d: {  	_ =	shalt  }
0x6e: {  	_ =	shalt  }
0x6f: {  	_ =	shalt  }
0x70: {  	_ =	shalt  }
0x71: {  	_ =	shalt  }
0x72: {  	_ =	shalt  }
0x73: {  	_ =	shalt  }
0x74: {  	_ =	shalt  }
0x75: {  	_ =	shalt  }
0x76: {  	_ =	shalt  }
0x77: {  	_ =	shalt  }
0x78: {  	_ =	shalt  }
0x79: {  	_ =	shalt  }
0x7a: {  	_ =	shalt  }
0x7b: {  	_ =	shalt  }
0x7c: {  	_ =	shalt  }
0x7d: {  	_ =	shalt  }
0x7e: {  	_ =	shalt  }
0x7f: {  	_ =	shalt  }
0x80: {  	_ =	shalt  }
0x81: {  	_ =	shalt  }
0x82: {  	_ =	shalt  }
0x83: {  	_ =	shalt  }
0x84: {  	_ =	shalt  }
0x85: {  	_ =	shalt  }
0x86: {  	_ =	shalt  }
0x87: {  	_ =	shalt  }
.Lfunc_end0:
.L_simem_size_0:
called_computation_lowered:
.L_overlay_start_0:
0x88: {  	s2 =	sld [smem:$0x3FD9]  }
0x89: {  	s3 =	sld [smem:$0x3FFE];
	_ =	sdelay $0x1  }
0x8a: {  	s1 =	srdreg.scid  }
0x8b: {  	s0 =	sand.u32 $0x1, s1  }
0x8c: {  	s18 =	sshll.u32 s0, $0xA;
	s2 =	sadd.s32 s3, s2  }
0x8d: {  	s2 =	sadd.s32 s2, s18  }
0x8e: {  	[smem:$0x3FC6] =	sst s2  }
0x8f: {  	_ = 	snop  }
0x90: {  	s2 =	sld [smem:$0x3FC9]  }
0x91: {  	s19 =	sld [smem:$0x3FC8]  }
0x92: {  	s4 =	sld [smem:$0x3FD0];
	(tm) =	ssettm $0x1  }
0x93: {  	s5 =	sld [smem:$0x3FFB];
	_ =	sdelay $0x3  }
0x94: {  	_ =	strace s5  }
0x95: {  	s5 =	sld [smem:$0x3FFC];
	_ =	sdelay $0x3  }
0x96: {  	_ =	strace s5  }
0x97: {  	s5 =	sld [smem:$0x3FFD];
	_ =	sdelay $0x3  }
0x98: {  	_ =	strace s5  }
0x99: {  	_ =	strace $0x8FFFFFFF  }
0x9a: {  	s20 =	sld [smem:$0x3FDB];
	_ =	sdelay $0x1  }
0x9b: {  	s6 =	simm.s32 $_scs_section_size  }
0x9c: {  	s7 =	simm.s32 $_size__tile_overlayer_lowered;
	s8 =	simm.s32 $_tile_overlayer_lowered  }
0x9d: {  	s23 =	simm.s32 $0x1BFF;
	s22 =	sshll.u32 s8, $0x1;
	s5 =	sadd.s32 s6, s20  }
0x9e: {  	s9 =	simm.s32 $0x0;
	s21 =	sshll.u32 s7, $0x1;
	s7 =	sadd.s32 s22, s5  }
0x9f: {  	[timem:s9], [sflag:s23] =	dma.local [hbm:s7], s21  }
0xa0: {  	_ =	swait.ge [sflag:s23], s21  }
0xa1: {  	s6 =	ssub.s32 $0x0, s21;
	[sflag:s23] =	ssyncset.done $0x0  }
0xa2: {  	[sflag:s23] =	ssyncadd.s32 s6;
	_ =	sdelay $0x1  }
0xa3: {  	s24 =	simm.s32 $0x1B8B  }
0xa4: {  	_ =	swait.ge [sflag:s24], $0x1  }
0xa5: {  	[sflag:s24] =	ssyncset.done $0x0  }
0xa6: {  	s25 =	simm.s32 $0x1B8E;
	[sflag:s24] =	ssyncadd.s32 $0xFFFFFFFF  }
0xa7: {  	s26 =	simm.s32 $execute0_lowered;
	[smem:$0x3FD2] =	sst s25  }
0xa8: {  	s6 =	sshll.u32 s26, $0x1;
	_ =	strace $0x80000046;
	[dreg:$0x1] =	wrdreg $0xFFFFFFFF  }
0xa9: {  	s28 =	simm.s32 $_size_execute0_lowered;
	s5 =	sadd.s32 s5, s6;
	[dreg:$0x0] =	wrdreg $0x0  }
0xaa: {  	s6 =	sshll.u32 s28, $0x1;
	[dreg:$0x2] =	wrdreg s5  }
0xab: {  	[dreg:$0x3] =	wrdreg s6  }
0xac: {  	[dreg:$0x4] =	wrdreg $0xC0  }
0xad: {  	_ =	task [dreg:s9], $0x5FFFF  }
0xae: {  	[dreg:$0x1] =	wrdreg $0xFFFFFFFF  }
0xaf: {  	[dreg:$0x0] =	wrdreg $0x60  }
0xb0: {  	[dreg:$0x2] =	wrdreg s2  }
0xb1: {  	[dreg:$0x3] =	wrdreg s19  }
0xb2: {  	[dreg:$0x4] =	wrdreg s4  }
0xb3: {  	[dreg:$0x5] =	wrdreg $0x9  }
0xb4: {  	_ =	task.clear_ibuf [dreg:s9], $0x6FFFF;
	_ =	strace $0x90000046  }
0xb5: {  	s29 =	simm.s32 $0x9;
	_ =	strace $0x80000048  }
0xb6: {  	_ =	swait.ge [sflag:s29], $0x1  }
0xb7: {  	[sflag:s29] =	ssyncadd.s32 $0xFFFFFFFF  }
0xb8: {  	_ =	strace $0x90000048  }
0xb9: {  	_ =	sfence  }
0xba: {  	s30 =	sld [smem:$0x0];
	_ =	sdelay $0x2  }
0xbb: {  	s31 =	sshll.u32 s1, $0xD;
	s1 =	sshrl.u32 s1, $0x2  }
0xbc: {  	s3 =	sand.u32 $0x4000, s31;
	s1 =	sadd.s32 s1, s30  }
0xbd: {  	s0 =	sor.u32 s3, s0;
	s1 =	sshll.u32 s1, $0x11  }
0xbe: {  	s0 =	sor.u32 s1, s0  }
0xbf: {  	s0 =	sadd.s32 $0x8F2B, s0  }
0xc0: {  	[sflag:s0] =	ssyncadd.remote.s32 $0x1  }
0xc1: {  	_ =	sfence.sel $0xFFFF  }
0xc2: {  	[dreg:$0x0] =	wrdreg $0xFFFFFFFF;
	(pc) =	sbr.abs _section_cstart, $3  }
0xc3: {  	[dreg:$0x1] =	wrdreg $0xFFFFFFFF  }
0xc4: {  	_ =	task.clear_ibuf [dreg:s9], $0x2FFFF;
	_ =	strace $0x9FFFFFFF  }
0xc5: {  	(tm) =	ssettm $0x7FFFFFFF  }
tec
execute0_lowered:
.L_overlay_start_1:
0x0: {  	(tag) =	ssettag $0x1  }
0x1: {  	s6 =	stileid.u32  }
0x2: {  	s2 =	srdreg.scid;
	s3 =	sshll.u32 s6, $0x1  }
0x3: {  	s5 =	sand.u32 $0x1, s2;
	s10 =	sand.u32 $0x2, s3  }
0x4: {  	s0 =	rddreg [dreg:$0x0];
	s11 =	sshrl.u32 s6, $0x1;
	s3 =	sor.u32 s5, s10  }
0x5: {  	s1 =	rddreg [dreg:$0x1];
	s8 =	sshll.u32 s11, $0xA;
	s7 =	sshll.u32 s3, $0x7  }
0x6: {  	s4 =	rddreg [dreg:$0x2];
	s6 =	sshll.u32 s11, $0x15;
	s8 =	sor.u32 s8, s7  }
0x7: {  	s2 =	simm.s32 $0x0;
	s6 =	sor.u32 s6, s7;
	s12 =	sshrl.u32 s8, $0x3  }
0x8: {  	[smem:$0x7FF] =	sst s2;
	s6 =	sshrl.u32 s6, $0x3;
	s0 =	sadd.s32 s0, s12  }
0x9: {  	_ =	strace $0x80000047;
	s6 =	sadd.s32 s4, s6;
	[dreg:$0x4] =	wrdreg s0  }
0xa: {  	s13 =	sadd.s32 $0x2000, s6;
	[dreg:$0x15] =	wrdreg s6  }
0xb: {  	s14 =	sadd.s32 $0x4000, s6;
	[dreg:$0x5] =	wrdreg s13  }
0xc: {  	s15 =	sadd.s32 $0x8000, s6;
	[dreg:$0x6] =	wrdreg s14  }
0xd: {  	s16 =	sadd.s32 $0xC000, s6;
	[dreg:$0x7] =	wrdreg s15  }
0xe: {  	s9 =	simm.s32 $0x80;
	s17 =	sadd.s32 $0x10000, s6;
	[dreg:$0x8] =	wrdreg s16  }
0xf: {  	s28 =	simm.s32 $0x5;
	s18 =	sadd.s32 $0x14000, s6;
	[dreg:$0x9] =	wrdreg s17  }
0x10: {  	s25 =	ssub.s32 $0x2, s5;
	s19 =	sadd.s32 $0x18000, s6;
	[dreg:$0xa] =	wrdreg s18  }
0x11: {  	s5 =	sshrl.u32 s25, $0x1;
	s20 =	sadd.s32 $0x1C000, s6;
	[dreg:$0xb] =	wrdreg s19  }
0x12: {  	s5 =	ssub.s32 s25, s5;
	s21 =	sadd.s32 $0x20000, s6;
	[dreg:$0xc] =	wrdreg s20  }
0x13: {  	s3 =	sshll.u32 s3, $0x4;
	s22 =	sadd.s32 $0x24000, s6;
	[dreg:$0xd] =	wrdreg s21  }
0x14: {  	v2 =	vlaneseq.u32;
	s5 =	smax.u32 s5, $0x1;
	s23 =	sadd.s32 $0x28000, s6;
	[dreg:$0xe] =	wrdreg s22  }
0x15: {  	v0 =	vimm.s32 $0xD;
	v1 =	vimm.s32 $0x0;
	vm0 =	vmmov $0xffff;
	s7 =	simm.s32 $0x200;
	s24 =	sadd.s32 $0x2C000, s6;
	[dreg:$0xf] =	wrdreg s23  }
0x16: {  	v3 =	vimm.s32 $0x1;
	v4 =	vimm.s32 $0x2;
	v5 =	vimm.s32 $0x3;
	s8 =	simm.s32 $0x3;
	s26 =	sadd.s32 $0x30000, s6;
	[dreg:$0x10] =	wrdreg s24  }
0x17: {  	v6 =	vimm.s32 $0x4;
	v7 =	vimm.s32 $0x5;
	v8 =	vimm.s32 $0x6;
	s4 =	sadd.s32 s1, s3;
	s29 =	sadd.s32 $0x34000, s6;
	[dreg:$0x11] =	wrdreg s26  }
0x18: {  	v9 =	vimm.s32 $0x7;
	v10 =	vimm.s32 $0x8;
	v11 =	vimm.s32 $0x9;
	s3 =	simm.s32 $0x4;
	s30 =	sadd.s32 $0x38000, s6;
	[dreg:$0x12] =	wrdreg s29  }
0x19: {  	v12 =	vimm.s32 $0xA;
	v13 =	vimm.s32 $0xB;
	v14 =	vimm.s32 $0xC;
	s31 =	sadd.s32 $0x3C000, s6;
	s0 =	simm.s32 $0x1;
	[dreg:$0x13] =	wrdreg s30  }
0x1a: {  	v15 =	vimm.s32 $0xE;
	v16 =	vimm.s32 $0xF;
	v2 =	vmul.u32 $0x200, v2;
	s6 =	simm.s32 $0x6;
	[dreg:$0x14] =	wrdreg s31;
	s26 =	simm.s32 $0x2  }
.LBB2_1:
0x1b: {  	[dreg:$0x16] =	wrdreg s5  }
0x1c: {  	s29 =	rddreg [dreg:$0x4];
	s23 =	simm.s32 $0x7  }
0x1d: {  	[tilespmem:s2], [sflag:$0x7] =	stream.strided.gather [hbm4b:s29+s9], $0x100, s7, s9, $0x38;
	[tilespmem:$0x18D00] =	vst v63  }
0x1e: {  	_ =	swait.ge [sflag:s23], $0x100  }
0x1f: {  	[sflag:s23] =	ssyncset.done $0x0  }
0x20: {  	[sflag:s23] =	ssyncadd.s32 $0xFFFFFF00  }
0x21: {  	v17 =	vld [tilespmem:$0x0]  }
0x22: {  	v18 =	vld [tilespmem:$0x8]  }
0x23: {  	v19 =	vld [tilespmem:$0x10]  }
0x24: {  	v20 =	vld [tilespmem:$0x20]  }
0x25: {  	v21 =	vld [tilespmem:$0x30]  }
0x26: {  	v22 =	vld [tilespmem:$0x40]  }
0x27: {  	v31 =	vld [tilespmem:$0x80];
	[tilespmem:$0x100] =	vst v17  }
0x28: {  	v17 =	vld [tilespmem:$0x50];
	[tilespmem:$0x180] =	vst v18  }
0x29: {  	v18 =	vld [tilespmem:$0x60];
	[tilespmem:$0x200] =	vst v19  }
0x2a: {  	v19 =	vld [tilespmem:$0x70];
	[tilespmem:$0x280] =	vst v20  }
0x2b: {  	[tilespmem:$0x300] =	vst v21;
	v32 =	vld.msk [tilespmem:$0x100], $0xff  }
0x2c: {  	v33 =	vld [tilespmem:$0x90];
	[tilespmem:$0x380] =	vst v22  }
0x2d: {  	[tilespmem:$0x400] =	vst v17;
	v17 =	vld [tilespmem:$0xA0]  }
0x2e: {  	[tilespmem:$0x480] =	vst v18;
	v18 =	vld [tilespmem:$0xB0]  }
0x2f: {  	v34 =	vld [tilespmem:$0xD0];
	[tilespmem:$0x580] =	vst v31  }
0x30: {  	[tilespmem:$0x500] =	vst v19;
	v19 =	vld [tilespmem:$0xC0];
	v21 =	vshll.u32 v32, $0xD  }
0x31: {  	v35 =	vld [tilespmem:$0xE0];
	[tilespmem:$0x600] =	vst v33;
	v23 =	vperm.xlane v21, v1  }
0x32: {  	[tilespmem:$0x680] =	vst v17;
	v17 =	vld [tilespmem:$0xF0]  }
0x33: {  	v36 =	vperm.xlane v21, v3;
	[tilespmem:$0x700] =	vst v18;
	v18 =	vadd.s32 v2, v23  }
0x34: {  	[tilespmem:$0x800] =	vst v34  }
0x35: {  	v37 =	vperm.xlane v21, v4;
	[tilespmem:$0x780] =	vst v19;
	v19 =	vadd.s32 v2, v36  }
0x36: {  	[tilespmem:$0x880] =	vst v35  }
0x37: {  	s1 =	simm.s32 $0xD00;
	v38 =	vperm.xlane v21, v5;
	[tilespmem:$0x900] =	vst v17;
	v17 =	vadd.s32 v2, v37  }
0x38: {  	[tilespmem:s1], [sflag:$0x1] =	stream.indirect_vreg.gather [hbm4b:s4+s2], $0x80, v18, vm0, $0x38;
	[tilespmem:$0x18D00] =	vst v63  }
0x39: {  	s10 =	simm.s32 $0x1500;
	v39 =	vperm.xlane v21, v6;
	v18 =	vadd.s32 v2, v38  }
0x3a: {  	[tilespmem:s10], [sflag:$0x1] =	stream.indirect_vreg.gather [hbm4b:s4+s2], $0x80, v19, vm0, $0x38;
	[tilespmem:$0x18D00] =	vst v63  }
0x3b: {  	s24 =	simm.s32 $0x1D00;
	v40 =	vperm.xlane v21, v7;
	v19 =	vadd.s32 v2, v39  }
0x3c: {  	[tilespmem:s24], [sflag:$0x1] =	stream.indirect_vreg.gather [hbm4b:s4+s2], $0x80, v17, vm0, $0x38;
	[tilespmem:$0x18D00] =	vst v63  }
0x3d: {  	s25 =	simm.s32 $0x2500;
	v41 =	vperm.xlane v21, v8;
	v17 =	vadd.s32 v2, v40  }
0x3e: {  	[tilespmem:s25], [sflag:$0x1] =	stream.indirect_vreg.gather [hbm4b:s4+s2], $0x80, v18, vm0, $0x38;
	[tilespmem:$0x18D00] =	vst v63  }
0x3f: {  	s29 =	simm.s32 $0x2D00;
	v42 =	vperm.xlane v21, v9;
	v18 =	vadd.s32 v2, v41  }
0x40: {  	[tilespmem:s29], [sflag:$0x1] =	stream.indirect_vreg.gather [hbm4b:s4+s2], $0x80, v19, vm0, $0x38;
	[tilespmem:$0x18D00] =	vst v63  }
0x41: {  	s30 =	simm.s32 $0x3500;
	v19 =	vadd.s32 v2, v42  }
0x42: {  	[tilespmem:s30], [sflag:$0x1] =	stream.indirect_vreg.gather [hbm4b:s4+s2], $0x80, v17, vm0, $0x38;
	[tilespmem:$0x18D00] =	vst v63  }
0x43: {  	s31 =	simm.s32 $0x3D00  }
0x44: {  	[tilespmem:s31], [sflag:$0x1] =	stream.indirect_vreg.gather [hbm4b:s4+s2], $0x80, v18, vm0, $0x38;
	[tilespmem:$0x18D00] =	vst v63  }
0x45: {  	s5 =	simm.s32 $0x4500  }
0x46: {  	[tilespmem:s5], [sflag:$0x1] =	stream.indirect_vreg.gather [hbm4b:s4+s2], $0x80, v19, vm0, $0x38;
	[tilespmem:$0x18D00] =	vst v63  }
0x47: {  	v17 =	vld.msk [tilespmem:$0x180], $0xff;
	_ =	sdelay $0x4  }
0x48: {  	v17 =	vshll.u32 v17, $0xD  }
0x49: {  	v18 =	vperm.xlane v17, v1;
	_ =	sdelay $0x1  }
0x4a: {  	v19 =	vperm.xlane v17, v3;
	v18 =	vadd.s32 v2, v18;
	_ =	sdelay $0x1  }
0x4b: {  	v43 =	vperm.xlane v17, v4;
	v19 =	vadd.s32 v2, v19;
	_ =	sdelay $0x1  }
0x4c: {  	s14 =	simm.s32 $0x8D00;
	v44 =	vperm.xlane v17, v5;
	v20 =	vadd.s32 v2, v43  }
0x4d: {  	[tilespmem:s14], [sflag:$0x2] =	stream.indirect_vreg.gather [hbm4b:s4+s2], $0x80, v18, vm0, $0x38;
	[tilespmem:$0x18D00] =	vst v63  }
0x4e: {  	s17 =	simm.s32 $0x9500;
	v45 =	vperm.xlane v17, v6;
	v18 =	vadd.s32 v2, v44  }
0x4f: {  	[tilespmem:s17], [sflag:$0x2] =	stream.indirect_vreg.gather [hbm4b:s4+s2], $0x80, v19, vm0, $0x38;
	[tilespmem:$0x18D00] =	vst v63  }
0x50: {  	s19 =	simm.s32 $0x9D00;
	v46 =	vperm.xlane v17, v7;
	v19 =	vadd.s32 v2, v45  }
0x51: {  	[tilespmem:s19], [sflag:$0x2] =	stream.indirect_vreg.gather [hbm4b:s4+s2], $0x80, v20, vm0, $0x38;
	[tilespmem:$0x18D00] =	vst v63  }
0x52: {  	s21 =	simm.s32 $0xA500;
	v48 =	vperm.xlane v17, v8;
	v47 =	vadd.s32 v2, v46  }
0x53: {  	[tilespmem:s21], [sflag:$0x2] =	stream.indirect_vreg.gather [hbm4b:s4+s2], $0x80, v18, vm0, $0x38;
	[tilespmem:$0x18D00] =	vst v63  }
0x54: {  	s22 =	simm.s32 $0xAD00;
	v17 =	vperm.xlane v17, v9;
	v18 =	vadd.s32 v2, v48  }
0x55: {  	[tilespmem:s22], [sflag:$0x2] =	stream.indirect_vreg.gather [hbm4b:s4+s2], $0x80, v19, vm0, $0x38;
	[tilespmem:$0x18D00] =	vst v63  }
0x56: {  	s23 =	simm.s32 $0xB500;
	v17 =	vadd.s32 v2, v17  }
0x57: {  	[tilespmem:s23], [sflag:$0x2] =	stream.indirect_vreg.gather [hbm4b:s4+s2], $0x80, v47, vm0, $0x38;
	[tilespmem:$0x18D00] =	vst v63  }
0x58: {  	s24 =	simm.s32 $0xBD00  }
0x59: {  	[tilespmem:s24], [sflag:$0x2] =	stream.indirect_vreg.gather [hbm4b:s4+s2], $0x80, v18, vm0, $0x38;
	[tilespmem:$0x18D00] =	vst v63  }
0x5a: {  	s25 =	simm.s32 $0xC500  }
0x5b: {  	[tilespmem:s25], [sflag:$0x2] =	stream.indirect_vreg.gather [hbm4b:s4+s2], $0x80, v17, vm0, $0x38;
	[tilespmem:$0x18D00] =	vst v63  }
0x5c: {  	v17 =	vld [tilespmem:$0x200];
	_ =	sdelay $0x4  }
0x5d: {  	v17 =	vshll.u32 v17, $0xD  }
0x5e: {  	v18 =	vperm.xlane v17, v1;
	_ =	sdelay $0x1  }
0x5f: {  	v19 =	vperm.xlane v17, v3;
	v18 =	vadd.s32 v2, v18;
	_ =	sdelay $0x1  }
0x60: {  	v49 =	vperm.xlane v17, v4;
	v19 =	vadd.s32 v2, v19;
	_ =	sdelay $0x1  }
0x61: {  	s29 =	simm.s32 $0x10D00;
	v50 =	vperm.xlane v17, v5;
	v20 =	vadd.s32 v2, v49  }
0x62: {  	[tilespmem:s29], [sflag:$0x3] =	stream.indirect_vreg.gather [hbm4b:s4+s2], $0x80, v18, vm0, $0x38;
	[tilespmem:$0x18D00] =	vst v63  }
0x63: {  	s30 =	simm.s32 $0x11500;
	v51 =	vperm.xlane v17, v6;
	v18 =	vadd.s32 v2, v50  }
0x64: {  	[tilespmem:s30], [sflag:$0x3] =	stream.indirect_vreg.gather [hbm4b:s4+s2], $0x80, v19, vm0, $0x38;
	[tilespmem:$0x18D00] =	vst v63  }
0x65: {  	s31 =	simm.s32 $0x11D00;
	v52 =	vperm.xlane v17, v7;
	v19 =	vadd.s32 v2, v51  }
0x66: {  	[tilespmem:s31], [sflag:$0x3] =	stream.indirect_vreg.gather [hbm4b:s4+s2], $0x80, v20, vm0, $0x38;
	[tilespmem:$0x18D00] =	vst v63  }
0x67: {  	s5 =	simm.s32 $0x12500;
	v54 =	vperm.xlane v17, v8;
	v53 =	vadd.s32 v2, v52  }
0x68: {  	[tilespmem:s5], [sflag:$0x3] =	stream.indirect_vreg.gather [hbm4b:s4+s2], $0x80, v18, vm0, $0x38;
	[tilespmem:$0x18D00] =	vst v63  }
0x69: {  	s21 =	simm.s32 $0x12D00;
	v55 =	vperm.xlane v17, v9;
	v18 =	vadd.s32 v2, v54  }
0x6a: {  	[tilespmem:s21], [sflag:$0x3] =	stream.indirect_vreg.gather [hbm4b:s4+s2], $0x80, v19, vm0, $0x38;
	[tilespmem:$0x18D00] =	vst v63  }
0x6b: {  	s14 =	simm.s32 $0x13500;
	v56 =	vperm.xlane v17, v10;
	v19 =	vadd.s32 v2, v55  }
0x6c: {  	[tilespmem:s14], [sflag:$0x3] =	stream.indirect_vreg.gather [hbm4b:s4+s2], $0x80, v53, vm0, $0x38;
	[tilespmem:$0x18D00] =	vst v63  }
0x6d: {  	s17 =	simm.s32 $0x13D00;
	v58 =	vperm.xlane v17, v11;
	v57 =	vadd.s32 v2, v56  }
0x6e: {  	[tilespmem:s17], [sflag:$0x3] =	stream.indirect_vreg.gather [hbm4b:s4+s2], $0x80, v18, vm0, $0x38;
	[tilespmem:$0x18D00] =	vst v63  }
0x6f: {  	s22 =	simm.s32 $0x14500;
	v59 =	vperm.xlane v17, v12;
	v18 =	vadd.s32 v2, v58  }
0x70: {  	[tilespmem:s22], [sflag:$0x3] =	stream.indirect_vreg.gather [hbm4b:s4+s2], $0x80, v19, vm0, $0x38;
	[tilespmem:$0x18D00] =	vst v63  }
0x71: {  	s23 =	simm.s32 $0x14D00;
	v60 =	vperm.xlane v17, v13;
	v19 =	vadd.s32 v2, v59  }
0x72: {  	[tilespmem:s23], [sflag:$0x3] =	stream.indirect_vreg.gather [hbm4b:s4+s2], $0x80, v57, vm0, $0x38;
	[tilespmem:$0x18D00] =	vst v63  }
0x73: {  	s24 =	simm.s32 $0x15500;
	v62 =	vperm.xlane v17, v14;
	v61 =	vadd.s32 v2, v60  }
0x74: {  	[tilespmem:s24], [sflag:$0x3] =	stream.indirect_vreg.gather [hbm4b:s4+s2], $0x80, v18, vm0, $0x38;
	[tilespmem:$0x18D00] =	vst v63  }
0x75: {  	v63 =	vperm.xlane v17, v0;
	s29 =	simm.s32 $0x15D00;
	v18 =	vadd.s32 v2, v62  }
0x76: {  	[tilespmem:s29], [sflag:$0x3] =	stream.indirect_vreg.gather [hbm4b:s4+s2], $0x80, v19, vm0, $0x38;
	[tilespmem:$0x18D00] =	vst v63  }
0x77: {  	v24 =	vperm.xlane v17, v15;
	s30 =	simm.s32 $0x16500;
	v19 =	vadd.s32 v2, v63  }
0x78: {  	[tilespmem:s30], [sflag:$0x3] =	stream.indirect_vreg.gather [hbm4b:s4+s2], $0x80, v61, vm0, $0x38;
	[tilespmem:$0x18D00] =	vst v63  }
0x79: {  	v17 =	vperm.xlane v17, v16;
	v25 =	vadd.s32 v2, v24;
	s31 =	simm.s32 $0x16D00  }
0x7a: {  	[tilespmem:s31], [sflag:$0x3] =	stream.indirect_vreg.gather [hbm4b:s4+s2], $0x80, v18, vm0, $0x38;
	[tilespmem:$0x18D00] =	vst v63  }
0x7b: {  	v17 =	vadd.s32 v2, v17;
	s5 =	simm.s32 $0x17500  }
0x7c: {  	[tilespmem:s5], [sflag:$0x3] =	stream.indirect_vreg.gather [hbm4b:s4+s2], $0x80, v19, vm0, $0x38;
	[tilespmem:$0x18D00] =	vst v63  }
0x7d: {  	s10 =	simm.s32 $0x17D00  }
0x7e: {  	[tilespmem:s10], [sflag:$0x3] =	stream.indirect_vreg.gather [hbm4b:s4+s2], $0x80, v25, vm0, $0x38;
	[tilespmem:$0x18D00] =	vst v63  }
0x7f: {  	s14 =	simm.s32 $0x18500  }
0x80: {  	[tilespmem:s14], [sflag:$0x3] =	stream.indirect_vreg.gather [hbm4b:s4+s2], $0x80, v17, vm0, $0x38;
	[tilespmem:$0x18D00] =	vst v63  }
0x81: {  	_ =	swait.ge [sflag:s0], $0x4000  }
0x82: {  	[sflag:s0] =	ssyncset.done $0x0  }
0x83: {  	s1 =	simm.s32 $0xD00;
	s17 =	rddreg [dreg:$0x15];
	[sflag:s0] =	ssyncadd.s32 $0xFFFFC000  }
0x84: {  	[hbm4b:s17+s9] =	stream.strided.scatter [tilespmem:s1], [sflag:$0x4], $0x4000, s7, s9, $0x38;
	[tilespmem:$0x18D00] =	vst v63  }
0x85: {  	_ =	swait.ge [sflag:s3], $0x4000  }
0x86: {  	[sflag:s3] =	ssyncset.done $0x0  }
0x87: {  	[sflag:s3] =	ssyncadd.s32 $0xFFFFC000  }
0x88: {  	v17 =	vld [tilespmem:$0x280];
	_ =	sdelay $0x4  }
0x89: {  	v17 =	vshll.u32 v17, $0xD  }
0x8a: {  	v18 =	vperm.xlane v17, v1;
	_ =	sdelay $0x1  }
0x8b: {  	v19 =	vperm.xlane v17, v3;
	v18 =	vadd.s32 v2, v18;
	_ =	sdelay $0x1  }
0x8c: {  	v26 =	vperm.xlane v17, v4;
	v19 =	vadd.s32 v2, v19;
	_ =	sdelay $0x1  }
0x8d: {  	v27 =	vperm.xlane v17, v5;
	v20 =	vadd.s32 v2, v26  }
0x8e: {  	[tilespmem:s1], [sflag:$0x1] =	stream.indirect_vreg.gather [hbm4b:s4+s2], $0x80, v18, vm0, $0x38;
	[tilespmem:$0x18D00] =	vst v63  }
0x8f: {  	s15 =	simm.s32 $0x1500;
	v28 =	vperm.xlane v17, v6;
	v18 =	vadd.s32 v2, v27  }
0x90: {  	[tilespmem:s15], [sflag:$0x1] =	stream.indirect_vreg.gather [hbm4b:s4+s2], $0x80, v19, vm0, $0x38;
	[tilespmem:$0x18D00] =	vst v63  }
0x91: {  	s11 =	simm.s32 $0x1D00;
	v29 =	vperm.xlane v17, v7;
	v19 =	vadd.s32 v2, v28  }
0x92: {  	[tilespmem:s11], [sflag:$0x1] =	stream.indirect_vreg.gather [hbm4b:s4+s2], $0x80, v20, vm0, $0x38;
	[tilespmem:$0x18D00] =	vst v63  }
0x93: {  	s12 =	simm.s32 $0x2500;
	v31 =	vperm.xlane v17, v8;
	v30 =	vadd.s32 v2, v29  }
0x94: {  	[tilespmem:s12], [sflag:$0x1] =	stream.indirect_vreg.gather [hbm4b:s4+s2], $0x80, v18, vm0, $0x38;
	[tilespmem:$0x18D00] =	vst v63  }
0x95: {  	s13 =	simm.s32 $0x2D00;
	v32 =	vperm.xlane v17, v9;
	v18 =	vadd.s32 v2, v31  }
0x96: {  	[tilespmem:s13], [sflag:$0x1] =	stream.indirect_vreg.gather [hbm4b:s4+s2], $0x80, v19, vm0, $0x38;
	[tilespmem:$0x18D00] =	vst v63  }
0x97: {  	s16 =	simm.s32 $0x3500;
	v33 =	vperm.xlane v17, v10;
	v19 =	vadd.s32 v2, v32  }
0x98: {  	[tilespmem:s16], [sflag:$0x1] =	stream.indirect_vreg.gather [hbm4b:s4+s2], $0x80, v30, vm0, $0x38;
	[tilespmem:$0x18D00] =	vst v63  }
0x99: {  	s18 =	simm.s32 $0x3D00;
	v35 =	vperm.xlane v17, v11;
	v34 =	vadd.s32 v2, v33  }
0x9a: {  	[tilespmem:s18], [sflag:$0x1] =	stream.indirect_vreg.gather [hbm4b:s4+s2], $0x80, v18, vm0, $0x38;
	[tilespmem:$0x18D00] =	vst v63  }
0x9b: {  	s20 =	simm.s32 $0x4500;
	v36 =	vperm.xlane v17, v12;
	v18 =	vadd.s32 v2, v35  }
0x9c: {  	[tilespmem:s20], [sflag:$0x1] =	stream.indirect_vreg.gather [hbm4b:s4+s2], $0x80, v19, vm0, $0x38;
	[tilespmem:$0x18D00] =	vst v63  }
0x9d: {  	v37 =	vperm.xlane v17, v13;
	s18 =	simm.s32 $0x4D00;
	v19 =	vadd.s32 v2, v36  }
0x9e: {  	[tilespmem:s18], [sflag:$0x1] =	stream.indirect_vreg.gather [hbm4b:s4+s2], $0x80, v34, vm0, $0x38;
	[tilespmem:$0x18D00] =	vst v63  }
0x9f: {  	s21 =	simm.s32 $0x5500;
	v39 =	vperm.xlane v17, v14;
	v38 =	vadd.s32 v2, v37  }
0xa0: {  	[tilespmem:s21], [sflag:$0x1] =	stream.indirect_vreg.gather [hbm4b:s4+s2], $0x80, v18, vm0, $0x38;
	[tilespmem:$0x18D00] =	vst v63  }
0xa1: {  	s22 =	simm.s32 $0x5D00;
	v40 =	vperm.xlane v17, v0;
	v18 =	vadd.s32 v2, v39  }
0xa2: {  	[tilespmem:s22], [sflag:$0x1] =	stream.indirect_vreg.gather [hbm4b:s4+s2], $0x80, v19, vm0, $0x38;
	[tilespmem:$0x18D00] =	vst v63  }
0xa3: {  	s23 =	simm.s32 $0x6500;
	v41 =	vperm.xlane v17, v15;
	v19 =	vadd.s32 v2, v40  }
0xa4: {  	[tilespmem:s23], [sflag:$0x1] =	stream.indirect_vreg.gather [hbm4b:s4+s2], $0x80, v38, vm0, $0x38;
	[tilespmem:$0x18D00] =	vst v63  }
0xa5: {  	s29 =	simm.s32 $0x6D00;
	v17 =	vperm.xlane v17, v16;
	v42 =	vadd.s32 v2, v41  }
0xa6: {  	[tilespmem:s29], [sflag:$0x1] =	stream.indirect_vreg.gather [hbm4b:s4+s2], $0x80, v18, vm0, $0x38;
	[tilespmem:$0x18D00] =	vst v63  }
0xa7: {  	s30 =	simm.s32 $0x7500;
	v17 =	vadd.s32 v2, v17  }
0xa8: {  	[tilespmem:s30], [sflag:$0x1] =	stream.indirect_vreg.gather [hbm4b:s4+s2], $0x80, v19, vm0, $0x38;
	[tilespmem:$0x18D00] =	vst v63  }
0xa9: {  	s31 =	simm.s32 $0x7D00  }
0xaa: {  	[tilespmem:s31], [sflag:$0x1] =	stream.indirect_vreg.gather [hbm4b:s4+s2], $0x80, v42, vm0, $0x38;
	[tilespmem:$0x18D00] =	vst v63  }
0xab: {  	s1 =	simm.s32 $0x8500  }
0xac: {  	[tilespmem:s1], [sflag:$0x1] =	stream.indirect_vreg.gather [hbm4b:s4+s2], $0x80, v17, vm0, $0x38;
	[tilespmem:$0x18D00] =	vst v63  }
0xad: {  	_ =	swait.ge [sflag:s26], $0x4000  }
0xae: {  	[sflag:s26] =	ssyncset.done $0x0  }
0xaf: {  	s16 =	simm.s32 $0x8D00;
	s10 =	rddreg [dreg:$0x5];
	[sflag:s26] =	ssyncadd.s32 $0xFFFFC000  }
0xb0: {  	[hbm4b:s10+s9] =	stream.strided.scatter [tilespmem:s16], [sflag:$0x5], $0x4000, s7, s9, $0x38;
	[tilespmem:$0x18D00] =	vst v63  }
0xb1: {  	_ =	swait.ge [sflag:s28], $0x4000  }
0xb2: {  	[sflag:s28] =	ssyncset.done $0x0  }
0xb3: {  	[sflag:s28] =	ssyncadd.s32 $0xFFFFC000  }
0xb4: {  	v17 =	vld [tilespmem:$0x300];
	_ =	sdelay $0x4  }
0xb5: {  	v17 =	vshll.u32 v17, $0xD  }
0xb6: {  	v18 =	vperm.xlane v17, v1;
	_ =	sdelay $0x1  }
0xb7: {  	v19 =	vperm.xlane v17, v3;
	v18 =	vadd.s32 v2, v18;
	_ =	sdelay $0x1  }
0xb8: {  	v43 =	vperm.xlane v17, v4;
	v19 =	vadd.s32 v2, v19;
	_ =	sdelay $0x1  }
0xb9: {  	v44 =	vperm.xlane v17, v5;
	v20 =	vadd.s32 v2, v43  }
0xba: {  	[tilespmem:s16], [sflag:$0x2] =	stream.indirect_vreg.gather [hbm4b:s4+s2], $0x80, v18, vm0, $0x38;
	[tilespmem:$0x18D00] =	vst v63  }
0xbb: {  	s20 =	simm.s32 $0x9500;
	v45 =	vperm.xlane v17, v6;
	v18 =	vadd.s32 v2, v44  }
0xbc: {  	[tilespmem:s20], [sflag:$0x2] =	stream.indirect_vreg.gather [hbm4b:s4+s2], $0x80, v19, vm0, $0x38;
	[tilespmem:$0x18D00] =	vst v63  }
0xbd: {  	s21 =	simm.s32 $0x9D00;
	v46 =	vperm.xlane v17, v7;
	v19 =	vadd.s32 v2, v45  }
0xbe: {  	[tilespmem:s21], [sflag:$0x2] =	stream.indirect_vreg.gather [hbm4b:s4+s2], $0x80, v20, vm0, $0x38;
	[tilespmem:$0x18D00] =	vst v63  }
0xbf: {  	s22 =	simm.s32 $0xA500;
	v48 =	vperm.xlane v17, v8;
	v47 =	vadd.s32 v2, v46  }
0xc0: {  	[tilespmem:s22], [sflag:$0x2] =	stream.indirect_vreg.gather [hbm4b:s4+s2], $0x80, v18, vm0, $0x38;
	[tilespmem:$0x18D00] =	vst v63  }
0xc1: {  	s23 =	simm.s32 $0xAD00;
	v49 =	vperm.xlane v17, v9;
	v18 =	vadd.s32 v2, v48  }
0xc2: {  	[tilespmem:s23], [sflag:$0x2] =	stream.indirect_vreg.gather [hbm4b:s4+s2], $0x80, v19, vm0, $0x38;
	[tilespmem:$0x18D00] =	vst v63  }
0xc3: {  	s19 =	simm.s32 $0xB500;
	v50 =	vperm.xlane v17, v10;
	v19 =	vadd.s32 v2, v49  }
0xc4: {  	[tilespmem:s19], [sflag:$0x2] =	stream.indirect_vreg.gather [hbm4b:s4+s2], $0x80, v47, vm0, $0x38;
	[tilespmem:$0x18D00] =	vst v63  }
0xc5: {  	v52 =	vperm.xlane v17, v11;
	v51 =	vadd.s32 v2, v50;
	s19 =	simm.s32 $0xBD00  }
0xc6: {  	[tilespmem:s19], [sflag:$0x2] =	stream.indirect_vreg.gather [hbm4b:s4+s2], $0x80, v18, vm0, $0x38;
	[tilespmem:$0x18D00] =	vst v63  }
0xc7: {  	s25 =	simm.s32 $0xC500;
	v53 =	vperm.xlane v17, v12;
	v18 =	vadd.s32 v2, v52  }
0xc8: {  	[tilespmem:s25], [sflag:$0x2] =	stream.indirect_vreg.gather [hbm4b:s4+s2], $0x80, v19, vm0, $0x38;
	[tilespmem:$0x18D00] =	vst v63  }
0xc9: {  	s18 =	simm.s32 $0xCD00;
	v54 =	vperm.xlane v17, v13;
	v19 =	vadd.s32 v2, v53  }
0xca: {  	[tilespmem:s18], [sflag:$0x2] =	stream.indirect_vreg.gather [hbm4b:s4+s2], $0x80, v51, vm0, $0x38;
	[tilespmem:$0x18D00] =	vst v63  }
0xcb: {  	s29 =	simm.s32 $0xD500;
	v56 =	vperm.xlane v17, v14;
	v55 =	vadd.s32 v2, v54  }
0xcc: {  	[tilespmem:s29], [sflag:$0x2] =	stream.indirect_vreg.gather [hbm4b:s4+s2], $0x80, v18, vm0, $0x38;
	[tilespmem:$0x18D00] =	vst v63  }
0xcd: {  	s1 =	simm.s32 $0xDD00;
	v57 =	vperm.xlane v17, v0;
	v18 =	vadd.s32 v2, v56  }
0xce: {  	[tilespmem:s1], [sflag:$0x2] =	stream.indirect_vreg.gather [hbm4b:s4+s2], $0x80, v19, vm0, $0x38;
	[tilespmem:$0x18D00] =	vst v63  }
0xcf: {  	s10 =	simm.s32 $0xE500;
	v58 =	vperm.xlane v17, v15;
	v19 =	vadd.s32 v2, v57  }
0xd0: {  	[tilespmem:s10], [sflag:$0x2] =	stream.indirect_vreg.gather [hbm4b:s4+s2], $0x80, v55, vm0, $0x38;
	[tilespmem:$0x18D00] =	vst v63  }
0xd1: {  	v17 =	vperm.xlane v17, v16;
	v59 =	vadd.s32 v2, v58;
	s16 =	simm.s32 $0xED00  }
0xd2: {  	[tilespmem:s16], [sflag:$0x2] =	stream.indirect_vreg.gather [hbm4b:s4+s2], $0x80, v18, vm0, $0x38;
	[tilespmem:$0x18D00] =	vst v63  }
0xd3: {  	v17 =	vadd.s32 v2, v17;
	s18 =	simm.s32 $0xF500  }
0xd4: {  	[tilespmem:s18], [sflag:$0x2] =	stream.indirect_vreg.gather [hbm4b:s4+s2], $0x80, v19, vm0, $0x38;
	[tilespmem:$0x18D00] =	vst v63  }
0xd5: {  	s29 =	simm.s32 $0xFD00  }
0xd6: {  	[tilespmem:s29], [sflag:$0x2] =	stream.indirect_vreg.gather [hbm4b:s4+s2], $0x80, v59, vm0, $0x38;
	[tilespmem:$0x18D00] =	vst v63  }
0xd7: {  	s1 =	simm.s32 $0x10500  }
0xd8: {  	[tilespmem:s1], [sflag:$0x2] =	stream.indirect_vreg.gather [hbm4b:s4+s2], $0x80, v17, vm0, $0x38;
	[tilespmem:$0x18D00] =	vst v63  }
0xd9: {  	_ =	swait.ge [sflag:s8], $0x8000  }
0xda: {  	[sflag:s8] =	ssyncset.done $0x0  }
0xdb: {  	s16 =	simm.s32 $0x10D00;
	s10 =	rddreg [dreg:$0x6];
	[sflag:s8] =	ssyncadd.s32 $0xFFFF8000  }
0xdc: {  	[hbm4b:s10+s9] =	stream.strided.scatter [tilespmem:s16], [sflag:$0x6], $0x8000, s7, s9, $0x38;
	[tilespmem:$0x18D00] =	vst v63  }
0xdd: {  	_ =	swait.ge [sflag:s6], $0x8000  }
0xde: {  	[sflag:s6] =	ssyncset.done $0x0  }
0xdf: {  	[sflag:s6] =	ssyncadd.s32 $0xFFFF8000  }
0xe0: {  	v17 =	vld [tilespmem:$0x380];
	_ =	sdelay $0x4  }
0xe1: {  	v17 =	vshll.u32 v17, $0xD  }
0xe2: {  	v18 =	vperm.xlane v17, v1;
	_ =	sdelay $0x1  }
0xe3: {  	v19 =	vperm.xlane v17, v3;
	v18 =	vadd.s32 v2, v18;
	_ =	sdelay $0x1  }
0xe4: {  	v60 =	vperm.xlane v17, v4;
	v19 =	vadd.s32 v2, v19;
	_ =	sdelay $0x1  }
0xe5: {  	v61 =	vperm.xlane v17, v5;
	v20 =	vadd.s32 v2, v60  }
0xe6: {  	[tilespmem:s16], [sflag:$0x3] =	stream.indirect_vreg.gather [hbm4b:s4+s2], $0x80, v18, vm0, $0x38;
	[tilespmem:$0x18D00] =	vst v63  }
0xe7: {  	s18 =	simm.s32 $0x11500;
	v62 =	vperm.xlane v17, v6;
	v18 =	vadd.s32 v2, v61  }
0xe8: {  	[tilespmem:s18], [sflag:$0x3] =	stream.indirect_vreg.gather [hbm4b:s4+s2], $0x80, v19, vm0, $0x38;
	[tilespmem:$0x18D00] =	vst v63  }
0xe9: {  	s25 =	simm.s32 $0x11D00;
	v63 =	vperm.xlane v17, v7;
	v19 =	vadd.s32 v2, v62  }
0xea: {  	[tilespmem:s25], [sflag:$0x3] =	stream.indirect_vreg.gather [hbm4b:s4+s2], $0x80, v20, vm0, $0x38;
	[tilespmem:$0x18D00] =	vst v63  }
0xeb: {  	s29 =	simm.s32 $0x12500;
	v25 =	vperm.xlane v17, v8;
	v24 =	vadd.s32 v2, v63  }
0xec: {  	[tilespmem:s29], [sflag:$0x3] =	stream.indirect_vreg.gather [hbm4b:s4+s2], $0x80, v18, vm0, $0x38;
	[tilespmem:$0x18D00] =	vst v63  }
0xed: {  	s10 =	simm.s32 $0x12D00;
	v26 =	vperm.xlane v17, v9;
	v18 =	vadd.s32 v2, v25  }
0xee: {  	[tilespmem:s10], [sflag:$0x3] =	stream.indirect_vreg.gather [hbm4b:s4+s2], $0x80, v19, vm0, $0x38;
	[tilespmem:$0x18D00] =	vst v63  }
0xef: {  	v27 =	vperm.xlane v17, v10;
	s16 =	simm.s32 $0x13500;
	v19 =	vadd.s32 v2, v26  }
0xf0: {  	[tilespmem:s16], [sflag:$0x3] =	stream.indirect_vreg.gather [hbm4b:s4+s2], $0x80, v24, vm0, $0x38;
	[tilespmem:$0x18D00] =	vst v63  }
0xf1: {  	v29 =	vperm.xlane v17, v11;
	v28 =	vadd.s32 v2, v27;
	s18 =	simm.s32 $0x13D00  }
0xf2: {  	[tilespmem:s18], [sflag:$0x3] =	stream.indirect_vreg.gather [hbm4b:s4+s2], $0x80, v18, vm0, $0x38;
	[tilespmem:$0x18D00] =	vst v63  }
0xf3: {  	v30 =	vperm.xlane v17, v12;
	s25 =	simm.s32 $0x14500;
	v18 =	vadd.s32 v2, v29  }
0xf4: {  	[tilespmem:s25], [sflag:$0x3] =	stream.indirect_vreg.gather [hbm4b:s4+s2], $0x80, v19, vm0, $0x38;
	[tilespmem:$0x18D00] =	vst v63  }
0xf5: {  	v31 =	vperm.xlane v17, v13;
	s29 =	simm.s32 $0x14D00;
	v19 =	vadd.s32 v2, v30  }
0xf6: {  	[tilespmem:s29], [sflag:$0x3] =	stream.indirect_vreg.gather [hbm4b:s4+s2], $0x80, v28, vm0, $0x38;
	[tilespmem:$0x18D00] =	vst v63  }
0xf7: {  	v33 =	vperm.xlane v17, v14;
	v32 =	vadd.s32 v2, v31;
	s10 =	simm.s32 $0x15500  }
0xf8: {  	[tilespmem:s10], [sflag:$0x3] =	stream.indirect_vreg.gather [hbm4b:s4+s2], $0x80, v18, vm0, $0x38;
	[tilespmem:$0x18D00] =	vst v63  }
0xf9: {  	v34 =	vperm.xlane v17, v0;
	s16 =	simm.s32 $0x15D00;
	v18 =	vadd.s32 v2, v33  }
0xfa: {  	[tilespmem:s16], [sflag:$0x3] =	stream.indirect_vreg.gather [hbm4b:s4+s2], $0x80, v19, vm0, $0x38;
	[tilespmem:$0x18D00] =	vst v63  }
0xfb: {  	v35 =	vperm.xlane v17, v15;
	s18 =	simm.s32 $0x16500;
	v19 =	vadd.s32 v2, v34  }
0xfc: {  	[tilespmem:s18], [sflag:$0x3] =	stream.indirect_vreg.gather [hbm4b:s4+s2], $0x80, v32, vm0, $0x38;
	[tilespmem:$0x18D00] =	vst v63  }
0xfd: {  	v17 =	vperm.xlane v17, v16;
	v36 =	vadd.s32 v2, v35;
	s25 =	simm.s32 $0x16D00  }
0xfe: {  	[tilespmem:s25], [sflag:$0x3] =	stream.indirect_vreg.gather [hbm4b:s4+s2], $0x80, v18, vm0, $0x38;
	[tilespmem:$0x18D00] =	vst v63  }
0xff: {  	v17 =	vadd.s32 v2, v17;
	s10 =	simm.s32 $0x17500  }
0x100: {  	[tilespmem:s10], [sflag:$0x3] =	stream.indirect_vreg.gather [hbm4b:s4+s2], $0x80, v19, vm0, $0x38;
	[tilespmem:$0x18D00] =	vst v63  }
0x101: {  	s29 =	simm.s32 $0x17D00  }
0x102: {  	[tilespmem:s29], [sflag:$0x3] =	stream.indirect_vreg.gather [hbm4b:s4+s2], $0x80, v36, vm0, $0x38;
	[tilespmem:$0x18D00] =	vst v63  }
0x103: {  	s16 =	simm.s32 $0x18500  }
0x104: {  	[tilespmem:s16], [sflag:$0x3] =	stream.indirect_vreg.gather [hbm4b:s4+s2], $0x80, v17, vm0, $0x38;
	[tilespmem:$0x18D00] =	vst v63  }
0x105: {  	_ =	swait.ge [sflag:s0], $0x8000  }
0x106: {  	[sflag:s0] =	ssyncset.done $0x0  }
0x107: {  	s25 =	simm.s32 $0xD00;
	s18 =	rddreg [dreg:$0x7];
	[sflag:s0] =	ssyncadd.s32 $0xFFFF8000  }
0x108: {  	[hbm4b:s18+s9] =	stream.strided.scatter [tilespmem:s25], [sflag:$0x4], $0x8000, s7, s9, $0x38;
	[tilespmem:$0x18D00] =	vst v63  }
0x109: {  	_ =	swait.ge [sflag:s3], $0x8000  }
0x10a: {  	[sflag:s3] =	ssyncset.done $0x0  }
0x10b: {  	[sflag:s3] =	ssyncadd.s32 $0xFFFF8000  }
0x10c: {  	v17 =	vld [tilespmem:$0x400];
	_ =	sdelay $0x4  }
0x10d: {  	v17 =	vshll.u32 v17, $0xD  }
0x10e: {  	v18 =	vperm.xlane v17, v1;
	_ =	sdelay $0x1  }
0x10f: {  	v19 =	vperm.xlane v17, v3;
	v18 =	vadd.s32 v2, v18;
	_ =	sdelay $0x1  }
0x110: {  	v37 =	vperm.xlane v17, v4;
	v19 =	vadd.s32 v2, v19;
	_ =	sdelay $0x1  }
0x111: {  	v38 =	vperm.xlane v17, v5;
	v20 =	vadd.s32 v2, v37  }
0x112: {  	[tilespmem:s25], [sflag:$0x1] =	stream.indirect_vreg.gather [hbm4b:s4+s2], $0x80, v18, vm0, $0x38;
	[tilespmem:$0x18D00] =	vst v63  }
0x113: {  	s14 =	simm.s32 $0x1500;
	v39 =	vperm.xlane v17, v6;
	v18 =	vadd.s32 v2, v38  }
0x114: {  	[tilespmem:s14], [sflag:$0x1] =	stream.indirect_vreg.gather [hbm4b:s4+s2], $0x80, v19, vm0, $0x38;
	[tilespmem:$0x18D00] =	vst v63  }
0x115: {  	s15 =	simm.s32 $0x1D00;
	v40 =	vperm.xlane v17, v7;
	v19 =	vadd.s32 v2, v39  }
0x116: {  	[tilespmem:s15], [sflag:$0x1] =	stream.indirect_vreg.gather [hbm4b:s4+s2], $0x80, v20, vm0, $0x38;
	[tilespmem:$0x18D00] =	vst v63  }
0x117: {  	s17 =	simm.s32 $0x2500;
	v42 =	vperm.xlane v17, v8;
	v41 =	vadd.s32 v2, v40  }
0x118: {  	[tilespmem:s17], [sflag:$0x1] =	stream.indirect_vreg.gather [hbm4b:s4+s2], $0x80, v18, vm0, $0x38;
	[tilespmem:$0x18D00] =	vst v63  }
0x119: {  	s13 =	simm.s32 $0x2D00;
	v43 =	vperm.xlane v17, v9;
	v18 =	vadd.s32 v2, v42  }
0x11a: {  	[tilespmem:s13], [sflag:$0x1] =	stream.indirect_vreg.gather [hbm4b:s4+s2], $0x80, v19, vm0, $0x38;
	[tilespmem:$0x18D00] =	vst v63  }
0x11b: {  	s12 =	simm.s32 $0x3500;
	v44 =	vperm.xlane v17, v10;
	v19 =	vadd.s32 v2, v43  }
0x11c: {  	[tilespmem:s12], [sflag:$0x1] =	stream.indirect_vreg.gather [hbm4b:s4+s2], $0x80, v41, vm0, $0x38;
	[tilespmem:$0x18D00] =	vst v63  }
0x11d: {  	s11 =	simm.s32 $0x3D00;
	v46 =	vperm.xlane v17, v11;
	v45 =	vadd.s32 v2, v44  }
0x11e: {  	[tilespmem:s11], [sflag:$0x1] =	stream.indirect_vreg.gather [hbm4b:s4+s2], $0x80, v18, vm0, $0x38;
	[tilespmem:$0x18D00] =	vst v63  }
0x11f: {  	s5 =	simm.s32 $0x4500;
	v47 =	vperm.xlane v17, v12;
	v18 =	vadd.s32 v2, v46  }
0x120: {  	[tilespmem:s5], [sflag:$0x1] =	stream.indirect_vreg.gather [hbm4b:s4+s2], $0x80, v19, vm0, $0x38;
	[tilespmem:$0x18D00] =	vst v63  }
0x121: {  	s24 =	simm.s32 $0x4D00;
	v48 =	vperm.xlane v17, v13;
	v19 =	vadd.s32 v2, v47  }
0x122: {  	[tilespmem:s24], [sflag:$0x1] =	stream.indirect_vreg.gather [hbm4b:s4+s2], $0x80, v45, vm0, $0x38;
	[tilespmem:$0x18D00] =	vst v63  }
0x123: {  	s18 =	simm.s32 $0x5500;
	v50 =	vperm.xlane v17, v14;
	v49 =	vadd.s32 v2, v48  }
0x124: {  	[tilespmem:s18], [sflag:$0x1] =	stream.indirect_vreg.gather [hbm4b:s4+s2], $0x80, v18, vm0, $0x38;
	[tilespmem:$0x18D00] =	vst v63  }
0x125: {  	s16 =	simm.s32 $0x5D00;
	v51 =	vperm.xlane v17, v0;
	v18 =	vadd.s32 v2, v50  }
0x126: {  	[tilespmem:s16], [sflag:$0x1] =	stream.indirect_vreg.gather [hbm4b:s4+s2], $0x80, v19, vm0, $0x38;
	[tilespmem:$0x18D00] =	vst v63  }
0x127: {  	v52 =	vperm.xlane v17, v15;
	s15 =	simm.s32 $0x6500;
	v19 =	vadd.s32 v2, v51  }
0x128: {  	[tilespmem:s15], [sflag:$0x1] =	stream.indirect_vreg.gather [hbm4b:s4+s2], $0x80, v49, vm0, $0x38;
	[tilespmem:$0x18D00] =	vst v63  }
0x129: {  	v17 =	vperm.xlane v17, v16;
	v53 =	vadd.s32 v2, v52;
	s11 =	simm.s32 $0x6D00  }
0x12a: {  	[tilespmem:s11], [sflag:$0x1] =	stream.indirect_vreg.gather [hbm4b:s4+s2], $0x80, v18, vm0, $0x38;
	[tilespmem:$0x18D00] =	vst v63  }
0x12b: {  	v17 =	vadd.s32 v2, v17;
	s25 =	simm.s32 $0x7500  }
0x12c: {  	[tilespmem:s25], [sflag:$0x1] =	stream.indirect_vreg.gather [hbm4b:s4+s2], $0x80, v19, vm0, $0x38;
	[tilespmem:$0x18D00] =	vst v63  }
0x12d: {  	s24 =	simm.s32 $0x7D00  }
0x12e: {  	[tilespmem:s24], [sflag:$0x1] =	stream.indirect_vreg.gather [hbm4b:s4+s2], $0x80, v53, vm0, $0x38;
	[tilespmem:$0x18D00] =	vst v63  }
0x12f: {  	s12 =	simm.s32 $0x8500  }
0x130: {  	[tilespmem:s12], [sflag:$0x1] =	stream.indirect_vreg.gather [hbm4b:s4+s2], $0x80, v17, vm0, $0x38;
	[tilespmem:$0x18D00] =	vst v63  }
0x131: {  	_ =	swait.ge [sflag:s26], $0x8000  }
0x132: {  	[sflag:s26] =	ssyncset.done $0x0  }
0x133: {  	s17 =	simm.s32 $0x8D00;
	s14 =	rddreg [dreg:$0x8];
	[sflag:s26] =	ssyncadd.s32 $0xFFFF8000  }
0x134: {  	[hbm4b:s14+s9] =	stream.strided.scatter [tilespmem:s17], [sflag:$0x5], $0x8000, s7, s9, $0x38;
	[tilespmem:$0x18D00] =	vst v63  }
0x135: {  	_ =	swait.ge [sflag:s28], $0x8000  }
0x136: {  	[sflag:s28] =	ssyncset.done $0x0  }
0x137: {  	[sflag:s28] =	ssyncadd.s32 $0xFFFF8000  }
0x138: {  	v17 =	vld [tilespmem:$0x480];
	_ =	sdelay $0x4  }
0x139: {  	v17 =	vshll.u32 v17, $0xD  }
0x13a: {  	v18 =	vperm.xlane v17, v1;
	_ =	sdelay $0x1  }
0x13b: {  	v19 =	vperm.xlane v17, v3;
	v18 =	vadd.s32 v2, v18;
	_ =	sdelay $0x1  }
0x13c: {  	v54 =	vperm.xlane v17, v4;
	v19 =	vadd.s32 v2, v19;
	_ =	sdelay $0x1  }
0x13d: {  	v55 =	vperm.xlane v17, v5;
	v20 =	vadd.s32 v2, v54  }
0x13e: {  	[tilespmem:s17], [sflag:$0x2] =	stream.indirect_vreg.gather [hbm4b:s4+s2], $0x80, v18, vm0, $0x38;
	[tilespmem:$0x18D00] =	vst v63  }
0x13f: {  	v56 =	vperm.xlane v17, v6;
	v18 =	vadd.s32 v2, v55  }
0x140: {  	[tilespmem:s20], [sflag:$0x2] =	stream.indirect_vreg.gather [hbm4b:s4+s2], $0x80, v19, vm0, $0x38;
	[tilespmem:$0x18D00] =	vst v63  }
0x141: {  	v57 =	vperm.xlane v17, v7;
	v19 =	vadd.s32 v2, v56  }
0x142: {  	[tilespmem:s21], [sflag:$0x2] =	stream.indirect_vreg.gather [hbm4b:s4+s2], $0x80, v20, vm0, $0x38;
	[tilespmem:$0x18D00] =	vst v63  }
0x143: {  	v59 =	vperm.xlane v17, v8;
	v58 =	vadd.s32 v2, v57  }
0x144: {  	[tilespmem:s22], [sflag:$0x2] =	stream.indirect_vreg.gather [hbm4b:s4+s2], $0x80, v18, vm0, $0x38;
	[tilespmem:$0x18D00] =	vst v63  }
0x145: {  	v60 =	vperm.xlane v17, v9;
	v18 =	vadd.s32 v2, v59  }
0x146: {  	[tilespmem:s23], [sflag:$0x2] =	stream.indirect_vreg.gather [hbm4b:s4+s2], $0x80, v19, vm0, $0x38;
	[tilespmem:$0x18D00] =	vst v63  }
0x147: {  	s31 =	simm.s32 $0xB500;
	v61 =	vperm.xlane v17, v10;
	v19 =	vadd.s32 v2, v60  }
0x148: {  	[tilespmem:s31], [sflag:$0x2] =	stream.indirect_vreg.gather [hbm4b:s4+s2], $0x80, v58, vm0, $0x38;
	[tilespmem:$0x18D00] =	vst v63  }
0x149: {  	v63 =	vperm.xlane v17, v11;
	v62 =	vadd.s32 v2, v61  }
0x14a: {  	[tilespmem:s19], [sflag:$0x2] =	stream.indirect_vreg.gather [hbm4b:s4+s2], $0x80, v18, vm0, $0x38;
	[tilespmem:$0x18D00] =	vst v63  }
0x14b: {  	s30 =	simm.s32 $0xC500;
	v24 =	vperm.xlane v17, v12;
	v18 =	vadd.s32 v2, v63  }
0x14c: {  	[tilespmem:s30], [sflag:$0x2] =	stream.indirect_vreg.gather [hbm4b:s4+s2], $0x80, v19, vm0, $0x38;
	[tilespmem:$0x18D00] =	vst v63  }
0x14d: {  	s13 =	simm.s32 $0xCD00;
	v25 =	vperm.xlane v17, v13;
	v19 =	vadd.s32 v2, v24  }
0x14e: {  	[tilespmem:s13], [sflag:$0x2] =	stream.indirect_vreg.gather [hbm4b:s4+s2], $0x80, v62, vm0, $0x38;
	[tilespmem:$0x18D00] =	vst v63  }
0x14f: {  	s14 =	simm.s32 $0xD500;
	v27 =	vperm.xlane v17, v14;
	v26 =	vadd.s32 v2, v25  }
0x150: {  	[tilespmem:s14], [sflag:$0x2] =	stream.indirect_vreg.gather [hbm4b:s4+s2], $0x80, v18, vm0, $0x38;
	[tilespmem:$0x18D00] =	vst v63  }
0x151: {  	v28 =	vperm.xlane v17, v0;
	s21 =	simm.s32 $0xDD00;
	v18 =	vadd.s32 v2, v27  }
0x152: {  	[tilespmem:s21], [sflag:$0x2] =	stream.indirect_vreg.gather [hbm4b:s4+s2], $0x80, v19, vm0, $0x38;
	[tilespmem:$0x18D00] =	vst v63  }
0x153: {  	v29 =	vperm.xlane v17, v15;
	s19 =	simm.s32 $0xE500;
	v19 =	vadd.s32 v2, v28  }
0x154: {  	[tilespmem:s19], [sflag:$0x2] =	stream.indirect_vreg.gather [hbm4b:s4+s2], $0x80, v26, vm0, $0x38;
	[tilespmem:$0x18D00] =	vst v63  }
0x155: {  	v17 =	vperm.xlane v17, v16;
	v30 =	vadd.s32 v2, v29;
	s20 =	simm.s32 $0xED00  }
0x156: {  	[tilespmem:s20], [sflag:$0x2] =	stream.indirect_vreg.gather [hbm4b:s4+s2], $0x80, v18, vm0, $0x38;
	[tilespmem:$0x18D00] =	vst v63  }
0x157: {  	v17 =	vadd.s32 v2, v17;
	s30 =	simm.s32 $0xF500  }
0x158: {  	[tilespmem:s30], [sflag:$0x2] =	stream.indirect_vreg.gather [hbm4b:s4+s2], $0x80, v19, vm0, $0x38;
	[tilespmem:$0x18D00] =	vst v63  }
0x159: {  	s31 =	simm.s32 $0xFD00  }
0x15a: {  	[tilespmem:s31], [sflag:$0x2] =	stream.indirect_vreg.gather [hbm4b:s4+s2], $0x80, v30, vm0, $0x38;
	[tilespmem:$0x18D00] =	vst v63  }
0x15b: {  	s17 =	simm.s32 $0x10500  }
0x15c: {  	[tilespmem:s17], [sflag:$0x2] =	stream.indirect_vreg.gather [hbm4b:s4+s2], $0x80, v17, vm0, $0x38;
	[tilespmem:$0x18D00] =	vst v63  }
0x15d: {  	_ =	swait.ge [sflag:s8], $0x8000  }
0x15e: {  	[sflag:s8] =	ssyncset.done $0x0  }
0x15f: {  	s23 =	simm.s32 $0x10D00;
	s22 =	rddreg [dreg:$0x9];
	[sflag:s8] =	ssyncadd.s32 $0xFFFF8000  }
0x160: {  	[hbm4b:s22+s9] =	stream.strided.scatter [tilespmem:s23], [sflag:$0x6], $0x8000, s7, s9, $0x38;
	[tilespmem:$0x18D00] =	vst v63  }
0x161: {  	_ =	swait.ge [sflag:s6], $0x8000  }
0x162: {  	[sflag:s6] =	ssyncset.done $0x0  }
0x163: {  	[sflag:s6] =	ssyncadd.s32 $0xFFFF8000  }
0x164: {  	v17 =	vld [tilespmem:$0x500];
	_ =	sdelay $0x4  }
0x165: {  	v17 =	vshll.u32 v17, $0xD  }
0x166: {  	v18 =	vperm.xlane v17, v1;
	_ =	sdelay $0x1  }
0x167: {  	v19 =	vperm.xlane v17, v3;
	v18 =	vadd.s32 v2, v18;
	_ =	sdelay $0x1  }
0x168: {  	v31 =	vperm.xlane v17, v4;
	v19 =	vadd.s32 v2, v19;
	_ =	sdelay $0x1  }
0x169: {  	v32 =	vperm.xlane v17, v5;
	v20 =	vadd.s32 v2, v31  }
0x16a: {  	[tilespmem:s23], [sflag:$0x3] =	stream.indirect_vreg.gather [hbm4b:s4+s2], $0x80, v18, vm0, $0x38;
	[tilespmem:$0x18D00] =	vst v63  }
0x16b: {  	s29 =	simm.s32 $0x11500;
	v33 =	vperm.xlane v17, v6;
	v18 =	vadd.s32 v2, v32  }
0x16c: {  	[tilespmem:s29], [sflag:$0x3] =	stream.indirect_vreg.gather [hbm4b:s4+s2], $0x80, v19, vm0, $0x38;
	[tilespmem:$0x18D00] =	vst v63  }
0x16d: {  	s19 =	simm.s32 $0x11D00;
	v34 =	vperm.xlane v17, v7;
	v19 =	vadd.s32 v2, v33  }
0x16e: {  	[tilespmem:s19], [sflag:$0x3] =	stream.indirect_vreg.gather [hbm4b:s4+s2], $0x80, v20, vm0, $0x38;
	[tilespmem:$0x18D00] =	vst v63  }
0x16f: {  	s20 =	simm.s32 $0x12500;
	v36 =	vperm.xlane v17, v8;
	v35 =	vadd.s32 v2, v34  }
0x170: {  	[tilespmem:s20], [sflag:$0x3] =	stream.indirect_vreg.gather [hbm4b:s4+s2], $0x80, v18, vm0, $0x38;
	[tilespmem:$0x18D00] =	vst v63  }
0x171: {  	s22 =	simm.s32 $0x12D00;
	v37 =	vperm.xlane v17, v9;
	v18 =	vadd.s32 v2, v36  }
0x172: {  	[tilespmem:s22], [sflag:$0x3] =	stream.indirect_vreg.gather [hbm4b:s4+s2], $0x80, v19, vm0, $0x38;
	[tilespmem:$0x18D00] =	vst v63  }
0x173: {  	v38 =	vperm.xlane v17, v10;
	s23 =	simm.s32 $0x13500;
	v19 =	vadd.s32 v2, v37  }
0x174: {  	[tilespmem:s23], [sflag:$0x3] =	stream.indirect_vreg.gather [hbm4b:s4+s2], $0x80, v35, vm0, $0x38;
	[tilespmem:$0x18D00] =	vst v63  }
0x175: {  	v40 =	vperm.xlane v17, v11;
	v39 =	vadd.s32 v2, v38;
	s29 =	simm.s32 $0x13D00  }
0x176: {  	[tilespmem:s29], [sflag:$0x3] =	stream.indirect_vreg.gather [hbm4b:s4+s2], $0x80, v18, vm0, $0x38;
	[tilespmem:$0x18D00] =	vst v63  }
0x177: {  	v41 =	vperm.xlane v17, v12;
	s19 =	simm.s32 $0x14500;
	v18 =	vadd.s32 v2, v40  }
0x178: {  	[tilespmem:s19], [sflag:$0x3] =	stream.indirect_vreg.gather [hbm4b:s4+s2], $0x80, v19, vm0, $0x38;
	[tilespmem:$0x18D00] =	vst v63  }
0x179: {  	v42 =	vperm.xlane v17, v13;
	s20 =	simm.s32 $0x14D00;
	v19 =	vadd.s32 v2, v41  }
0x17a: {  	[tilespmem:s20], [sflag:$0x3] =	stream.indirect_vreg.gather [hbm4b:s4+s2], $0x80, v39, vm0, $0x38;
	[tilespmem:$0x18D00] =	vst v63  }
0x17b: {  	v44 =	vperm.xlane v17, v14;
	v43 =	vadd.s32 v2, v42;
	s22 =	simm.s32 $0x15500  }
0x17c: {  	[tilespmem:s22], [sflag:$0x3] =	stream.indirect_vreg.gather [hbm4b:s4+s2], $0x80, v18, vm0, $0x38;
	[tilespmem:$0x18D00] =	vst v63  }
0x17d: {  	v45 =	vperm.xlane v17, v0;
	s23 =	simm.s32 $0x15D00;
	v18 =	vadd.s32 v2, v44  }
0x17e: {  	[tilespmem:s23], [sflag:$0x3] =	stream.indirect_vreg.gather [hbm4b:s4+s2], $0x80, v19, vm0, $0x38;
	[tilespmem:$0x18D00] =	vst v63  }
0x17f: {  	v46 =	vperm.xlane v17, v15;
	s29 =	simm.s32 $0x16500;
	v19 =	vadd.s32 v2, v45  }
0x180: {  	[tilespmem:s29], [sflag:$0x3] =	stream.indirect_vreg.gather [hbm4b:s4+s2], $0x80, v43, vm0, $0x38;
	[tilespmem:$0x18D00] =	vst v63  }
0x181: {  	v17 =	vperm.xlane v17, v16;
	v47 =	vadd.s32 v2, v46;
	s19 =	simm.s32 $0x16D00  }
0x182: {  	[tilespmem:s19], [sflag:$0x3] =	stream.indirect_vreg.gather [hbm4b:s4+s2], $0x80, v18, vm0, $0x38;
	[tilespmem:$0x18D00] =	vst v63  }
0x183: {  	v17 =	vadd.s32 v2, v17  }
0x184: {  	[tilespmem:s10], [sflag:$0x3] =	stream.indirect_vreg.gather [hbm4b:s4+s2], $0x80, v19, vm0, $0x38;
	[tilespmem:$0x18D00] =	vst v63  }
0x185: {  	s20 =	simm.s32 $0x17D00  }
0x186: {  	[tilespmem:s20], [sflag:$0x3] =	stream.indirect_vreg.gather [hbm4b:s4+s2], $0x80, v47, vm0, $0x38;
	[tilespmem:$0x18D00] =	vst v63  }
0x187: {  	s22 =	simm.s32 $0x18500  }
0x188: {  	[tilespmem:s22], [sflag:$0x3] =	stream.indirect_vreg.gather [hbm4b:s4+s2], $0x80, v17, vm0, $0x38;
	[tilespmem:$0x18D00] =	vst v63  }
0x189: {  	_ =	swait.ge [sflag:s0], $0x8000  }
0x18a: {  	[sflag:s0] =	ssyncset.done $0x0  }
0x18b: {  	s5 =	simm.s32 $0xD00;
	s23 =	rddreg [dreg:$0xa];
	[sflag:s0] =	ssyncadd.s32 $0xFFFF8000  }
0x18c: {  	[hbm4b:s23+s9] =	stream.strided.scatter [tilespmem:s5], [sflag:$0x4], $0x8000, s7, s9, $0x38;
	[tilespmem:$0x18D00] =	vst v63  }
0x18d: {  	_ =	swait.ge [sflag:s3], $0x8000  }
0x18e: {  	[sflag:s3] =	ssyncset.done $0x0  }
0x18f: {  	[sflag:s3] =	ssyncadd.s32 $0xFFFF8000  }
0x190: {  	v17 =	vld [tilespmem:$0x580];
	_ =	sdelay $0x4  }
0x191: {  	v17 =	vshll.u32 v17, $0xD  }
0x192: {  	v18 =	vperm.xlane v17, v1;
	_ =	sdelay $0x1  }
0x193: {  	v19 =	vperm.xlane v17, v3;
	v18 =	vadd.s32 v2, v18;
	_ =	sdelay $0x1  }
0x194: {  	v48 =	vperm.xlane v17, v4;
	v19 =	vadd.s32 v2, v19;
	_ =	sdelay $0x1  }
0x195: {  	v49 =	vperm.xlane v17, v5;
	v20 =	vadd.s32 v2, v48  }
0x196: {  	[tilespmem:s5], [sflag:$0x1] =	stream.indirect_vreg.gather [hbm4b:s4+s2], $0x80, v18, vm0, $0x38;
	[tilespmem:$0x18D00] =	vst v63  }
0x197: {  	s19 =	simm.s32 $0x1500;
	v50 =	vperm.xlane v17, v6;
	v18 =	vadd.s32 v2, v49  }
0x198: {  	[tilespmem:s19], [sflag:$0x1] =	stream.indirect_vreg.gather [hbm4b:s4+s2], $0x80, v19, vm0, $0x38;
	[tilespmem:$0x18D00] =	vst v63  }
0x199: {  	s20 =	simm.s32 $0x1D00;
	v51 =	vperm.xlane v17, v7;
	v19 =	vadd.s32 v2, v50  }
0x19a: {  	[tilespmem:s20], [sflag:$0x1] =	stream.indirect_vreg.gather [hbm4b:s4+s2], $0x80, v20, vm0, $0x38;
	[tilespmem:$0x18D00] =	vst v63  }
0x19b: {  	s22 =	simm.s32 $0x2500;
	v53 =	vperm.xlane v17, v8;
	v52 =	vadd.s32 v2, v51  }
0x19c: {  	[tilespmem:s22], [sflag:$0x1] =	stream.indirect_vreg.gather [hbm4b:s4+s2], $0x80, v18, vm0, $0x38;
	[tilespmem:$0x18D00] =	vst v63  }
0x19d: {  	s23 =	simm.s32 $0x2D00;
	v54 =	vperm.xlane v17, v9;
	v18 =	vadd.s32 v2, v53  }
0x19e: {  	[tilespmem:s23], [sflag:$0x1] =	stream.indirect_vreg.gather [hbm4b:s4+s2], $0x80, v19, vm0, $0x38;
	[tilespmem:$0x18D00] =	vst v63  }
0x19f: {  	s29 =	simm.s32 $0x3500;
	v55 =	vperm.xlane v17, v10;
	v19 =	vadd.s32 v2, v54  }
0x1a0: {  	[tilespmem:s29], [sflag:$0x1] =	stream.indirect_vreg.gather [hbm4b:s4+s2], $0x80, v52, vm0, $0x38;
	[tilespmem:$0x18D00] =	vst v63  }
0x1a1: {  	v57 =	vperm.xlane v17, v11;
	v56 =	vadd.s32 v2, v55;
	s23 =	simm.s32 $0x3D00  }
0x1a2: {  	[tilespmem:s23], [sflag:$0x1] =	stream.indirect_vreg.gather [hbm4b:s4+s2], $0x80, v18, vm0, $0x38;
	[tilespmem:$0x18D00] =	vst v63  }
0x1a3: {  	v58 =	vperm.xlane v17, v12;
	s22 =	simm.s32 $0x4500;
	v18 =	vadd.s32 v2, v57  }
0x1a4: {  	[tilespmem:s22], [sflag:$0x1] =	stream.indirect_vreg.gather [hbm4b:s4+s2], $0x80, v19, vm0, $0x38;
	[tilespmem:$0x18D00] =	vst v63  }
0x1a5: {  	v59 =	vperm.xlane v17, v13;
	s20 =	simm.s32 $0x4D00;
	v19 =	vadd.s32 v2, v58  }
0x1a6: {  	[tilespmem:s20], [sflag:$0x1] =	stream.indirect_vreg.gather [hbm4b:s4+s2], $0x80, v56, vm0, $0x38;
	[tilespmem:$0x18D00] =	vst v63  }
0x1a7: {  	v61 =	vperm.xlane v17, v14;
	v60 =	vadd.s32 v2, v59  }
0x1a8: {  	[tilespmem:s18], [sflag:$0x1] =	stream.indirect_vreg.gather [hbm4b:s4+s2], $0x80, v18, vm0, $0x38;
	[tilespmem:$0x18D00] =	vst v63  }
0x1a9: {  	v62 =	vperm.xlane v17, v0;
	v18 =	vadd.s32 v2, v61  }
0x1aa: {  	[tilespmem:s16], [sflag:$0x1] =	stream.indirect_vreg.gather [hbm4b:s4+s2], $0x80, v19, vm0, $0x38;
	[tilespmem:$0x18D00] =	vst v63  }
0x1ab: {  	v63 =	vperm.xlane v17, v15;
	v19 =	vadd.s32 v2, v62  }
0x1ac: {  	[tilespmem:s15], [sflag:$0x1] =	stream.indirect_vreg.gather [hbm4b:s4+s2], $0x80, v60, vm0, $0x38;
	[tilespmem:$0x18D00] =	vst v63  }
0x1ad: {  	v17 =	vperm.xlane v17, v16;
	v24 =	vadd.s32 v2, v63  }
0x1ae: {  	[tilespmem:s11], [sflag:$0x1] =	stream.indirect_vreg.gather [hbm4b:s4+s2], $0x80, v18, vm0, $0x38;
	[tilespmem:$0x18D00] =	vst v63  }
0x1af: {  	v17 =	vadd.s32 v2, v17  }
0x1b0: {  	[tilespmem:s25], [sflag:$0x1] =	stream.indirect_vreg.gather [hbm4b:s4+s2], $0x80, v19, vm0, $0x38;
	[tilespmem:$0x18D00] =	vst v63  }
0x1b1: {  	_ = 	snop  }
0x1b2: {  	[tilespmem:s24], [sflag:$0x1] =	stream.indirect_vreg.gather [hbm4b:s4+s2], $0x80, v24, vm0, $0x38;
	[tilespmem:$0x18D00] =	vst v63  }
0x1b3: {  	_ = 	snop  }
0x1b4: {  	[tilespmem:s12], [sflag:$0x1] =	stream.indirect_vreg.gather [hbm4b:s4+s2], $0x80, v17, vm0, $0x38;
	[tilespmem:$0x18D00] =	vst v63  }
0x1b5: {  	_ =	swait.ge [sflag:s26], $0x8000  }
0x1b6: {  	[sflag:s26] =	ssyncset.done $0x0  }
0x1b7: {  	s19 =	simm.s32 $0x8D00;
	s18 =	rddreg [dreg:$0xb];
	[sflag:s26] =	ssyncadd.s32 $0xFFFF8000  }
0x1b8: {  	[hbm4b:s18+s9] =	stream.strided.scatter [tilespmem:s19], [sflag:$0x5], $0x8000, s7, s9, $0x38;
	[tilespmem:$0x18D00] =	vst v63  }
0x1b9: {  	_ =	swait.ge [sflag:s28], $0x8000  }
0x1ba: {  	[sflag:s28] =	ssyncset.done $0x0  }
0x1bb: {  	[sflag:s28] =	ssyncadd.s32 $0xFFFF8000  }
0x1bc: {  	v17 =	vld [tilespmem:$0x600];
	_ =	sdelay $0x4  }
0x1bd: {  	v17 =	vshll.u32 v17, $0xD  }
0x1be: {  	v18 =	vperm.xlane v17, v1;
	_ =	sdelay $0x1  }
0x1bf: {  	v19 =	vperm.xlane v17, v3;
	v18 =	vadd.s32 v2, v18;
	_ =	sdelay $0x1  }
0x1c0: {  	v25 =	vperm.xlane v17, v4;
	v19 =	vadd.s32 v2, v19;
	_ =	sdelay $0x1  }
0x1c1: {  	v26 =	vperm.xlane v17, v5;
	v20 =	vadd.s32 v2, v25  }
0x1c2: {  	[tilespmem:s19], [sflag:$0x2] =	stream.indirect_vreg.gather [hbm4b:s4+s2], $0x80, v18, vm0, $0x38;
	[tilespmem:$0x18D00] =	vst v63  }
0x1c3: {  	s11 =	simm.s32 $0x9500;
	v27 =	vperm.xlane v17, v6;
	v18 =	vadd.s32 v2, v26  }
0x1c4: {  	[tilespmem:s11], [sflag:$0x2] =	stream.indirect_vreg.gather [hbm4b:s4+s2], $0x80, v19, vm0, $0x38;
	[tilespmem:$0x18D00] =	vst v63  }
0x1c5: {  	s12 =	simm.s32 $0x9D00;
	v28 =	vperm.xlane v17, v7;
	v19 =	vadd.s32 v2, v27  }
0x1c6: {  	[tilespmem:s12], [sflag:$0x2] =	stream.indirect_vreg.gather [hbm4b:s4+s2], $0x80, v20, vm0, $0x38;
	[tilespmem:$0x18D00] =	vst v63  }
0x1c7: {  	s15 =	simm.s32 $0xA500;
	v30 =	vperm.xlane v17, v8;
	v29 =	vadd.s32 v2, v28  }
0x1c8: {  	[tilespmem:s15], [sflag:$0x2] =	stream.indirect_vreg.gather [hbm4b:s4+s2], $0x80, v18, vm0, $0x38;
	[tilespmem:$0x18D00] =	vst v63  }
0x1c9: {  	s16 =	simm.s32 $0xAD00;
	v31 =	vperm.xlane v17, v9;
	v18 =	vadd.s32 v2, v30  }
0x1ca: {  	[tilespmem:s16], [sflag:$0x2] =	stream.indirect_vreg.gather [hbm4b:s4+s2], $0x80, v19, vm0, $0x38;
	[tilespmem:$0x18D00] =	vst v63  }
0x1cb: {  	v32 =	vperm.xlane v17, v10;
	s19 =	simm.s32 $0xB500;
	v19 =	vadd.s32 v2, v31  }
0x1cc: {  	[tilespmem:s19], [sflag:$0x2] =	stream.indirect_vreg.gather [hbm4b:s4+s2], $0x80, v29, vm0, $0x38;
	[tilespmem:$0x18D00] =	vst v63  }
0x1cd: {  	s10 =	simm.s32 $0xBD00;
	v34 =	vperm.xlane v17, v11;
	v33 =	vadd.s32 v2, v32  }
0x1ce: {  	[tilespmem:s10], [sflag:$0x2] =	stream.indirect_vreg.gather [hbm4b:s4+s2], $0x80, v18, vm0, $0x38;
	[tilespmem:$0x18D00] =	vst v63  }
0x1cf: {  	s18 =	simm.s32 $0xC500;
	v35 =	vperm.xlane v17, v12;
	v18 =	vadd.s32 v2, v34  }
0x1d0: {  	[tilespmem:s18], [sflag:$0x2] =	stream.indirect_vreg.gather [hbm4b:s4+s2], $0x80, v19, vm0, $0x38;
	[tilespmem:$0x18D00] =	vst v63  }
0x1d1: {  	v36 =	vperm.xlane v17, v13;
	v19 =	vadd.s32 v2, v35  }
0x1d2: {  	[tilespmem:s13], [sflag:$0x2] =	stream.indirect_vreg.gather [hbm4b:s4+s2], $0x80, v33, vm0, $0x38;
	[tilespmem:$0x18D00] =	vst v63  }
0x1d3: {  	v38 =	vperm.xlane v17, v14;
	v37 =	vadd.s32 v2, v36  }
0x1d4: {  	[tilespmem:s14], [sflag:$0x2] =	stream.indirect_vreg.gather [hbm4b:s4+s2], $0x80, v18, vm0, $0x38;
	[tilespmem:$0x18D00] =	vst v63  }
0x1d5: {  	v39 =	vperm.xlane v17, v0;
	v18 =	vadd.s32 v2, v38  }
0x1d6: {  	[tilespmem:s21], [sflag:$0x2] =	stream.indirect_vreg.gather [hbm4b:s4+s2], $0x80, v19, vm0, $0x38;
	[tilespmem:$0x18D00] =	vst v63  }
0x1d7: {  	v40 =	vperm.xlane v17, v15;
	v19 =	vadd.s32 v2, v39;
	s21 =	simm.s32 $0xE500  }
0x1d8: {  	[tilespmem:s21], [sflag:$0x2] =	stream.indirect_vreg.gather [hbm4b:s4+s2], $0x80, v37, vm0, $0x38;
	[tilespmem:$0x18D00] =	vst v63  }
0x1d9: {  	s29 =	simm.s32 $0xED00;
	v17 =	vperm.xlane v17, v16;
	v41 =	vadd.s32 v2, v40  }
0x1da: {  	[tilespmem:s29], [sflag:$0x2] =	stream.indirect_vreg.gather [hbm4b:s4+s2], $0x80, v18, vm0, $0x38;
	[tilespmem:$0x18D00] =	vst v63  }
0x1db: {  	v17 =	vadd.s32 v2, v17  }
0x1dc: {  	[tilespmem:s30], [sflag:$0x2] =	stream.indirect_vreg.gather [hbm4b:s4+s2], $0x80, v19, vm0, $0x38;
	[tilespmem:$0x18D00] =	vst v63  }
0x1dd: {  	_ = 	snop  }
0x1de: {  	[tilespmem:s31], [sflag:$0x2] =	stream.indirect_vreg.gather [hbm4b:s4+s2], $0x80, v41, vm0, $0x38;
	[tilespmem:$0x18D00] =	vst v63  }
0x1df: {  	_ = 	snop  }
0x1e0: {  	[tilespmem:s17], [sflag:$0x2] =	stream.indirect_vreg.gather [hbm4b:s4+s2], $0x80, v17, vm0, $0x38;
	[tilespmem:$0x18D00] =	vst v63  }
0x1e1: {  	_ =	swait.ge [sflag:s8], $0x8000  }
0x1e2: {  	[sflag:s8] =	ssyncset.done $0x0  }
0x1e3: {  	s1 =	simm.s32 $0x10D00;
	s30 =	rddreg [dreg:$0xc];
	[sflag:s8] =	ssyncadd.s32 $0xFFFF8000  }
0x1e4: {  	[hbm4b:s30+s9] =	stream.strided.scatter [tilespmem:s1], [sflag:$0x6], $0x8000, s7, s9, $0x38;
	[tilespmem:$0x18D00] =	vst v63  }
0x1e5: {  	_ =	swait.ge [sflag:s6], $0x8000  }
0x1e6: {  	[sflag:s6] =	ssyncset.done $0x0  }
0x1e7: {  	[sflag:s6] =	ssyncadd.s32 $0xFFFF8000  }
0x1e8: {  	v17 =	vld [tilespmem:$0x680];
	_ =	sdelay $0x4  }
0x1e9: {  	v17 =	vshll.u32 v17, $0xD  }
0x1ea: {  	v18 =	vperm.xlane v17, v1;
	_ =	sdelay $0x1  }
0x1eb: {  	v19 =	vperm.xlane v17, v3;
	v18 =	vadd.s32 v2, v18;
	_ =	sdelay $0x1  }
0x1ec: {  	v42 =	vperm.xlane v17, v4;
	v19 =	vadd.s32 v2, v19;
	_ =	sdelay $0x1  }
0x1ed: {  	v43 =	vperm.xlane v17, v5;
	v20 =	vadd.s32 v2, v42  }
0x1ee: {  	[tilespmem:s1], [sflag:$0x3] =	stream.indirect_vreg.gather [hbm4b:s4+s2], $0x80, v18, vm0, $0x38;
	[tilespmem:$0x18D00] =	vst v63  }
0x1ef: {  	s31 =	simm.s32 $0x11500;
	v44 =	vperm.xlane v17, v6;
	v18 =	vadd.s32 v2, v43  }
0x1f0: {  	[tilespmem:s31], [sflag:$0x3] =	stream.indirect_vreg.gather [hbm4b:s4+s2], $0x80, v19, vm0, $0x38;
	[tilespmem:$0x18D00] =	vst v63  }
0x1f1: {  	s13 =	simm.s32 $0x11D00;
	v45 =	vperm.xlane v17, v7;
	v19 =	vadd.s32 v2, v44  }
0x1f2: {  	[tilespmem:s13], [sflag:$0x3] =	stream.indirect_vreg.gather [hbm4b:s4+s2], $0x80, v20, vm0, $0x38;
	[tilespmem:$0x18D00] =	vst v63  }
0x1f3: {  	s14 =	simm.s32 $0x12500;
	v47 =	vperm.xlane v17, v8;
	v46 =	vadd.s32 v2, v45  }
0x1f4: {  	[tilespmem:s14], [sflag:$0x3] =	stream.indirect_vreg.gather [hbm4b:s4+s2], $0x80, v18, vm0, $0x38;
	[tilespmem:$0x18D00] =	vst v63  }
0x1f5: {  	s17 =	simm.s32 $0x12D00;
	v48 =	vperm.xlane v17, v9;
	v18 =	vadd.s32 v2, v47  }
0x1f6: {  	[tilespmem:s17], [sflag:$0x3] =	stream.indirect_vreg.gather [hbm4b:s4+s2], $0x80, v19, vm0, $0x38;
	[tilespmem:$0x18D00] =	vst v63  }
0x1f7: {  	s21 =	simm.s32 $0x13500;
	v49 =	vperm.xlane v17, v10;
	v19 =	vadd.s32 v2, v48  }
0x1f8: {  	[tilespmem:s21], [sflag:$0x3] =	stream.indirect_vreg.gather [hbm4b:s4+s2], $0x80, v46, vm0, $0x38;
	[tilespmem:$0x18D00] =	vst v63  }
0x1f9: {  	s29 =	simm.s32 $0x13D00;
	v51 =	vperm.xlane v17, v11;
	v50 =	vadd.s32 v2, v49  }
0x1fa: {  	[tilespmem:s29], [sflag:$0x3] =	stream.indirect_vreg.gather [hbm4b:s4+s2], $0x80, v18, vm0, $0x38;
	[tilespmem:$0x18D00] =	vst v63  }
0x1fb: {  	s30 =	simm.s32 $0x14500;
	v52 =	vperm.xlane v17, v12;
	v18 =	vadd.s32 v2, v51  }
0x1fc: {  	[tilespmem:s30], [sflag:$0x3] =	stream.indirect_vreg.gather [hbm4b:s4+s2], $0x80, v19, vm0, $0x38;
	[tilespmem:$0x18D00] =	vst v63  }
0x1fd: {  	v53 =	vperm.xlane v17, v13;
	s31 =	simm.s32 $0x14D00;
	v19 =	vadd.s32 v2, v52  }
0x1fe: {  	[tilespmem:s31], [sflag:$0x3] =	stream.indirect_vreg.gather [hbm4b:s4+s2], $0x80, v50, vm0, $0x38;
	[tilespmem:$0x18D00] =	vst v63  }
0x1ff: {  	v55 =	vperm.xlane v17, v14;
	v54 =	vadd.s32 v2, v53;
	s13 =	simm.s32 $0x15500  }
0x200: {  	[tilespmem:s13], [sflag:$0x3] =	stream.indirect_vreg.gather [hbm4b:s4+s2], $0x80, v18, vm0, $0x38;
	[tilespmem:$0x18D00] =	vst v63  }
0x201: {  	v56 =	vperm.xlane v17, v0;
	s14 =	simm.s32 $0x15D00;
	v18 =	vadd.s32 v2, v55  }
0x202: {  	[tilespmem:s14], [sflag:$0x3] =	stream.indirect_vreg.gather [hbm4b:s4+s2], $0x80, v19, vm0, $0x38;
	[tilespmem:$0x18D00] =	vst v63  }
0x203: {  	v57 =	vperm.xlane v17, v15;
	s17 =	simm.s32 $0x16500;
	v19 =	vadd.s32 v2, v56  }
0x204: {  	[tilespmem:s17], [sflag:$0x3] =	stream.indirect_vreg.gather [hbm4b:s4+s2], $0x80, v54, vm0, $0x38;
	[tilespmem:$0x18D00] =	vst v63  }
0x205: {  	v17 =	vperm.xlane v17, v16;
	v58 =	vadd.s32 v2, v57;
	s21 =	simm.s32 $0x16D00  }
0x206: {  	[tilespmem:s21], [sflag:$0x3] =	stream.indirect_vreg.gather [hbm4b:s4+s2], $0x80, v18, vm0, $0x38;
	[tilespmem:$0x18D00] =	vst v63  }
0x207: {  	v17 =	vadd.s32 v2, v17;
	s29 =	simm.s32 $0x17500  }
0x208: {  	[tilespmem:s29], [sflag:$0x3] =	stream.indirect_vreg.gather [hbm4b:s4+s2], $0x80, v19, vm0, $0x38;
	[tilespmem:$0x18D00] =	vst v63  }
0x209: {  	s30 =	simm.s32 $0x17D00  }
0x20a: {  	[tilespmem:s30], [sflag:$0x3] =	stream.indirect_vreg.gather [hbm4b:s4+s2], $0x80, v58, vm0, $0x38;
	[tilespmem:$0x18D00] =	vst v63  }
0x20b: {  	s31 =	simm.s32 $0x18500  }
0x20c: {  	[tilespmem:s31], [sflag:$0x3] =	stream.indirect_vreg.gather [hbm4b:s4+s2], $0x80, v17, vm0, $0x38;
	[tilespmem:$0x18D00] =	vst v63  }
0x20d: {  	_ =	swait.ge [sflag:s0], $0x8000  }
0x20e: {  	[sflag:s0] =	ssyncset.done $0x0  }
0x20f: {  	s5 =	simm.s32 $0xD00;
	s1 =	rddreg [dreg:$0xd];
	[sflag:s0] =	ssyncadd.s32 $0xFFFF8000  }
0x210: {  	[hbm4b:s1+s9] =	stream.strided.scatter [tilespmem:s5], [sflag:$0x4], $0x8000, s7, s9, $0x38;
	[tilespmem:$0x18D00] =	vst v63  }
0x211: {  	_ =	swait.ge [sflag:s3], $0x8000  }
0x212: {  	[sflag:s3] =	ssyncset.done $0x0  }
0x213: {  	[sflag:s3] =	ssyncadd.s32 $0xFFFF8000  }
0x214: {  	v17 =	vld [tilespmem:$0x700];
	_ =	sdelay $0x4  }
0x215: {  	v17 =	vshll.u32 v17, $0xD  }
0x216: {  	v18 =	vperm.xlane v17, v1;
	_ =	sdelay $0x1  }
0x217: {  	v19 =	vperm.xlane v17, v3;
	v18 =	vadd.s32 v2, v18;
	_ =	sdelay $0x1  }
0x218: {  	v59 =	vperm.xlane v17, v4;
	v19 =	vadd.s32 v2, v19;
	_ =	sdelay $0x1  }
0x219: {  	v60 =	vperm.xlane v17, v5;
	v20 =	vadd.s32 v2, v59  }
0x21a: {  	[tilespmem:s5], [sflag:$0x1] =	stream.indirect_vreg.gather [hbm4b:s4+s2], $0x80, v18, vm0, $0x38;
	[tilespmem:$0x18D00] =	vst v63  }
0x21b: {  	v61 =	vperm.xlane v17, v6;
	v18 =	vadd.s32 v2, v60;
	s5 =	simm.s32 $0x1500  }
0x21c: {  	[tilespmem:s5], [sflag:$0x1] =	stream.indirect_vreg.gather [hbm4b:s4+s2], $0x80, v19, vm0, $0x38;
	[tilespmem:$0x18D00] =	vst v63  }
0x21d: {  	s13 =	simm.s32 $0x1D00;
	v62 =	vperm.xlane v17, v7;
	v19 =	vadd.s32 v2, v61  }
0x21e: {  	[tilespmem:s13], [sflag:$0x1] =	stream.indirect_vreg.gather [hbm4b:s4+s2], $0x80, v20, vm0, $0x38;
	[tilespmem:$0x18D00] =	vst v63  }
0x21f: {  	s14 =	simm.s32 $0x2500;
	v24 =	vperm.xlane v17, v8;
	v63 =	vadd.s32 v2, v62  }
0x220: {  	[tilespmem:s14], [sflag:$0x1] =	stream.indirect_vreg.gather [hbm4b:s4+s2], $0x80, v18, vm0, $0x38;
	[tilespmem:$0x18D00] =	vst v63  }
0x221: {  	s17 =	simm.s32 $0x2D00;
	v25 =	vperm.xlane v17, v9;
	v18 =	vadd.s32 v2, v24  }
0x222: {  	[tilespmem:s17], [sflag:$0x1] =	stream.indirect_vreg.gather [hbm4b:s4+s2], $0x80, v19, vm0, $0x38;
	[tilespmem:$0x18D00] =	vst v63  }
0x223: {  	s29 =	simm.s32 $0x3500;
	v26 =	vperm.xlane v17, v10;
	v19 =	vadd.s32 v2, v25  }
0x224: {  	[tilespmem:s29], [sflag:$0x1] =	stream.indirect_vreg.gather [hbm4b:s4+s2], $0x80, v63, vm0, $0x38;
	[tilespmem:$0x18D00] =	vst v63  }
0x225: {  	v28 =	vperm.xlane v17, v11;
	v27 =	vadd.s32 v2, v26  }
0x226: {  	[tilespmem:s23], [sflag:$0x1] =	stream.indirect_vreg.gather [hbm4b:s4+s2], $0x80, v18, vm0, $0x38;
	[tilespmem:$0x18D00] =	vst v63  }
0x227: {  	v29 =	vperm.xlane v17, v12;
	v18 =	vadd.s32 v2, v28  }
0x228: {  	[tilespmem:s22], [sflag:$0x1] =	stream.indirect_vreg.gather [hbm4b:s4+s2], $0x80, v19, vm0, $0x38;
	[tilespmem:$0x18D00] =	vst v63  }
0x229: {  	v30 =	vperm.xlane v17, v13;
	v19 =	vadd.s32 v2, v29  }
0x22a: {  	[tilespmem:s20], [sflag:$0x1] =	stream.indirect_vreg.gather [hbm4b:s4+s2], $0x80, v27, vm0, $0x38;
	[tilespmem:$0x18D00] =	vst v63  }
0x22b: {  	v32 =	vperm.xlane v17, v14;
	v31 =	vadd.s32 v2, v30;
	s5 =	simm.s32 $0x5500  }
0x22c: {  	[tilespmem:s5], [sflag:$0x1] =	stream.indirect_vreg.gather [hbm4b:s4+s2], $0x80, v18, vm0, $0x38;
	[tilespmem:$0x18D00] =	vst v63  }
0x22d: {  	v33 =	vperm.xlane v17, v0;
	s13 =	simm.s32 $0x5D00;
	v18 =	vadd.s32 v2, v32  }
0x22e: {  	[tilespmem:s13], [sflag:$0x1] =	stream.indirect_vreg.gather [hbm4b:s4+s2], $0x80, v19, vm0, $0x38;
	[tilespmem:$0x18D00] =	vst v63  }
0x22f: {  	v34 =	vperm.xlane v17, v15;
	s14 =	simm.s32 $0x6500;
	v19 =	vadd.s32 v2, v33  }
0x230: {  	[tilespmem:s14], [sflag:$0x1] =	stream.indirect_vreg.gather [hbm4b:s4+s2], $0x80, v31, vm0, $0x38;
	[tilespmem:$0x18D00] =	vst v63  }
0x231: {  	v17 =	vperm.xlane v17, v16;
	v35 =	vadd.s32 v2, v34;
	s17 =	simm.s32 $0x6D00  }
0x232: {  	[tilespmem:s17], [sflag:$0x1] =	stream.indirect_vreg.gather [hbm4b:s4+s2], $0x80, v18, vm0, $0x38;
	[tilespmem:$0x18D00] =	vst v63  }
0x233: {  	s25 =	simm.s32 $0x7500;
	v17 =	vadd.s32 v2, v17  }
0x234: {  	[tilespmem:s25], [sflag:$0x1] =	stream.indirect_vreg.gather [hbm4b:s4+s2], $0x80, v19, vm0, $0x38;
	[tilespmem:$0x18D00] =	vst v63  }
0x235: {  	s30 =	simm.s32 $0x7D00  }
0x236: {  	[tilespmem:s30], [sflag:$0x1] =	stream.indirect_vreg.gather [hbm4b:s4+s2], $0x80, v35, vm0, $0x38;
	[tilespmem:$0x18D00] =	vst v63  }
0x237: {  	s29 =	simm.s32 $0x8500  }
0x238: {  	[tilespmem:s29], [sflag:$0x1] =	stream.indirect_vreg.gather [hbm4b:s4+s2], $0x80, v17, vm0, $0x38;
	[tilespmem:$0x18D00] =	vst v63  }
0x239: {  	_ =	swait.ge [sflag:s26], $0x8000  }
0x23a: {  	[sflag:s26] =	ssyncset.done $0x0  }
0x23b: {  	s24 =	simm.s32 $0x8D00;
	s1 =	rddreg [dreg:$0xe];
	[sflag:s26] =	ssyncadd.s32 $0xFFFF8000  }
0x23c: {  	[hbm4b:s1+s9] =	stream.strided.scatter [tilespmem:s24], [sflag:$0x5], $0x8000, s7, s9, $0x38;
	[tilespmem:$0x18D00] =	vst v63  }
0x23d: {  	_ =	swait.ge [sflag:s28], $0x8000  }
0x23e: {  	[sflag:s28] =	ssyncset.done $0x0  }
0x23f: {  	[sflag:s28] =	ssyncadd.s32 $0xFFFF8000  }
0x240: {  	v17 =	vld [tilespmem:$0x780];
	_ =	sdelay $0x4  }
0x241: {  	v17 =	vshll.u32 v17, $0xD  }
0x242: {  	v18 =	vperm.xlane v17, v1;
	_ =	sdelay $0x1  }
0x243: {  	v19 =	vperm.xlane v17, v3;
	v18 =	vadd.s32 v2, v18;
	_ =	sdelay $0x1  }
0x244: {  	v36 =	vperm.xlane v17, v4;
	v19 =	vadd.s32 v2, v19;
	_ =	sdelay $0x1  }
0x245: {  	v37 =	vperm.xlane v17, v5;
	v20 =	vadd.s32 v2, v36  }
0x246: {  	[tilespmem:s24], [sflag:$0x2] =	stream.indirect_vreg.gather [hbm4b:s4+s2], $0x80, v18, vm0, $0x38;
	[tilespmem:$0x18D00] =	vst v63  }
0x247: {  	v38 =	vperm.xlane v17, v6;
	v18 =	vadd.s32 v2, v37  }
0x248: {  	[tilespmem:s11], [sflag:$0x2] =	stream.indirect_vreg.gather [hbm4b:s4+s2], $0x80, v19, vm0, $0x38;
	[tilespmem:$0x18D00] =	vst v63  }
0x249: {  	v39 =	vperm.xlane v17, v7;
	v19 =	vadd.s32 v2, v38  }
0x24a: {  	[tilespmem:s12], [sflag:$0x2] =	stream.indirect_vreg.gather [hbm4b:s4+s2], $0x80, v20, vm0, $0x38;
	[tilespmem:$0x18D00] =	vst v63  }
0x24b: {  	v41 =	vperm.xlane v17, v8;
	v40 =	vadd.s32 v2, v39  }
0x24c: {  	[tilespmem:s15], [sflag:$0x2] =	stream.indirect_vreg.gather [hbm4b:s4+s2], $0x80, v18, vm0, $0x38;
	[tilespmem:$0x18D00] =	vst v63  }
0x24d: {  	v42 =	vperm.xlane v17, v9;
	v18 =	vadd.s32 v2, v41  }
0x24e: {  	[tilespmem:s16], [sflag:$0x2] =	stream.indirect_vreg.gather [hbm4b:s4+s2], $0x80, v19, vm0, $0x38;
	[tilespmem:$0x18D00] =	vst v63  }
0x24f: {  	v43 =	vperm.xlane v17, v10;
	v19 =	vadd.s32 v2, v42  }
0x250: {  	[tilespmem:s19], [sflag:$0x2] =	stream.indirect_vreg.gather [hbm4b:s4+s2], $0x80, v40, vm0, $0x38;
	[tilespmem:$0x18D00] =	vst v63  }
0x251: {  	v45 =	vperm.xlane v17, v11;
	v44 =	vadd.s32 v2, v43  }
0x252: {  	[tilespmem:s10], [sflag:$0x2] =	stream.indirect_vreg.gather [hbm4b:s4+s2], $0x80, v18, vm0, $0x38;
	[tilespmem:$0x18D00] =	vst v63  }
0x253: {  	v46 =	vperm.xlane v17, v12;
	v18 =	vadd.s32 v2, v45  }
0x254: {  	[tilespmem:s18], [sflag:$0x2] =	stream.indirect_vreg.gather [hbm4b:s4+s2], $0x80, v19, vm0, $0x38;
	[tilespmem:$0x18D00] =	vst v63  }
0x255: {  	v47 =	vperm.xlane v17, v13;
	v19 =	vadd.s32 v2, v46;
	s18 =	simm.s32 $0xCD00  }
0x256: {  	[tilespmem:s18], [sflag:$0x2] =	stream.indirect_vreg.gather [hbm4b:s4+s2], $0x80, v44, vm0, $0x38;
	[tilespmem:$0x18D00] =	vst v63  }
0x257: {  	s29 =	simm.s32 $0xD500;
	v49 =	vperm.xlane v17, v14;
	v48 =	vadd.s32 v2, v47  }
0x258: {  	[tilespmem:s29], [sflag:$0x2] =	stream.indirect_vreg.gather [hbm4b:s4+s2], $0x80, v18, vm0, $0x38;
	[tilespmem:$0x18D00] =	vst v63  }
0x259: {  	v50 =	vperm.xlane v17, v0;
	s18 =	simm.s32 $0xDD00;
	v18 =	vadd.s32 v2, v49  }
0x25a: {  	[tilespmem:s18], [sflag:$0x2] =	stream.indirect_vreg.gather [hbm4b:s4+s2], $0x80, v19, vm0, $0x38;
	[tilespmem:$0x18D00] =	vst v63  }
0x25b: {  	v51 =	vperm.xlane v17, v15;
	s29 =	simm.s32 $0xE500;
	v19 =	vadd.s32 v2, v50  }
0x25c: {  	[tilespmem:s29], [sflag:$0x2] =	stream.indirect_vreg.gather [hbm4b:s4+s2], $0x80, v48, vm0, $0x38;
	[tilespmem:$0x18D00] =	vst v63  }
0x25d: {  	v17 =	vperm.xlane v17, v16;
	v52 =	vadd.s32 v2, v51;
	s18 =	simm.s32 $0xED00  }
0x25e: {  	[tilespmem:s18], [sflag:$0x2] =	stream.indirect_vreg.gather [hbm4b:s4+s2], $0x80, v18, vm0, $0x38;
	[tilespmem:$0x18D00] =	vst v63  }
0x25f: {  	v17 =	vadd.s32 v2, v17;
	s29 =	simm.s32 $0xF500  }
0x260: {  	[tilespmem:s29], [sflag:$0x2] =	stream.indirect_vreg.gather [hbm4b:s4+s2], $0x80, v19, vm0, $0x38;
	[tilespmem:$0x18D00] =	vst v63  }
0x261: {  	s18 =	simm.s32 $0xFD00  }
0x262: {  	[tilespmem:s18], [sflag:$0x2] =	stream.indirect_vreg.gather [hbm4b:s4+s2], $0x80, v52, vm0, $0x38;
	[tilespmem:$0x18D00] =	vst v63  }
0x263: {  	s29 =	simm.s32 $0x10500  }
0x264: {  	[tilespmem:s29], [sflag:$0x2] =	stream.indirect_vreg.gather [hbm4b:s4+s2], $0x80, v17, vm0, $0x38;
	[tilespmem:$0x18D00] =	vst v63  }
0x265: {  	_ =	swait.ge [sflag:s8], $0x8000  }
0x266: {  	[sflag:s8] =	ssyncset.done $0x0  }
0x267: {  	s1 =	simm.s32 $0x10D00;
	s18 =	rddreg [dreg:$0xf];
	[sflag:s8] =	ssyncadd.s32 $0xFFFF8000  }
0x268: {  	[hbm4b:s18+s9] =	stream.strided.scatter [tilespmem:s1], [sflag:$0x6], $0x8000, s7, s9, $0x38;
	[tilespmem:$0x18D00] =	vst v63  }
0x269: {  	_ =	swait.ge [sflag:s6], $0x8000  }
0x26a: {  	[sflag:s6] =	ssyncset.done $0x0  }
0x26b: {  	[sflag:s6] =	ssyncadd.s32 $0xFFFF8000  }
0x26c: {  	v17 =	vld [tilespmem:$0x800];
	_ =	sdelay $0x4  }
0x26d: {  	v17 =	vshll.u32 v17, $0xD  }
0x26e: {  	v18 =	vperm.xlane v17, v1;
	_ =	sdelay $0x1  }
0x26f: {  	v19 =	vperm.xlane v17, v3;
	v18 =	vadd.s32 v2, v18;
	_ =	sdelay $0x1  }
0x270: {  	v53 =	vperm.xlane v17, v4;
	v19 =	vadd.s32 v2, v19;
	_ =	sdelay $0x1  }
0x271: {  	v54 =	vperm.xlane v17, v5;
	v20 =	vadd.s32 v2, v53  }
0x272: {  	[tilespmem:s1], [sflag:$0x3] =	stream.indirect_vreg.gather [hbm4b:s4+s2], $0x80, v18, vm0, $0x38;
	[tilespmem:$0x18D00] =	vst v63  }
0x273: {  	s29 =	simm.s32 $0x11500;
	v55 =	vperm.xlane v17, v6;
	v18 =	vadd.s32 v2, v54  }
0x274: {  	[tilespmem:s29], [sflag:$0x3] =	stream.indirect_vreg.gather [hbm4b:s4+s2], $0x80, v19, vm0, $0x38;
	[tilespmem:$0x18D00] =	vst v63  }
0x275: {  	v56 =	vperm.xlane v17, v7;
	v19 =	vadd.s32 v2, v55;
	s29 =	simm.s32 $0x11D00  }
0x276: {  	[tilespmem:s29], [sflag:$0x3] =	stream.indirect_vreg.gather [hbm4b:s4+s2], $0x80, v20, vm0, $0x38;
	[tilespmem:$0x18D00] =	vst v63  }
0x277: {  	v58 =	vperm.xlane v17, v8;
	v57 =	vadd.s32 v2, v56;
	s29 =	simm.s32 $0x12500  }
0x278: {  	[tilespmem:s29], [sflag:$0x3] =	stream.indirect_vreg.gather [hbm4b:s4+s2], $0x80, v18, vm0, $0x38;
	[tilespmem:$0x18D00] =	vst v63  }
0x279: {  	v59 =	vperm.xlane v17, v9;
	v18 =	vadd.s32 v2, v58;
	s29 =	simm.s32 $0x12D00  }
0x27a: {  	[tilespmem:s29], [sflag:$0x3] =	stream.indirect_vreg.gather [hbm4b:s4+s2], $0x80, v19, vm0, $0x38;
	[tilespmem:$0x18D00] =	vst v63  }
0x27b: {  	v60 =	vperm.xlane v17, v10;
	v19 =	vadd.s32 v2, v59;
	s29 =	simm.s32 $0x13500  }
0x27c: {  	[tilespmem:s29], [sflag:$0x3] =	stream.indirect_vreg.gather [hbm4b:s4+s2], $0x80, v57, vm0, $0x38;
	[tilespmem:$0x18D00] =	vst v63  }
0x27d: {  	v62 =	vperm.xlane v17, v11;
	v61 =	vadd.s32 v2, v60;
	s29 =	simm.s32 $0x13D00  }
0x27e: {  	[tilespmem:s29], [sflag:$0x3] =	stream.indirect_vreg.gather [hbm4b:s4+s2], $0x80, v18, vm0, $0x38;
	[tilespmem:$0x18D00] =	vst v63  }
0x27f: {  	v63 =	vperm.xlane v17, v12;
	v18 =	vadd.s32 v2, v62;
	s29 =	simm.s32 $0x14500  }
0x280: {  	[tilespmem:s29], [sflag:$0x3] =	stream.indirect_vreg.gather [hbm4b:s4+s2], $0x80, v19, vm0, $0x38;
	[tilespmem:$0x18D00] =	vst v63  }
0x281: {  	v24 =	vperm.xlane v17, v13;
	v19 =	vadd.s32 v2, v63;
	s29 =	simm.s32 $0x14D00  }
0x282: {  	[tilespmem:s29], [sflag:$0x3] =	stream.indirect_vreg.gather [hbm4b:s4+s2], $0x80, v61, vm0, $0x38;
	[tilespmem:$0x18D00] =	vst v63  }
0x283: {  	v26 =	vperm.xlane v17, v14;
	v25 =	vadd.s32 v2, v24;
	s29 =	simm.s32 $0x15500  }
0x284: {  	[tilespmem:s29], [sflag:$0x3] =	stream.indirect_vreg.gather [hbm4b:s4+s2], $0x80, v18, vm0, $0x38;
	[tilespmem:$0x18D00] =	vst v63  }
0x285: {  	v27 =	vperm.xlane v17, v0;
	v18 =	vadd.s32 v2, v26;
	s29 =	simm.s32 $0x15D00  }
0x286: {  	[tilespmem:s29], [sflag:$0x3] =	stream.indirect_vreg.gather [hbm4b:s4+s2], $0x80, v19, vm0, $0x38;
	[tilespmem:$0x18D00] =	vst v63  }
0x287: {  	v28 =	vperm.xlane v17, v15;
	v19 =	vadd.s32 v2, v27;
	s29 =	simm.s32 $0x16500  }
0x288: {  	[tilespmem:s29], [sflag:$0x3] =	stream.indirect_vreg.gather [hbm4b:s4+s2], $0x80, v25, vm0, $0x38;
	[tilespmem:$0x18D00] =	vst v63  }
0x289: {  	v17 =	vperm.xlane v17, v16;
	v29 =	vadd.s32 v2, v28;
	s29 =	simm.s32 $0x16D00  }
0x28a: {  	[tilespmem:s29], [sflag:$0x3] =	stream.indirect_vreg.gather [hbm4b:s4+s2], $0x80, v18, vm0, $0x38;
	[tilespmem:$0x18D00] =	vst v63  }
0x28b: {  	v17 =	vadd.s32 v2, v17;
	s29 =	simm.s32 $0x17500  }
0x28c: {  	[tilespmem:s29], [sflag:$0x3] =	stream.indirect_vreg.gather [hbm4b:s4+s2], $0x80, v19, vm0, $0x38;
	[tilespmem:$0x18D00] =	vst v63  }
0x28d: {  	s29 =	simm.s32 $0x17D00  }
0x28e: {  	[tilespmem:s29], [sflag:$0x3] =	stream.indirect_vreg.gather [hbm4b:s4+s2], $0x80, v29, vm0, $0x38;
	[tilespmem:$0x18D00] =	vst v63  }
0x28f: {  	s29 =	simm.s32 $0x18500  }
0x290: {  	[tilespmem:s29], [sflag:$0x3] =	stream.indirect_vreg.gather [hbm4b:s4+s2], $0x80, v17, vm0, $0x38;
	[tilespmem:$0x18D00] =	vst v63  }
0x291: {  	_ =	swait.ge [sflag:s0], $0x8000  }
0x292: {  	[sflag:s0] =	ssyncset.done $0x0  }
0x293: {  	s1 =	simm.s32 $0xD00;
	s29 =	rddreg [dreg:$0x10];
	[sflag:s0] =	ssyncadd.s32 $0xFFFF8000  }
0x294: {  	[hbm4b:s29+s9] =	stream.strided.scatter [tilespmem:s1], [sflag:$0x4], $0x8000, s7, s9, $0x38;
	[tilespmem:$0x18D00] =	vst v63  }
0x295: {  	_ =	swait.ge [sflag:s3], $0x8000  }
0x296: {  	[sflag:s3] =	ssyncset.done $0x0  }
0x297: {  	[sflag:s3] =	ssyncadd.s32 $0xFFFF8000  }
0x298: {  	v17 =	vld [tilespmem:$0x880];
	_ =	sdelay $0x4  }
0x299: {  	v17 =	vshll.u32 v17, $0xD  }
0x29a: {  	v18 =	vperm.xlane v17, v1;
	_ =	sdelay $0x1  }
0x29b: {  	v19 =	vperm.xlane v17, v3;
	v18 =	vadd.s32 v2, v18;
	_ =	sdelay $0x1  }
0x29c: {  	v30 =	vperm.xlane v17, v4;
	v19 =	vadd.s32 v2, v19;
	_ =	sdelay $0x1  }
0x29d: {  	v31 =	vperm.xlane v17, v5;
	v20 =	vadd.s32 v2, v30  }
0x29e: {  	[tilespmem:s1], [sflag:$0x1] =	stream.indirect_vreg.gather [hbm4b:s4+s2], $0x80, v18, vm0, $0x38;
	[tilespmem:$0x18D00] =	vst v63  }
0x29f: {  	s21 =	simm.s32 $0x1500;
	v32 =	vperm.xlane v17, v6;
	v18 =	vadd.s32 v2, v31  }
0x2a0: {  	[tilespmem:s21], [sflag:$0x1] =	stream.indirect_vreg.gather [hbm4b:s4+s2], $0x80, v19, vm0, $0x38;
	[tilespmem:$0x18D00] =	vst v63  }
0x2a1: {  	s29 =	simm.s32 $0x1D00;
	v33 =	vperm.xlane v17, v7;
	v19 =	vadd.s32 v2, v32  }
0x2a2: {  	[tilespmem:s29], [sflag:$0x1] =	stream.indirect_vreg.gather [hbm4b:s4+s2], $0x80, v20, vm0, $0x38;
	[tilespmem:$0x18D00] =	vst v63  }
0x2a3: {  	v35 =	vperm.xlane v17, v8;
	v34 =	vadd.s32 v2, v33;
	s29 =	simm.s32 $0x2500  }
0x2a4: {  	[tilespmem:s29], [sflag:$0x1] =	stream.indirect_vreg.gather [hbm4b:s4+s2], $0x80, v18, vm0, $0x38;
	[tilespmem:$0x18D00] =	vst v63  }
0x2a5: {  	v36 =	vperm.xlane v17, v9;
	v18 =	vadd.s32 v2, v35;
	s29 =	simm.s32 $0x2D00  }
0x2a6: {  	[tilespmem:s29], [sflag:$0x1] =	stream.indirect_vreg.gather [hbm4b:s4+s2], $0x80, v19, vm0, $0x38;
	[tilespmem:$0x18D00] =	vst v63  }
0x2a7: {  	s31 =	simm.s32 $0x3500;
	v37 =	vperm.xlane v17, v10;
	v19 =	vadd.s32 v2, v36  }
0x2a8: {  	[tilespmem:s31], [sflag:$0x1] =	stream.indirect_vreg.gather [hbm4b:s4+s2], $0x80, v34, vm0, $0x38;
	[tilespmem:$0x18D00] =	vst v63  }
0x2a9: {  	s23 =	simm.s32 $0x3D00;
	v39 =	vperm.xlane v17, v11;
	v38 =	vadd.s32 v2, v37  }
0x2aa: {  	[tilespmem:s23], [sflag:$0x1] =	stream.indirect_vreg.gather [hbm4b:s4+s2], $0x80, v18, vm0, $0x38;
	[tilespmem:$0x18D00] =	vst v63  }
0x2ab: {  	s22 =	simm.s32 $0x4500;
	v40 =	vperm.xlane v17, v12;
	v18 =	vadd.s32 v2, v39  }
0x2ac: {  	[tilespmem:s22], [sflag:$0x1] =	stream.indirect_vreg.gather [hbm4b:s4+s2], $0x80, v19, vm0, $0x38;
	[tilespmem:$0x18D00] =	vst v63  }
0x2ad: {  	s20 =	simm.s32 $0x4D00;
	v41 =	vperm.xlane v17, v13;
	v19 =	vadd.s32 v2, v40  }
0x2ae: {  	[tilespmem:s20], [sflag:$0x1] =	stream.indirect_vreg.gather [hbm4b:s4+s2], $0x80, v38, vm0, $0x38;
	[tilespmem:$0x18D00] =	vst v63  }
0x2af: {  	v43 =	vperm.xlane v17, v14;
	v42 =	vadd.s32 v2, v41  }
0x2b0: {  	[tilespmem:s5], [sflag:$0x1] =	stream.indirect_vreg.gather [hbm4b:s4+s2], $0x80, v18, vm0, $0x38;
	[tilespmem:$0x18D00] =	vst v63  }
0x2b1: {  	v44 =	vperm.xlane v17, v0;
	v18 =	vadd.s32 v2, v43  }
0x2b2: {  	[tilespmem:s13], [sflag:$0x1] =	stream.indirect_vreg.gather [hbm4b:s4+s2], $0x80, v19, vm0, $0x38;
	[tilespmem:$0x18D00] =	vst v63  }
0x2b3: {  	v45 =	vperm.xlane v17, v15;
	v19 =	vadd.s32 v2, v44  }
0x2b4: {  	[tilespmem:s14], [sflag:$0x1] =	stream.indirect_vreg.gather [hbm4b:s4+s2], $0x80, v42, vm0, $0x38;
	[tilespmem:$0x18D00] =	vst v63  }
0x2b5: {  	v17 =	vperm.xlane v17, v16;
	v46 =	vadd.s32 v2, v45  }
0x2b6: {  	[tilespmem:s17], [sflag:$0x1] =	stream.indirect_vreg.gather [hbm4b:s4+s2], $0x80, v18, vm0, $0x38;
	[tilespmem:$0x18D00] =	vst v63  }
0x2b7: {  	s25 =	simm.s32 $0x7500;
	v17 =	vadd.s32 v2, v17  }
0x2b8: {  	[tilespmem:s25], [sflag:$0x1] =	stream.indirect_vreg.gather [hbm4b:s4+s2], $0x80, v19, vm0, $0x38;
	[tilespmem:$0x18D00] =	vst v63  }
0x2b9: {  	s30 =	simm.s32 $0x7D00  }
0x2ba: {  	[tilespmem:s30], [sflag:$0x1] =	stream.indirect_vreg.gather [hbm4b:s4+s2], $0x80, v46, vm0, $0x38;
	[tilespmem:$0x18D00] =	vst v63  }
0x2bb: {  	s31 =	simm.s32 $0x8500  }
0x2bc: {  	[tilespmem:s31], [sflag:$0x1] =	stream.indirect_vreg.gather [hbm4b:s4+s2], $0x80, v17, vm0, $0x38;
	[tilespmem:$0x18D00] =	vst v63  }
0x2bd: {  	_ =	swait.ge [sflag:s26], $0x8000  }
0x2be: {  	[sflag:s26] =	ssyncset.done $0x0  }
0x2bf: {  	s5 =	rddreg [dreg:$0x11];
	[sflag:s26] =	ssyncadd.s32 $0xFFFF8000  }
0x2c0: {  	[hbm4b:s5+s9] =	stream.strided.scatter [tilespmem:s24], [sflag:$0x5], $0x8000, s7, s9, $0x38;
	[tilespmem:$0x18D00] =	vst v63  }
0x2c1: {  	_ =	swait.ge [sflag:s28], $0x8000  }
0x2c2: {  	[sflag:s28] =	ssyncset.done $0x0  }
0x2c3: {  	[sflag:s28] =	ssyncadd.s32 $0xFFFF8000  }
0x2c4: {  	v17 =	vld [tilespmem:$0x900];
	_ =	sdelay $0x4  }
0x2c5: {  	v17 =	vshll.u32 v17, $0xD  }
0x2c6: {  	v18 =	vperm.xlane v17, v1;
	_ =	sdelay $0x1  }
0x2c7: {  	v19 =	vperm.xlane v17, v3;
	v18 =	vadd.s32 v2, v18;
	_ =	sdelay $0x1  }
0x2c8: {  	v47 =	vperm.xlane v17, v4;
	v19 =	vadd.s32 v2, v19;
	_ =	sdelay $0x1  }
0x2c9: {  	v48 =	vperm.xlane v17, v5;
	v20 =	vadd.s32 v2, v47  }
0x2ca: {  	[tilespmem:s24], [sflag:$0x2] =	stream.indirect_vreg.gather [hbm4b:s4+s2], $0x80, v18, vm0, $0x38;
	[tilespmem:$0x18D00] =	vst v63  }
0x2cb: {  	s11 =	simm.s32 $0x9500;
	v49 =	vperm.xlane v17, v6;
	v18 =	vadd.s32 v2, v48  }
0x2cc: {  	[tilespmem:s11], [sflag:$0x2] =	stream.indirect_vreg.gather [hbm4b:s4+s2], $0x80, v19, vm0, $0x38;
	[tilespmem:$0x18D00] =	vst v63  }
0x2cd: {  	s12 =	simm.s32 $0x9D00;
	v50 =	vperm.xlane v17, v7;
	v19 =	vadd.s32 v2, v49  }
0x2ce: {  	[tilespmem:s12], [sflag:$0x2] =	stream.indirect_vreg.gather [hbm4b:s4+s2], $0x80, v20, vm0, $0x38;
	[tilespmem:$0x18D00] =	vst v63  }
0x2cf: {  	s15 =	simm.s32 $0xA500;
	v52 =	vperm.xlane v17, v8;
	v51 =	vadd.s32 v2, v50  }
0x2d0: {  	[tilespmem:s15], [sflag:$0x2] =	stream.indirect_vreg.gather [hbm4b:s4+s2], $0x80, v18, vm0, $0x38;
	[tilespmem:$0x18D00] =	vst v63  }
0x2d1: {  	s16 =	simm.s32 $0xAD00;
	v53 =	vperm.xlane v17, v9;
	v18 =	vadd.s32 v2, v52  }
0x2d2: {  	[tilespmem:s16], [sflag:$0x2] =	stream.indirect_vreg.gather [hbm4b:s4+s2], $0x80, v19, vm0, $0x38;
	[tilespmem:$0x18D00] =	vst v63  }
0x2d3: {  	s19 =	simm.s32 $0xB500;
	v54 =	vperm.xlane v17, v10;
	v19 =	vadd.s32 v2, v53  }
0x2d4: {  	[tilespmem:s19], [sflag:$0x2] =	stream.indirect_vreg.gather [hbm4b:s4+s2], $0x80, v51, vm0, $0x38;
	[tilespmem:$0x18D00] =	vst v63  }
0x2d5: {  	s10 =	simm.s32 $0xBD00;
	v56 =	vperm.xlane v17, v11;
	v55 =	vadd.s32 v2, v54  }
0x2d6: {  	[tilespmem:s10], [sflag:$0x2] =	stream.indirect_vreg.gather [hbm4b:s4+s2], $0x80, v18, vm0, $0x38;
	[tilespmem:$0x18D00] =	vst v63  }
0x2d7: {  	s13 =	simm.s32 $0xC500;
	v57 =	vperm.xlane v17, v12;
	v18 =	vadd.s32 v2, v56  }
0x2d8: {  	[tilespmem:s13], [sflag:$0x2] =	stream.indirect_vreg.gather [hbm4b:s4+s2], $0x80, v19, vm0, $0x38;
	[tilespmem:$0x18D00] =	vst v63  }
0x2d9: {  	s14 =	simm.s32 $0xCD00;
	v58 =	vperm.xlane v17, v13;
	v19 =	vadd.s32 v2, v57  }
0x2da: {  	[tilespmem:s14], [sflag:$0x2] =	stream.indirect_vreg.gather [hbm4b:s4+s2], $0x80, v55, vm0, $0x38;
	[tilespmem:$0x18D00] =	vst v63  }
0x2db: {  	v60 =	vperm.xlane v17, v14;
	v59 =	vadd.s32 v2, v58;
	s15 =	simm.s32 $0xD500  }
0x2dc: {  	[tilespmem:s15], [sflag:$0x2] =	stream.indirect_vreg.gather [hbm4b:s4+s2], $0x80, v18, vm0, $0x38;
	[tilespmem:$0x18D00] =	vst v63  }
0x2dd: {  	v61 =	vperm.xlane v17, v0;
	s16 =	simm.s32 $0xDD00;
	v18 =	vadd.s32 v2, v60  }
0x2de: {  	[tilespmem:s16], [sflag:$0x2] =	stream.indirect_vreg.gather [hbm4b:s4+s2], $0x80, v19, vm0, $0x38;
	[tilespmem:$0x18D00] =	vst v63  }
0x2df: {  	s17 =	simm.s32 $0xE500;
	v62 =	vperm.xlane v17, v15;
	v19 =	vadd.s32 v2, v61  }
0x2e0: {  	[tilespmem:s17], [sflag:$0x2] =	stream.indirect_vreg.gather [hbm4b:s4+s2], $0x80, v59, vm0, $0x38;
	[tilespmem:$0x18D00] =	vst v63  }
0x2e1: {  	v17 =	vperm.xlane v17, v16;
	v63 =	vadd.s32 v2, v62;
	s19 =	simm.s32 $0xED00  }
0x2e2: {  	[tilespmem:s19], [sflag:$0x2] =	stream.indirect_vreg.gather [hbm4b:s4+s2], $0x80, v18, vm0, $0x38;
	[tilespmem:$0x18D00] =	vst v63  }
0x2e3: {  	s20 =	simm.s32 $0xF500;
	v17 =	vadd.s32 v2, v17  }
0x2e4: {  	[tilespmem:s20], [sflag:$0x2] =	stream.indirect_vreg.gather [hbm4b:s4+s2], $0x80, v19, vm0, $0x38;
	[tilespmem:$0x18D00] =	vst v63  }
0x2e5: {  	s21 =	simm.s32 $0xFD00  }
0x2e6: {  	[tilespmem:s21], [sflag:$0x2] =	stream.indirect_vreg.gather [hbm4b:s4+s2], $0x80, v63, vm0, $0x38;
	[tilespmem:$0x18D00] =	vst v63  }
0x2e7: {  	s22 =	simm.s32 $0x10500  }
0x2e8: {  	[tilespmem:s22], [sflag:$0x2] =	stream.indirect_vreg.gather [hbm4b:s4+s2], $0x80, v17, vm0, $0x38;
	[tilespmem:$0x18D00] =	vst v63  }
0x2e9: {  	_ =	swait.ge [sflag:s8], $0x8000  }
0x2ea: {  	[sflag:s8] =	ssyncset.done $0x0  }
0x2eb: {  	s18 =	simm.s32 $0x10D00;
	s23 =	rddreg [dreg:$0x12];
	[sflag:s8] =	ssyncadd.s32 $0xFFFF8000  }
0x2ec: {  	[hbm4b:s23+s9] =	stream.strided.scatter [tilespmem:s18], [sflag:$0x6], $0x8000, s7, s9, $0x38;
	[tilespmem:$0x18D00] =	vst v63  }
0x2ed: {  	_ =	swait.ge [sflag:s0], $0x8000  }
0x2ee: {  	[sflag:s0] =	ssyncset.done $0x0  }
0x2ef: {  	s1 =	simm.s32 $0xD00;
	s25 =	rddreg [dreg:$0x13];
	[sflag:s0] =	ssyncadd.s32 $0xFFFF8000  }
0x2f0: {  	[hbm4b:s25+s9] =	stream.strided.scatter [tilespmem:s1], [sflag:$0x4], $0x8000, s7, s9, $0x38;
	[tilespmem:$0x18D00] =	vst v63  }
0x2f1: {  	_ =	swait.ge [sflag:s26], $0x8000  }
0x2f2: {  	[sflag:s26] =	ssyncset.done $0x0  }
0x2f3: {  	s30 =	rddreg [dreg:$0x14];
	[sflag:s26] =	ssyncadd.s32 $0xFFFF8000  }
0x2f4: {  	[hbm4b:s30+s9] =	stream.strided.scatter [tilespmem:s24], [sflag:$0x5], $0x8000, s7, s9, $0x38;
	[tilespmem:$0x18D00] =	vst v63  }
0x2f5: {  	s31 =	rddreg [dreg:$0x16];
	_ =	swait.ge [sflag:s6], $0x8000  }
0x2f6: {  	[sflag:s6] =	ssyncset.done $0x0  }
0x2f7: {  	[sflag:s6] =	ssyncadd.s32 $0xFFFF8000  }
0x2f8: {  	p0 =	sne.s32 s31, $0x1;
	_ =	swait.ge [sflag:s3], $0x8000  }
.Ltmp0:
0x2f9: {  	[sflag:s3] =	ssyncset.done $0x0;
	(pc) =	sbr.rel @p0 .LBB2_1-.Ltmp0, $4  }
0x2fa: {  	[sflag:s3] =	ssyncadd.s32 $0xFFFF8000  }
0x2fb: {  	_ =	swait.ge [sflag:s28], $0x8000  }
0x2fc: {  	[sflag:s28] =	ssyncset.done $0x0  }
0x2fd: {  	s5 =	sadd.s32 $0xFFFFFFFF, s31;
	[sflag:s28] =	ssyncadd.s32 $0xFFFF8000  }
0x2fe: {  	_ =	sfence.sel $0x180000  }
0x2ff: {  	[bflag:$0x0] =	sbarrier.arrive $0xFFFF  }
0x300: {  	_ =	strace $0x90000047  }
0x301: {  	s0 =	stileid.u32;
	[bflag:$0x2] =	sbarrier.arrive $0xFFFF  }
0x302: {  	p0 =	sne.s32 s0, $0x0;
	s0 =	rddreg [dreg:$0x3]  }
0x303: {  	s0 =	sadd.s32 @!p0 $0x100000, s0  }
0x304: {  	[sflag:s0] =	ssyncadd.tile.s32 @!p0 $0x1;
	_ =	shalt  }
.Lfunc_end2:
_tile_overlayer_lowered:
.L_overlay_start_2:
0x305: {  	(tag) =	ssettag $0x2  }
0x306: {  	s0 =	rddreg [dreg:$0x0];
	s2 =	stileid.u32  }
0x307: {  	s1 =	rddreg [dreg:$0x1];
	p0 =	sne.s32 s2, $0x0  }
0x308: {  	s3 =	rddreg [dreg:$0x2];
	[bflag:$0x3] =	sbarrier.arrive $0xFFFF;
	s2 =	simm.s32 @!p0 $0x1C07  }
0x309: {  	[timem:s3], [sflag:s2] =	dma.local @!p0 [hbm:s0], s1  }
0x30a: {  	s0 =	simm.s32 @!p0 $0x7  }
0x30b: {  	_ =	swait.ge @!p0 [sflag:s0], s1  }
0x30c: {  	s1 =	ssub.s32 @!p0 $0x0, s1;
	[sflag:s0] =	ssyncset.done @!p0 $0x0  }
0x30d: {  	[sflag:s0] =	ssyncadd.s32 @!p0 s1  }
0x30e: {  	[bflag:$0x3] =	sbarrier.arrive $0xFFFF  }
0x30f: {  	_ =	shalt  }

</sc_bundles>
